<compile_context>
chip_gen: v7x
topology: tpu7x:2x2x1
jax: 0.10.2.dev20260603
libtpu: 0.0.44.dev20260713+nightly
codegen_flags: <defaults>
</compile_context>

<pallas_src>
import functools

import jax
import jax.numpy as jnp
from jax import lax
from jax.experimental import pallas as pl
from jax.experimental.pallas import tpu as pltpu
from jax.experimental.pallas import tpu_sc as plsc

NC = 2
NS = 16
NW = NC * NS
CHUNK = 128
NBUF = 4
LANES = 16


def _phase(wid, vals_hbm, offs_hbm, tab_hbm, out_hbm,
           offs_v, idx_v, rows_v, out_l, gsem, seg_w, D):
    lo = wid * seg_w
    nsub = D // LANES
    off_stage = offs_v.shape[0]

    pltpu.sync_copy(offs_hbm.at[pl.ds(lo, off_stage)], offs_v)

    def off_at(i):
        return offs_v[pl.ds(i, LANES)][0]

    def seg_of(x):
        def step(_, c):
            lo_i, hi_i = c
            active = lo_i < hi_i
            mid = jnp.minimum((lo_i + hi_i) // 2, seg_w)
            gt = off_at(mid) > x
            new_lo = jnp.where(gt, lo_i, mid + 1)
            new_hi = jnp.where(gt, mid, hi_i)
            return (jnp.where(active, new_lo, lo_i),
                    jnp.where(active, new_hi, hi_i))
        ub, _ = lax.fori_loop(0, 8, step,
                              (jnp.int32(0), jnp.int32(seg_w + 1)))
        return ub - 1

    def _zero(i, _):
        for k in range(nsub):
            out_l[i, pl.ds(k * LANES, LANES)] = jnp.zeros((LANES,),
                                                          jnp.float32)
        return 0
    lax.fori_loop(0, seg_w, _zero, 0)

    vs = off_at(0)
    ve = off_at(seg_w)
    c_lo = vs // CHUNK
    n = (ve + CHUNK - 1) // CHUNK - c_lo

    def stage_and_fire(c, slot):
        src = pl.multiple_of(c * CHUNK, CHUNK)
        pltpu.sync_copy(vals_hbm.at[pl.ds(src, CHUNK)], idx_v.at[slot])
        pltpu.make_async_copy(tab_hbm.at[idx_v.at[slot]], rows_v.at[slot],
                              gsem.at[slot]).start()

    def _prologue(i, _):
        stage_and_fire(c_lo + i, i)
        return 0
    lax.fori_loop(0, jnp.minimum(n, NBUF), _prologue, 0)

    def chunk_body(i, carry):
        c = c_lo + i
        slot = lax.rem(i, NBUF)
        pltpu.make_async_copy(tab_hbm.at[idx_v.at[slot]], rows_v.at[slot],
                              gsem.at[slot]).wait()

        base = c * CHUNK
        lo0 = jnp.maximum(base, vs)
        hi0 = jnp.minimum(base + CHUNK, ve)
        b0 = seg_of(lo0)
        b1 = seg_of(hi0 - 1)

        def seg_body(b, _):
            jlo = jnp.maximum(off_at(b), lo0) - base
            jhi = jnp.minimum(off_at(b + 1), hi0) - base

            def row_body(j, accs):
                return tuple(
                    a + rows_v[slot, j, pl.ds(k * LANES, LANES)]
                    for k, a in enumerate(accs))
            accs = lax.fori_loop(
                jlo, jhi, row_body,
                tuple(jnp.zeros((LANES,), jnp.float32)
                      for _ in range(nsub)))
            for k in range(nsub):
                sl = pl.ds(k * LANES, LANES)
                out_l[b, sl] = out_l[b, sl] + accs[k]
            return 0
        lax.fori_loop(b0, b1 + 1, seg_body, 0)

        @pl.when(i + NBUF < n)
        def _():
            stage_and_fire(c + NBUF, slot)
        return carry

    lax.fori_loop(0, n, chunk_body, 0)

    pltpu.sync_copy(out_l, out_hbm.at[pl.ds(lo, seg_w)])


def _make_sc_kernel(B, D0, D1, off_stage):
    seg_w = B // NW

    @functools.partial(
        pl.kernel,
        mesh=plsc.VectorSubcoreMesh(core_axis_name="c", subcore_axis_name="s"),
        compiler_params=pltpu.CompilerParams(use_tc_tiling_on_sc=False),
        out_type=[
            jax.ShapeDtypeStruct((B, D0), jnp.float32),
            jax.ShapeDtypeStruct((B, D1), jnp.float32),
        ],
        scratch_types=[
            pltpu.VMEM((off_stage,), jnp.int32),
            pltpu.VMEM((NBUF, CHUNK), jnp.int32),
            pltpu.VMEM((NBUF, CHUNK, D0), jnp.float32),
            pltpu.VMEM((NBUF, CHUNK, D1), jnp.float32),
            pltpu.VMEM((seg_w, D0), jnp.float32),
            pltpu.VMEM((seg_w, D1), jnp.float32),
            pltpu.SemaphoreType.DMA((NBUF,)),
        ],
    )
    def sc_kernel(vals0, offs0, vals1, offs1, tab0, tab1, out0, out1,
                  offs_v, idx_v, rows0_v, rows1_v, out0_l, out1_l, gsem):
        cid = lax.axis_index("c")
        sid = lax.axis_index("s")
        wid = sid * NC + cid
        _phase(wid, vals0, offs0, tab0, out0,
               offs_v, idx_v, rows0_v, out0_l, gsem, seg_w, D0)
        _phase(wid, vals1, offs1, tab1, out1,
               offs_v, idx_v, rows1_v, out1_l, gsem, seg_w, D1)

    return sc_kernel


def kernel(values0, offsets0, values1, offsets1, table0, table1):
    T = values0.shape[0]
    B = offsets0.shape[0] - 1
    D0 = table0.shape[1]
    D1 = table1.shape[1]
    assert B % NW == 0 and T % CHUNK == 0

    seg_w = B // NW
    stage = ((seg_w + 1 + LANES + 7) // 8) * 8
    off_pad = (NW - 1) * seg_w + stage
    pad = off_pad - (B + 1)
    offs0p = jnp.pad(offsets0, (0, pad), constant_values=T)
    offs1p = jnp.pad(offsets1, (0, pad), constant_values=T)

    scale = (offsets0[0] + 1).astype(jnp.float32)
    t0p = table0 * scale
    t1p = table1 * scale

    f = _make_sc_kernel(B, D0, D1, stage)
    out0, out1 = f(values0, offs0p, values1, offs1p, t0p, t1p)
    return (out0, out1)

# --- scband reference (transcript-rebuilt; emitter-appended) ---
"""Pipeline reference for scband-combine-jagged-embedding-8358006358636 (READ-ONLY COPY).

The authoritative reference and input builder live on the scoring server;
editing this copy changes nothing except your own understanding.
"""

import jax, jax.numpy as jnp
import numpy as np

B = 4096
T = 204800
VOCAB0, DIM0 = 1000000, 64
VOCAB1, DIM1 = 100000, 32


def _make_offsets(key, batch, total):
    off = jnp.sort(jax.random.randint(key, (batch + 1,), 0, total + 1, dtype=jnp.int32))
    off = off.at[0].set(0).at[-1].set(total)
    return off


def setup_inputs(seed: int = 0) -> dict:
    key = jax.random.key(seed)
    k0, k1, k2, k3, k4, k5 = jax.random.split(key, 6)
    values0 = jax.random.randint(k0, (T,), 0, VOCAB0, dtype=jnp.int32)
    offsets0 = _make_offsets(k1, B, T)
    values1 = jax.random.randint(k2, (T,), 0, VOCAB1, dtype=jnp.int32)
    offsets1 = _make_offsets(k3, B, T)
    table0 = jax.random.normal(k4, (VOCAB0, DIM0), dtype=jnp.float32) * 0.01
    table1 = jax.random.normal(k5, (VOCAB1, DIM1), dtype=jnp.float32) * 0.01
    return {"values0": values0, "offsets0": offsets0,
            "values1": values1, "offsets1": offsets1,
            "table0": table0, "table1": table1}


def _jagged_sum(table, values, offsets, patch_value):
    # embedding gather
    emb = jnp.take(table, values, axis=0)
    n = values.shape[0]
    num_segments = offsets.shape[0] - 1
    # segment id for each value row from offsets
    seg = jnp.searchsorted(offsets, jnp.arange(n, dtype=offsets.dtype), side="right") - 1
    seg = jnp.clip(seg, 0, num_segments - 1)
    out = jax.ops.segment_sum(emb, seg, num_segments=num_segments)
    # patch empty bags with patch_value (matches JaggedEmbeddingSumFunction patch semantics)
    lengths = offsets[1:] - offsets[:-1]
    out = jnp.where((lengths == 0)[:, None], jnp.float32(patch_value), out)
    return out


def reference(values0, offsets0, values1, offsets1, table0, table1):
    out0 = _jagged_sum(table0, values0, offsets0, 0.0)  # mode='sum', patch=0.0
    out1 = _jagged_sum(table1, values1, offsets1, 0.0)  # mode='sum', patch=0.0
    return (out0, out1)

if __name__ == "__main__":
    import jax
    _d = setup_inputs()
    print(jax.jit(kernel)(*tuple(_d.values())))

</pallas_src>

<mosaic_0001>
#map = affine_map<(d0, d1) -> (0)>
#map1 = affine_map<(d0, d1) -> (0, 0)>
module attributes {stable_mosaic.version = 14 : i64} {
  func.func @sc_kernel(%arg0: i32, %arg1: i32, %arg2: memref<204800xi32, #tpu.memory_space<hbm>>, %arg3: memref<4120xi32, #tpu.memory_space<hbm>>, %arg4: memref<204800xi32, #tpu.memory_space<hbm>>, %arg5: memref<4120xi32, #tpu.memory_space<hbm>>, %arg6: memref<1000000x64xf32, #tpu.memory_space<hbm>>, %arg7: memref<100000x32xf32, #tpu.memory_space<hbm>>, %arg8: memref<4096x64xf32, #tpu.memory_space<hbm>>, %arg9: memref<4096x32xf32, #tpu.memory_space<hbm>>, %arg10: memref<152xi32, #tpu.memory_space<vmem>>, %arg11: memref<4x128xi32, #tpu.memory_space<vmem>>, %arg12: memref<4x128x64xf32, #tpu.memory_space<vmem>>, %arg13: memref<4x128x32xf32, #tpu.memory_space<vmem>>, %arg14: memref<128x64xf32, #tpu.memory_space<vmem>>, %arg15: memref<128x32xf32, #tpu.memory_space<vmem>>, %arg16: memref<4x!tpu.dma_semaphore, #tpu.memory_space<semaphore_mem>>) attributes {dimension_semantics = [#tpu.dimension_semantics<core_parallel>, #tpu.dimension_semantics<subcore_parallel>], iteration_bounds = array<i64: 2, 16>, scalar_prefetch = 0 : i64, scratch_operands = 7 : i64, tpu.core_type = #tpu.core_type<sc_vector_subcore>, window_params = [{transform_indices = #map}, {transform_indices = #map}, {transform_indices = #map}, {transform_indices = #map}, {transform_indices = #map1}, {transform_indices = #map1}, {transform_indices = #map1}, {transform_indices = #map1}]} {
    %mul3A = arith.constant 2 : i32
    %mul3A_0 = arith.muli %arg1, %mul3A : i32
    %add3A = arith.addi %mul3A_0, %arg0 : i32
    %mul3A_1 = arith.constant 128 : i32
    %mul3A_2 = arith.muli %add3A, %mul3A_1 : i32
    "tpu.region"() ({
      %run_scoped3A = tpu.sem_alloc : memref<!tpu.dma_semaphore, #tpu.memory_space<semaphore_mem>>
      %dma_start3A = tpu.memref_slice %arg3[%mul3A_2] : memref<4120xi32, #tpu.memory_space<hbm>> -> memref<152xi32, #tpu.memory_space<hbm>>
      %dma_start3A_179 = tpu.memref_slice %arg3[%mul3A_2] : memref<4120xi32, #tpu.memory_space<hbm>> -> memref<152xi32, #tpu.memory_space<hbm>>
      tpu.enqueue_dma source(%dma_start3A_179 : memref<152xi32, #tpu.memory_space<hbm>>) target(%arg10 : memref<152xi32, #tpu.memory_space<vmem>>) target_semaphore(%run_scoped3A : memref<!tpu.dma_semaphore, #tpu.memory_space<semaphore_mem>>)
      %dma_wait3A = tpu.memref_slice %arg3[%mul3A_2] : memref<4120xi32, #tpu.memory_space<hbm>> -> memref<152xi32, #tpu.memory_space<hbm>>
      %dma_wait3A_180 = tpu.memref_slice %arg3[%mul3A_2] : memref<4120xi32, #tpu.memory_space<hbm>> -> memref<152xi32, #tpu.memory_space<hbm>>
      tpu.wait_dma2 semaphore(%run_scoped3A : memref<!tpu.dma_semaphore, #tpu.memory_space<semaphore_mem>>) src(%dma_wait3A_180 : memref<152xi32, #tpu.memory_space<hbm>>) dst(%arg10 : memref<152xi32, #tpu.memory_space<vmem>>)
      tpu.yield
    }) : () -> ()
    %scan3A = arith.constant 0 : i32
    %scan3A_3 = arith.constant 0 : i32
    %scan3A_4 = arith.constant 128 : i32
    %scan3A_5 = arith.addi %scan3A_3, %scan3A_4 : i32
    %scan3A_6 = arith.constant 1 : i32
    %scan3A_7 = scf.for %scan3A_179 = %scan3A_3 to %scan3A_5 step %scan3A_6 iter_args(%scan3A_180 = %scan3A) -> (i32)  : i32 {
      %broadcast_in_dim3A = arith.constant 0.000000e+00 : f32
      %broadcast_in_dim3A_181 = vector.broadcast %broadcast_in_dim3A : f32 to vector<16xf32>
      %swap3A = arith.index_cast %scan3A_179 : i32 to index
      %swap3A_182 = arith.constant 0 : index
      %swap3A_183 = tpu.vector_load %arg14[%swap3A, %swap3A_182] {strides = array<i32>} : memref<128x64xf32, #tpu.memory_space<vmem>>, vector<1x16xf32>,
      %swap3A_184 = vector.shape_cast %swap3A_183 : vector<1x16xf32> to vector<16xf32>
      %swap3A_185 = vector.shape_cast %broadcast_in_dim3A_181 : vector<16xf32> to vector<1x16xf32>
      tpu.vector_store %arg14[%swap3A, %swap3A_182], %swap3A_185 {strides = array<i32>} : memref<128x64xf32, #tpu.memory_space<vmem>>, vector<1x16xf32>,
      %broadcast_in_dim3A_186 = arith.constant 0.000000e+00 : f32
      %broadcast_in_dim3A_187 = vector.broadcast %broadcast_in_dim3A_186 : f32 to vector<16xf32>
      %swap3A_188 = arith.index_cast %scan3A_179 : i32 to index
      %swap3A_189 = arith.constant 16 : index
      %swap3A_190 = tpu.vector_load %arg14[%swap3A_188, %swap3A_189] {strides = array<i32>} : memref<128x64xf32, #tpu.memory_space<vmem>>, vector<1x16xf32>,
      %swap3A_191 = vector.shape_cast %swap3A_190 : vector<1x16xf32> to vector<16xf32>
      %swap3A_192 = vector.shape_cast %broadcast_in_dim3A_187 : vector<16xf32> to vector<1x16xf32>
      tpu.vector_store %arg14[%swap3A_188, %swap3A_189], %swap3A_192 {strides = array<i32>} : memref<128x64xf32, #tpu.memory_space<vmem>>, vector<1x16xf32>,
      %broadcast_in_dim3A_193 = arith.constant 0.000000e+00 : f32
      %broadcast_in_dim3A_194 = vector.broadcast %broadcast_in_dim3A_193 : f32 to vector<16xf32>
      %swap3A_195 = arith.index_cast %scan3A_179 : i32 to index
      %swap3A_196 = arith.constant 32 : index
      %swap3A_197 = tpu.vector_load %arg14[%swap3A_195, %swap3A_196] {strides = array<i32>} : memref<128x64xf32, #tpu.memory_space<vmem>>, vector<1x16xf32>,
      %swap3A_198 = vector.shape_cast %swap3A_197 : vector<1x16xf32> to vector<16xf32>
      %swap3A_199 = vector.shape_cast %broadcast_in_dim3A_194 : vector<16xf32> to vector<1x16xf32>
      tpu.vector_store %arg14[%swap3A_195, %swap3A_196], %swap3A_199 {strides = array<i32>} : memref<128x64xf32, #tpu.memory_space<vmem>>, vector<1x16xf32>,
      %broadcast_in_dim3A_200 = arith.constant 0.000000e+00 : f32
      %broadcast_in_dim3A_201 = vector.broadcast %broadcast_in_dim3A_200 : f32 to vector<16xf32>
      %swap3A_202 = arith.index_cast %scan3A_179 : i32 to index
      %swap3A_203 = arith.constant 48 : index
      %swap3A_204 = tpu.vector_load %arg14[%swap3A_202, %swap3A_203] {strides = array<i32>} : memref<128x64xf32, #tpu.memory_space<vmem>>, vector<1x16xf32>,
      %swap3A_205 = vector.shape_cast %swap3A_204 : vector<1x16xf32> to vector<16xf32>
      %swap3A_206 = vector.shape_cast %broadcast_in_dim3A_201 : vector<16xf32> to vector<1x16xf32>
      tpu.vector_store %arg14[%swap3A_202, %swap3A_203], %swap3A_206 {strides = array<i32>} : memref<128x64xf32, #tpu.memory_space<vmem>>, vector<1x16xf32>,
      %scan3A_207 = arith.constant 0 : i32
      scf.yield %scan3A_207 : i32
    }
    %scan3A_8 = arith.constant 128 : i32
    %get3A = arith.constant 0 : index
    %get3A_9 = tpu.vector_load %arg10[%get3A] {strides = array<i32>} : memref<152xi32, #tpu.memory_space<vmem>>, vector<16xi32>,
    %get3A_10 = vector.shape_cast %get3A_9 : vector<16xi32> to vector<16xi32>
    %slice3A = vector.extract_strided_slice %get3A_10 {offsets = [0], sizes = [1], strides = [1]} : vector<16xi32> to vector<1xi32>
    %squeeze3A = vector.extract %slice3A[0] : i32 from vector<1xi32>
    %get3A_11 = arith.constant 128 : index
    %get3A_12 = tpu.vector_load %arg10[%get3A_11] {strides = array<i32>} : memref<152xi32, #tpu.memory_space<vmem>>, vector<16xi32>,
    %get3A_13 = vector.shape_cast %get3A_12 : vector<16xi32> to vector<16xi32>
    %slice3A_14 = vector.extract_strided_slice %get3A_13 {offsets = [0], sizes = [1], strides = [1]} : vector<16xi32> to vector<1xi32>
    %squeeze3A_15 = vector.extract %slice3A_14[0] : i32 from vector<1xi32>
    %jit3A = arith.constant 128 : i32
    %div3A = arith.divsi %squeeze3A, %jit3A : i32
    %sign3A = arith.constant 0 : i32
    %sign3A_16 = arith.cmpi sgt, %squeeze3A, %sign3A : i32
    %sign3A_17 = arith.extui %sign3A_16 : i1 to i32
    %sign3A_18 = arith.constant 0 : i32
    %sign3A_19 = arith.cmpi slt, %squeeze3A, %sign3A_18 : i32
    %sign3A_20 = arith.extui %sign3A_19 : i1 to i32
    %sign3A_21 = arith.subi %sign3A_17, %sign3A_20 : i32
    %sign3A_22 = arith.constant 0 : i32
    %sign3A_23 = arith.cmpi sgt, %jit3A, %sign3A_22 : i32
    %sign3A_24 = arith.extui %sign3A_23 : i1 to i32
    %sign3A_25 = arith.constant 0 : i32
    %sign3A_26 = arith.cmpi slt, %jit3A, %sign3A_25 : i32
    %sign3A_27 = arith.extui %sign3A_26 : i1 to i32
    %sign3A_28 = arith.subi %sign3A_24, %sign3A_27 : i32
    %ne3A = arith.cmpi ne, %sign3A_21, %sign3A_28 : i32
    %rem3A = arith.remsi %squeeze3A, %jit3A : i32
    %ne3A_29 = arith.constant 0 : i32
    %ne3A_30 = arith.cmpi ne, %rem3A, %ne3A_29 : i32
    %and3A = arith.andi %ne3A, %ne3A_30 : i1
    %sub3A = arith.constant 1 : i32
    %sub3A_31 = arith.subi %div3A, %sub3A : i32
    %select_n3A = arith.select %and3A, %sub3A_31, %div3A : i32
    %add3A_32 = arith.constant 128 : i32
    %add3A_33 = arith.addi %squeeze3A_15, %add3A_32 : i32
    %sub3A_34 = arith.constant 1 : i32
    %sub3A_35 = arith.subi %add3A_33, %sub3A_34 : i32
    %jit3A_36 = arith.constant 128 : i32
    %div3A_37 = arith.divsi %sub3A_35, %jit3A_36 : i32
    %sign3A_38 = arith.constant 0 : i32
    %sign3A_39 = arith.cmpi sgt, %sub3A_35, %sign3A_38 : i32
    %sign3A_40 = arith.extui %sign3A_39 : i1 to i32
    %sign3A_41 = arith.constant 0 : i32
    %sign3A_42 = arith.cmpi slt, %sub3A_35, %sign3A_41 : i32
    %sign3A_43 = arith.extui %sign3A_42 : i1 to i32
    %sign3A_44 = arith.subi %sign3A_40, %sign3A_43 : i32
    %sign3A_45 = arith.constant 0 : i32
    %sign3A_46 = arith.cmpi sgt, %jit3A_36, %sign3A_45 : i32
    %sign3A_47 = arith.extui %sign3A_46 : i1 to i32
    %sign3A_48 = arith.constant 0 : i32
    %sign3A_49 = arith.cmpi slt, %jit3A_36, %sign3A_48 : i32
    %sign3A_50 = arith.extui %sign3A_49 : i1 to i32
    %sign3A_51 = arith.subi %sign3A_47, %sign3A_50 : i32
    %ne3A_52 = arith.cmpi ne, %sign3A_44, %sign3A_51 : i32
    %rem3A_53 = arith.remsi %sub3A_35, %jit3A_36 : i32
    %ne3A_54 = arith.constant 0 : i32
    %ne3A_55 = arith.cmpi ne, %rem3A_53, %ne3A_54 : i32
    %and3A_56 = arith.andi %ne3A_52, %ne3A_55 : i1
    %sub3A_57 = arith.constant 1 : i32
    %sub3A_58 = arith.subi %div3A_37, %sub3A_57 : i32
    %select_n3A_59 = arith.select %and3A_56, %sub3A_58, %div3A_37 : i32
    %sub3A_60 = arith.subi %select_n3A_59, %select_n3A : i32
    %min3A = arith.constant 4 : i32
    %min3A_61 = arith.minsi %sub3A_60, %min3A : i32
    %while3A = arith.constant 0 : i32
    %while3A_62 = arith.constant 0 : i32
    %while3A_63 = arith.subi %min3A_61, %while3A : i32
    %while3A_64 = arith.addi %while3A, %while3A_63 : i32
    %while3A_65 = arith.constant 1 : i32
    %while3A_66 = arith.divsi %while3A_63, %while3A_65 : i32
    %while3A_67 = arith.muli %while3A_66, %while3A_65 : i32
    %while3A_68 = arith.addi %while3A, %while3A_67 : i32
    %while3A_69 = arith.constant 1 : i32
    %while3A_70 = scf.for %while3A_179 = %while3A to %while3A_68 step %while3A_69 iter_args(%while3A_180 = %while3A_62) -> (i32)  : i32 {
      %add3A_181 = arith.addi %select_n3A, %while3A_179 : i32
      %mul3A_182 = arith.constant 128 : i32
      %mul3A_183 = arith.muli %add3A_181, %mul3A_182 : i32
      %multiple_of3A = tpu.assume_multiple %mul3A_183, 128 : i32
      "tpu.region"() ({
        %run_scoped3A = tpu.sem_alloc : memref<!tpu.dma_semaphore, #tpu.memory_space<semaphore_mem>>
        %dma_start3A_196 = arith.constant 0 : i32
        %dma_start3A_197 = tpu.memref_slice %arg11[%while3A_179, %dma_start3A_196] : memref<4x128xi32, #tpu.memory_space<vmem>> -> memref<1x128xi32, #tpu.memory_space<vmem>>
        %dma_start3A_198 = tpu.memref_squeeze %dma_start3A_197 : memref<1x128xi32, #tpu.memory_space<vmem>> -> memref<128xi32, #tpu.memory_space<vmem>>
        %dma_start3A_199 = tpu.memref_slice %arg2[%multiple_of3A] : memref<204800xi32, #tpu.memory_space<hbm>> -> memref<128xi32, #tpu.memory_space<hbm>>
        %dma_start3A_200 = arith.constant 0 : i32
        %dma_start3A_201 = tpu.memref_slice %arg11[%while3A_179, %dma_start3A_200] : memref<4x128xi32, #tpu.memory_space<vmem>> -> memref<1x128xi32, #tpu.memory_space<vmem>>
        %dma_start3A_202 = tpu.memref_squeeze %dma_start3A_201 : memref<1x128xi32, #tpu.memory_space<vmem>> -> memref<128xi32, #tpu.memory_space<vmem>>
        %dma_start3A_203 = tpu.memref_slice %arg2[%multiple_of3A] : memref<204800xi32, #tpu.memory_space<hbm>> -> memref<128xi32, #tpu.memory_space<hbm>>
        tpu.enqueue_dma source(%dma_start3A_203 : memref<128xi32, #tpu.memory_space<hbm>>) target(%dma_start3A_202 : memref<128xi32, #tpu.memory_space<vmem>>) target_semaphore(%run_scoped3A : memref<!tpu.dma_semaphore, #tpu.memory_space<semaphore_mem>>)
        %dma_wait3A = arith.constant 0 : i32
        %dma_wait3A_204 = tpu.memref_slice %arg11[%while3A_179, %dma_wait3A] : memref<4x128xi32, #tpu.memory_space<vmem>> -> memref<1x128xi32, #tpu.memory_space<vmem>>
        %dma_wait3A_205 = tpu.memref_squeeze %dma_wait3A_204 : memref<1x128xi32, #tpu.memory_space<vmem>> -> memref<128xi32, #tpu.memory_space<vmem>>
        %dma_wait3A_206 = tpu.memref_slice %arg2[%multiple_of3A] : memref<204800xi32, #tpu.memory_space<hbm>> -> memref<128xi32, #tpu.memory_space<hbm>>
        %dma_wait3A_207 = arith.constant 0 : i32
        %dma_wait3A_208 = tpu.memref_slice %arg11[%while3A_179, %dma_wait3A_207] : memref<4x128xi32, #tpu.memory_space<vmem>> -> memref<1x128xi32, #tpu.memory_space<vmem>>
        %dma_wait3A_209 = tpu.memref_squeeze %dma_wait3A_208 : memref<1x128xi32, #tpu.memory_space<vmem>> -> memref<128xi32, #tpu.memory_space<vmem>>
        %dma_wait3A_210 = tpu.memref_slice %arg2[%multiple_of3A] : memref<204800xi32, #tpu.memory_space<hbm>> -> memref<128xi32, #tpu.memory_space<hbm>>
        tpu.wait_dma2 semaphore(%run_scoped3A : memref<!tpu.dma_semaphore, #tpu.memory_space<semaphore_mem>>) src(%dma_wait3A_210 : memref<128xi32, #tpu.memory_space<hbm>>) dst(%dma_wait3A_209 : memref<128xi32, #tpu.memory_space<vmem>>)
        tpu.yield
      }) : () -> ()
      %dma_start3A = arith.constant 0 : i32
      %dma_start3A_184 = arith.constant 0 : i32
      %dma_start3A_185 = tpu.memref_slice %arg12[%while3A_179, %dma_start3A, %dma_start3A_184] : memref<4x128x64xf32, #tpu.memory_space<vmem>> -> memref<1x128x64xf32, #tpu.memory_space<vmem>>
      %dma_start3A_186 = tpu.memref_squeeze %dma_start3A_185 : memref<1x128x64xf32, #tpu.memory_space<vmem>> -> memref<128x64xf32, #tpu.memory_space<vmem>>
      %dma_start3A_187 = arith.constant 0 : i32
      %dma_start3A_188 = tpu.memref_slice %arg11[%while3A_179, %dma_start3A_187] : memref<4x128xi32, #tpu.memory_space<vmem>> -> memref<1x128xi32, #tpu.memory_space<vmem>>
      %dma_start3A_189 = tpu.memref_squeeze %dma_start3A_188 : memref<1x128xi32, #tpu.memory_space<vmem>> -> memref<128xi32, #tpu.memory_space<vmem>>
      %dma_start3A_190 = arith.constant 0 : i32
      %dma_start3A_191 = arith.constant 0 : i32
      %dma_start3A_192 = tpu.memref_slice %arg6[%dma_start3A_190, %dma_start3A_191] : memref<1000000x64xf32, #tpu.memory_space<hbm>> -> memref<1000000x64xf32, #tpu.memory_space<hbm>>
      %dma_start3A_193 = tpu.memref_slice %arg16[%while3A_179] : memref<4x!tpu.dma_semaphore, #tpu.memory_space<semaphore_mem>> -> memref<1x!tpu.dma_semaphore, #tpu.memory_space<semaphore_mem>>
      %dma_start3A_194 = tpu.memref_squeeze %dma_start3A_193 : memref<1x!tpu.dma_semaphore, #tpu.memory_space<semaphore_mem>> -> memref<!tpu.dma_semaphore, #tpu.memory_space<semaphore_mem>>
      tpu.enqueue_indirect_dma source(%dma_start3A_192 : memref<1000000x64xf32, #tpu.memory_space<hbm>>) target(%dma_start3A_186 : memref<128x64xf32, #tpu.memory_space<vmem>>) offsets(%dma_start3A_189 : memref<128xi32, #tpu.memory_space<vmem>>) semaphore(%dma_start3A_194 : memref<!tpu.dma_semaphore, #tpu.memory_space<semaphore_mem>>)
      %while3A_195 = arith.constant 0 : i32
      scf.yield %while3A_195 : i32
    }
    %while3A_71 = arith.constant 1 : i32
    %while3A_72 = scf.for %while3A_179 = %while3A_68 to %while3A_64 step %while3A_71 iter_args(%while3A_180 = %while3A_70) -> (i32)  : i32 {
      %add3A_181 = arith.addi %select_n3A, %while3A_179 : i32
      %mul3A_182 = arith.constant 128 : i32
      %mul3A_183 = arith.muli %add3A_181, %mul3A_182 : i32
      %multiple_of3A = tpu.assume_multiple %mul3A_183, 128 : i32
      "tpu.region"() ({
        %run_scoped3A = tpu.sem_alloc : memref<!tpu.dma_semaphore, #tpu.memory_space<semaphore_mem>>
        %dma_start3A_196 = arith.constant 0 : i32
        %dma_start3A_197 = tpu.memref_slice %arg11[%while3A_179, %dma_start3A_196] : memref<4x128xi32, #tpu.memory_space<vmem>> -> memref<1x128xi32, #tpu.memory_space<vmem>>
        %dma_start3A_198 = tpu.memref_squeeze %dma_start3A_197 : memref<1x128xi32, #tpu.memory_space<vmem>> -> memref<128xi32, #tpu.memory_space<vmem>>
        %dma_start3A_199 = tpu.memref_slice %arg2[%multiple_of3A] : memref<204800xi32, #tpu.memory_space<hbm>> -> memref<128xi32, #tpu.memory_space<hbm>>
        %dma_start3A_200 = arith.constant 0 : i32
        %dma_start3A_201 = tpu.memref_slice %arg11[%while3A_179, %dma_start3A_200] : memref<4x128xi32, #tpu.memory_space<vmem>> -> memref<1x128xi32, #tpu.memory_space<vmem>>
        %dma_start3A_202 = tpu.memref_squeeze %dma_start3A_201 : memref<1x128xi32, #tpu.memory_space<vmem>> -> memref<128xi32, #tpu.memory_space<vmem>>
        %dma_start3A_203 = tpu.memref_slice %arg2[%multiple_of3A] : memref<204800xi32, #tpu.memory_space<hbm>> -> memref<128xi32, #tpu.memory_space<hbm>>
        tpu.enqueue_dma source(%dma_start3A_203 : memref<128xi32, #tpu.memory_space<hbm>>) target(%dma_start3A_202 : memref<128xi32, #tpu.memory_space<vmem>>) target_semaphore(%run_scoped3A : memref<!tpu.dma_semaphore, #tpu.memory_space<semaphore_mem>>)
        %dma_wait3A = arith.constant 0 : i32
        %dma_wait3A_204 = tpu.memref_slice %arg11[%while3A_179, %dma_wait3A] : memref<4x128xi32, #tpu.memory_space<vmem>> -> memref<1x128xi32, #tpu.memory_space<vmem>>
        %dma_wait3A_205 = tpu.memref_squeeze %dma_wait3A_204 : memref<1x128xi32, #tpu.memory_space<vmem>> -> memref<128xi32, #tpu.memory_space<vmem>>
        %dma_wait3A_206 = tpu.memref_slice %arg2[%multiple_of3A] : memref<204800xi32, #tpu.memory_space<hbm>> -> memref<128xi32, #tpu.memory_space<hbm>>
        %dma_wait3A_207 = arith.constant 0 : i32
        %dma_wait3A_208 = tpu.memref_slice %arg11[%while3A_179, %dma_wait3A_207] : memref<4x128xi32, #tpu.memory_space<vmem>> -> memref<1x128xi32, #tpu.memory_space<vmem>>
        %dma_wait3A_209 = tpu.memref_squeeze %dma_wait3A_208 : memref<1x128xi32, #tpu.memory_space<vmem>> -> memref<128xi32, #tpu.memory_space<vmem>>
        %dma_wait3A_210 = tpu.memref_slice %arg2[%multiple_of3A] : memref<204800xi32, #tpu.memory_space<hbm>> -> memref<128xi32, #tpu.memory_space<hbm>>
        tpu.wait_dma2 semaphore(%run_scoped3A : memref<!tpu.dma_semaphore, #tpu.memory_space<semaphore_mem>>) src(%dma_wait3A_210 : memref<128xi32, #tpu.memory_space<hbm>>) dst(%dma_wait3A_209 : memref<128xi32, #tpu.memory_space<vmem>>)
        tpu.yield
      }) : () -> ()
      %dma_start3A = arith.constant 0 : i32
      %dma_start3A_184 = arith.constant 0 : i32
      %dma_start3A_185 = tpu.memref_slice %arg12[%while3A_179, %dma_start3A, %dma_start3A_184] : memref<4x128x64xf32, #tpu.memory_space<vmem>> -> memref<1x128x64xf32, #tpu.memory_space<vmem>>
      %dma_start3A_186 = tpu.memref_squeeze %dma_start3A_185 : memref<1x128x64xf32, #tpu.memory_space<vmem>> -> memref<128x64xf32, #tpu.memory_space<vmem>>
      %dma_start3A_187 = arith.constant 0 : i32
      %dma_start3A_188 = tpu.memref_slice %arg11[%while3A_179, %dma_start3A_187] : memref<4x128xi32, #tpu.memory_space<vmem>> -> memref<1x128xi32, #tpu.memory_space<vmem>>
      %dma_start3A_189 = tpu.memref_squeeze %dma_start3A_188 : memref<1x128xi32, #tpu.memory_space<vmem>> -> memref<128xi32, #tpu.memory_space<vmem>>
      %dma_start3A_190 = arith.constant 0 : i32
      %dma_start3A_191 = arith.constant 0 : i32
      %dma_start3A_192 = tpu.memref_slice %arg6[%dma_start3A_190, %dma_start3A_191] : memref<1000000x64xf32, #tpu.memory_space<hbm>> -> memref<1000000x64xf32, #tpu.memory_space<hbm>>
      %dma_start3A_193 = tpu.memref_slice %arg16[%while3A_179] : memref<4x!tpu.dma_semaphore, #tpu.memory_space<semaphore_mem>> -> memref<1x!tpu.dma_semaphore, #tpu.memory_space<semaphore_mem>>
      %dma_start3A_194 = tpu.memref_squeeze %dma_start3A_193 : memref<1x!tpu.dma_semaphore, #tpu.memory_space<semaphore_mem>> -> memref<!tpu.dma_semaphore, #tpu.memory_space<semaphore_mem>>
      tpu.enqueue_indirect_dma source(%dma_start3A_192 : memref<1000000x64xf32, #tpu.memory_space<hbm>>) target(%dma_start3A_186 : memref<128x64xf32, #tpu.memory_space<vmem>>) offsets(%dma_start3A_189 : memref<128xi32, #tpu.memory_space<vmem>>) semaphore(%dma_start3A_194 : memref<!tpu.dma_semaphore, #tpu.memory_space<semaphore_mem>>)
      %while3A_195 = arith.constant 0 : i32
      scf.yield %while3A_195 : i32
    }
    %while3A_73 = arith.constant 0 : i32
    %while3A_74 = arith.constant 0 : i32
    %while3A_75 = arith.subi %sub3A_60, %while3A_74 : i32
    %while3A_76 = arith.addi %while3A_74, %while3A_75 : i32
    %while3A_77 = arith.constant 1 : i32
    %while3A_78 = arith.divsi %while3A_75, %while3A_77 : i32
    %while3A_79 = arith.muli %while3A_78, %while3A_77 : i32
    %while3A_80 = arith.addi %while3A_74, %while3A_79 : i32
    %while3A_81 = arith.constant 1 : i32
    scf.for %while3A_179 = %while3A_74 to %while3A_80 step %while3A_81  : i32 {
      %add3A_180 = arith.addi %select_n3A, %while3A_179 : i32
      %rem3A_181 = arith.constant 4 : i32
      %rem3A_182 = arith.remsi %while3A_179, %rem3A_181 : i32
      %dma_wait3A = arith.constant 0 : i32
      %dma_wait3A_183 = arith.constant 0 : i32
      %dma_wait3A_184 = tpu.memref_slice %arg12[%rem3A_182, %dma_wait3A, %dma_wait3A_183] : memref<4x128x64xf32, #tpu.memory_space<vmem>> -> memref<1x128x64xf32, #tpu.memory_space<vmem>>
      %dma_wait3A_185 = tpu.memref_squeeze %dma_wait3A_184 : memref<1x128x64xf32, #tpu.memory_space<vmem>> -> memref<128x64xf32, #tpu.memory_space<vmem>>
      %dma_wait3A_186 = arith.constant 0 : i32
      %dma_wait3A_187 = tpu.memref_slice %arg11[%rem3A_182, %dma_wait3A_186] : memref<4x128xi32, #tpu.memory_space<vmem>> -> memref<1x128xi32, #tpu.memory_space<vmem>>
      %dma_wait3A_188 = tpu.memref_squeeze %dma_wait3A_187 : memref<1x128xi32, #tpu.memory_space<vmem>> -> memref<128xi32, #tpu.memory_space<vmem>>
      %dma_wait3A_189 = arith.constant 0 : i32
      %dma_wait3A_190 = arith.constant 0 : i32
      %dma_wait3A_191 = tpu.memref_slice %arg6[%dma_wait3A_189, %dma_wait3A_190] : memref<1000000x64xf32, #tpu.memory_space<hbm>> -> memref<1000000x64xf32, #tpu.memory_space<hbm>>
      %dma_wait3A_192 = tpu.memref_slice %arg16[%rem3A_182] : memref<4x!tpu.dma_semaphore, #tpu.memory_space<semaphore_mem>> -> memref<1x!tpu.dma_semaphore, #tpu.memory_space<semaphore_mem>>
      %dma_wait3A_193 = tpu.memref_squeeze %dma_wait3A_192 : memref<1x!tpu.dma_semaphore, #tpu.memory_space<semaphore_mem>> -> memref<!tpu.dma_semaphore, #tpu.memory_space<semaphore_mem>>
      tpu.wait_indirect_dma semaphore(%dma_wait3A_193 : memref<!tpu.dma_semaphore, #tpu.memory_space<semaphore_mem>>) src(%dma_wait3A_191 : memref<1000000x64xf32, #tpu.memory_space<hbm>>) dst(%dma_wait3A_185 : memref<128x64xf32, #tpu.memory_space<vmem>>)
      %mul3A_194 = arith.constant 128 : i32
      %mul3A_195 = arith.muli %add3A_180, %mul3A_194 : i32
      %max3A = arith.maxsi %mul3A_195, %squeeze3A : i32
      %add3A_196 = arith.constant 128 : i32
      %add3A_197 = arith.addi %mul3A_195, %add3A_196 : i32
      %min3A_198 = arith.minsi %add3A_197, %squeeze3A_15 : i32
      %scan3A_199 = arith.constant 0 : i32
      %scan3A_200 = arith.constant 129 : i32
      %scan3A_201 = arith.constant 0 : i32
      %scan3A_202 = arith.constant 8 : i32
      %scan3A_203 = arith.addi %scan3A_201, %scan3A_202 : i32
      %scan3A_204 = arith.constant 1 : i32
      %scan3A_205:2 = scf.for %scan3A_237 = %scan3A_201 to %scan3A_203 step %scan3A_204 iter_args(%scan3A_238 = %scan3A_199, %scan3A_239 = %scan3A_200) -> (i32, i32)  : i32 {
        %lt3A_240 = arith.cmpi slt, %scan3A_238, %scan3A_239 : i32
        %add3A_241 = arith.addi %scan3A_238, %scan3A_239 : i32
        %jit3A_242 = arith.constant 2 : i32
        %div3A_243 = arith.divsi %add3A_241, %jit3A_242 : i32
        %sign3A_244 = arith.constant 0 : i32
        %sign3A_245 = arith.cmpi sgt, %add3A_241, %sign3A_244 : i32
        %sign3A_246 = arith.extui %sign3A_245 : i1 to i32
        %sign3A_247 = arith.constant 0 : i32
        %sign3A_248 = arith.cmpi slt, %add3A_241, %sign3A_247 : i32
        %sign3A_249 = arith.extui %sign3A_248 : i1 to i32
        %sign3A_250 = arith.subi %sign3A_246, %sign3A_249 : i32
        %sign3A_251 = arith.constant 0 : i32
        %sign3A_252 = arith.cmpi sgt, %jit3A_242, %sign3A_251 : i32
        %sign3A_253 = arith.extui %sign3A_252 : i1 to i32
        %sign3A_254 = arith.constant 0 : i32
        %sign3A_255 = arith.cmpi slt, %jit3A_242, %sign3A_254 : i32
        %sign3A_256 = arith.extui %sign3A_255 : i1 to i32
        %sign3A_257 = arith.subi %sign3A_253, %sign3A_256 : i32
        %ne3A_258 = arith.cmpi ne, %sign3A_250, %sign3A_257 : i32
        %rem3A_259 = arith.remsi %add3A_241, %jit3A_242 : i32
        %ne3A_260 = arith.constant 0 : i32
        %ne3A_261 = arith.cmpi ne, %rem3A_259, %ne3A_260 : i32
        %and3A_262 = arith.andi %ne3A_258, %ne3A_261 : i1
        %sub3A_263 = arith.constant 1 : i32
        %sub3A_264 = arith.subi %div3A_243, %sub3A_263 : i32
        %select_n3A_265 = arith.select %and3A_262, %sub3A_264, %div3A_243 : i32
        %min3A_266 = arith.constant 128 : i32
        %min3A_267 = arith.minsi %select_n3A_265, %min3A_266 : i32
        %get3A_268 = arith.index_cast %min3A_267 : i32 to index
        %get3A_269 = tpu.vector_load %arg10[%get3A_268] {strides = array<i32>} : memref<152xi32, #tpu.memory_space<vmem>>, vector<16xi32>,
        %get3A_270 = vector.shape_cast %get3A_269 : vector<16xi32> to vector<16xi32>
        %slice3A_271 = vector.extract_strided_slice %get3A_270 {offsets = [0], sizes = [1], strides = [1]} : vector<16xi32> to vector<1xi32>
        %squeeze3A_272 = vector.extract %slice3A_271[0] : i32 from vector<1xi32>
        %gt3A = arith.cmpi sgt, %squeeze3A_272, %max3A : i32
        %add3A_273 = arith.constant 1 : i32
        %add3A_274 = arith.addi %min3A_267, %add3A_273 : i32
        %select_n3A_275 = arith.select %gt3A, %scan3A_238, %add3A_274 : i32
        %select_n3A_276 = arith.select %gt3A, %min3A_267, %scan3A_239 : i32
        %select_n3A_277 = arith.select %lt3A_240, %select_n3A_275, %scan3A_238 : i32
        %select_n3A_278 = arith.select %lt3A_240, %select_n3A_276, %scan3A_239 : i32
        scf.yield %select_n3A_277, %select_n3A_278 : i32, i32
      }
      %scan3A_206 = arith.constant 8 : i32
      %sub3A_207 = arith.constant 1 : i32
      %sub3A_208 = arith.subi %scan3A_205#0, %sub3A_207 : i32
      %sub3A_209 = arith.constant 1 : i32
      %sub3A_210 = arith.subi %min3A_198, %sub3A_209 : i32
      %scan3A_211 = arith.constant 0 : i32
      %scan3A_212 = arith.constant 129 : i32
      %scan3A_213 = arith.constant 0 : i32
      %scan3A_214 = arith.constant 8 : i32
      %scan3A_215 = arith.addi %scan3A_213, %scan3A_214 : i32
      %scan3A_216 = arith.constant 1 : i32
      %scan3A_217:2 = scf.for %scan3A_237 = %scan3A_213 to %scan3A_215 step %scan3A_216 iter_args(%scan3A_238 = %scan3A_211, %scan3A_239 = %scan3A_212) -> (i32, i32)  : i32 {
        %lt3A_240 = arith.cmpi slt, %scan3A_238, %scan3A_239 : i32
        %add3A_241 = arith.addi %scan3A_238, %scan3A_239 : i32
        %jit3A_242 = arith.constant 2 : i32
        %div3A_243 = arith.divsi %add3A_241, %jit3A_242 : i32
        %sign3A_244 = arith.constant 0 : i32
        %sign3A_245 = arith.cmpi sgt, %add3A_241, %sign3A_244 : i32
        %sign3A_246 = arith.extui %sign3A_245 : i1 to i32
        %sign3A_247 = arith.constant 0 : i32
        %sign3A_248 = arith.cmpi slt, %add3A_241, %sign3A_247 : i32
        %sign3A_249 = arith.extui %sign3A_248 : i1 to i32
        %sign3A_250 = arith.subi %sign3A_246, %sign3A_249 : i32
        %sign3A_251 = arith.constant 0 : i32
        %sign3A_252 = arith.cmpi sgt, %jit3A_242, %sign3A_251 : i32
        %sign3A_253 = arith.extui %sign3A_252 : i1 to i32
        %sign3A_254 = arith.constant 0 : i32
        %sign3A_255 = arith.cmpi slt, %jit3A_242, %sign3A_254 : i32
        %sign3A_256 = arith.extui %sign3A_255 : i1 to i32
        %sign3A_257 = arith.subi %sign3A_253, %sign3A_256 : i32
        %ne3A_258 = arith.cmpi ne, %sign3A_250, %sign3A_257 : i32
        %rem3A_259 = arith.remsi %add3A_241, %jit3A_242 : i32
        %ne3A_260 = arith.constant 0 : i32
        %ne3A_261 = arith.cmpi ne, %rem3A_259, %ne3A_260 : i32
        %and3A_262 = arith.andi %ne3A_258, %ne3A_261 : i1
        %sub3A_263 = arith.constant 1 : i32
        %sub3A_264 = arith.subi %div3A_243, %sub3A_263 : i32
        %select_n3A_265 = arith.select %and3A_262, %sub3A_264, %div3A_243 : i32
        %min3A_266 = arith.constant 128 : i32
        %min3A_267 = arith.minsi %select_n3A_265, %min3A_266 : i32
        %get3A_268 = arith.index_cast %min3A_267 : i32 to index
        %get3A_269 = tpu.vector_load %arg10[%get3A_268] {strides = array<i32>} : memref<152xi32, #tpu.memory_space<vmem>>, vector<16xi32>,
        %get3A_270 = vector.shape_cast %get3A_269 : vector<16xi32> to vector<16xi32>
        %slice3A_271 = vector.extract_strided_slice %get3A_270 {offsets = [0], sizes = [1], strides = [1]} : vector<16xi32> to vector<1xi32>
        %squeeze3A_272 = vector.extract %slice3A_271[0] : i32 from vector<1xi32>
        %gt3A = arith.cmpi sgt, %squeeze3A_272, %sub3A_210 : i32
        %add3A_273 = arith.constant 1 : i32
        %add3A_274 = arith.addi %min3A_267, %add3A_273 : i32
        %select_n3A_275 = arith.select %gt3A, %scan3A_238, %add3A_274 : i32
        %select_n3A_276 = arith.select %gt3A, %min3A_267, %scan3A_239 : i32
        %select_n3A_277 = arith.select %lt3A_240, %select_n3A_275, %scan3A_238 : i32
        %select_n3A_278 = arith.select %lt3A_240, %select_n3A_276, %scan3A_239 : i32
        scf.yield %select_n3A_277, %select_n3A_278 : i32, i32
      }
      %scan3A_218 = arith.constant 8 : i32
      %sub3A_219 = arith.constant 1 : i32
      %sub3A_220 = arith.subi %scan3A_217#0, %sub3A_219 : i32
      %add3A_221 = arith.constant 1 : i32
      %add3A_222 = arith.addi %sub3A_220, %add3A_221 : i32
      %while3A_223 = arith.constant 0 : i32
      %while3A_224 = arith.subi %add3A_222, %sub3A_208 : i32
      %while3A_225 = arith.addi %sub3A_208, %while3A_224 : i32
      %while3A_226 = arith.constant 1 : i32
      %while3A_227 = arith.divsi %while3A_224, %while3A_226 : i32
      %while3A_228 = arith.muli %while3A_227, %while3A_226 : i32
      %while3A_229 = arith.addi %sub3A_208, %while3A_228 : i32
      %while3A_230 = arith.constant 1 : i32
      %while3A_231 = scf.for %while3A_237 = %sub3A_208 to %while3A_229 step %while3A_230 iter_args(%while3A_238 = %while3A_223) -> (i32)  : i32 {
        %get3A_239 = arith.index_cast %while3A_237 : i32 to index
        %get3A_240 = tpu.vector_load %arg10[%get3A_239] {strides = array<i32>} : memref<152xi32, #tpu.memory_space<vmem>>, vector<16xi32>,
        %get3A_241 = vector.shape_cast %get3A_240 : vector<16xi32> to vector<16xi32>
        %slice3A_242 = vector.extract_strided_slice %get3A_241 {offsets = [0], sizes = [1], strides = [1]} : vector<16xi32> to vector<1xi32>
        %squeeze3A_243 = vector.extract %slice3A_242[0] : i32 from vector<1xi32>
        %max3A_244 = arith.maxsi %squeeze3A_243, %max3A : i32
        %sub3A_245 = arith.subi %max3A_244, %mul3A_195 : i32
        %add3A_246 = arith.constant 1 : i32
        %add3A_247 = arith.addi %while3A_237, %add3A_246 : i32
        %get3A_248 = arith.index_cast %add3A_247 : i32 to index
        %get3A_249 = tpu.vector_load %arg10[%get3A_248] {strides = array<i32>} : memref<152xi32, #tpu.memory_space<vmem>>, vector<16xi32>,
        %get3A_250 = vector.shape_cast %get3A_249 : vector<16xi32> to vector<16xi32>
        %slice3A_251 = vector.extract_strided_slice %get3A_250 {offsets = [0], sizes = [1], strides = [1]} : vector<16xi32> to vector<1xi32>
        %squeeze3A_252 = vector.extract %slice3A_251[0] : i32 from vector<1xi32>
        %min3A_253 = arith.minsi %squeeze3A_252, %min3A_198 : i32
        %sub3A_254 = arith.subi %min3A_253, %mul3A_195 : i32
        %broadcast_in_dim3A = arith.constant 0.000000e+00 : f32
        %broadcast_in_dim3A_255 = vector.broadcast %broadcast_in_dim3A : f32 to vector<16xf32>
        %broadcast_in_dim3A_256 = arith.constant 0.000000e+00 : f32
        %broadcast_in_dim3A_257 = vector.broadcast %broadcast_in_dim3A_256 : f32 to vector<16xf32>
        %broadcast_in_dim3A_258 = arith.constant 0.000000e+00 : f32
        %broadcast_in_dim3A_259 = vector.broadcast %broadcast_in_dim3A_258 : f32 to vector<16xf32>
        %broadcast_in_dim3A_260 = arith.constant 0.000000e+00 : f32
        %broadcast_in_dim3A_261 = vector.broadcast %broadcast_in_dim3A_260 : f32 to vector<16xf32>
        %while3A_262 = arith.subi %sub3A_254, %sub3A_245 : i32
        %while3A_263 = arith.addi %sub3A_245, %while3A_262 : i32
        %while3A_264 = arith.constant 1 : i32
        %while3A_265 = arith.divsi %while3A_262, %while3A_264 : i32
        %while3A_266 = arith.muli %while3A_265, %while3A_264 : i32
        %while3A_267 = arith.addi %sub3A_245, %while3A_266 : i32
        %while3A_268 = arith.constant 1 : i32
        %while3A_269:4 = scf.for %while3A_312 = %sub3A_245 to %while3A_267 step %while3A_268 iter_args(%while3A_313 = %broadcast_in_dim3A_255, %while3A_314 = %broadcast_in_dim3A_257, %while3A_315 = %broadcast_in_dim3A_259, %while3A_316 = %broadcast_in_dim3A_261) -> (vector<16xf32>, vector<16xf32>, vector<16xf32>, vector<16xf32>)  : i32 {
          %get3A_317 = arith.index_cast %rem3A_182 : i32 to index
          %get3A_318 = arith.index_cast %while3A_312 : i32 to index
          %get3A_319 = arith.constant 0 : index
          %get3A_320 = tpu.vector_load %arg12[%get3A_317, %get3A_318, %get3A_319] {strides = array<i32>} : memref<4x128x64xf32, #tpu.memory_space<vmem>>, vector<1x1x16xf32>,
          %get3A_321 = vector.shape_cast %get3A_320 : vector<1x1x16xf32> to vector<16xf32>
          %add3A_322 = arith.addf %while3A_313, %get3A_321 : vector<16xf32>
          %get3A_323 = arith.index_cast %rem3A_182 : i32 to index
          %get3A_324 = arith.index_cast %while3A_312 : i32 to index
          %get3A_325 = arith.constant 16 : index
          %get3A_326 = tpu.vector_load %arg12[%get3A_323, %get3A_324, %get3A_325] {strides = array<i32>} : memref<4x128x64xf32, #tpu.memory_space<vmem>>, vector<1x1x16xf32>,
          %get3A_327 = vector.shape_cast %get3A_326 : vector<1x1x16xf32> to vector<16xf32>
          %add3A_328 = arith.addf %while3A_314, %get3A_327 : vector<16xf32>
          %get3A_329 = arith.index_cast %rem3A_182 : i32 to index
          %get3A_330 = arith.index_cast %while3A_312 : i32 to index
          %get3A_331 = arith.constant 32 : index
          %get3A_332 = tpu.vector_load %arg12[%get3A_329, %get3A_330, %get3A_331] {strides = array<i32>} : memref<4x128x64xf32, #tpu.memory_space<vmem>>, vector<1x1x16xf32>,
          %get3A_333 = vector.shape_cast %get3A_332 : vector<1x1x16xf32> to vector<16xf32>
          %add3A_334 = arith.addf %while3A_315, %get3A_333 : vector<16xf32>
          %get3A_335 = arith.index_cast %rem3A_182 : i32 to index
          %get3A_336 = arith.index_cast %while3A_312 : i32 to index
          %get3A_337 = arith.constant 48 : index
          %get3A_338 = tpu.vector_load %arg12[%get3A_335, %get3A_336, %get3A_337] {strides = array<i32>} : memref<4x128x64xf32, #tpu.memory_space<vmem>>, vector<1x1x16xf32>,
          %get3A_339 = vector.shape_cast %get3A_338 : vector<1x1x16xf32> to vector<16xf32>
          %add3A_340 = arith.addf %while3A_316, %get3A_339 : vector<16xf32>
          scf.yield %add3A_322, %add3A_328, %add3A_334, %add3A_340 : vector<16xf32>, vector<16xf32>, vector<16xf32>, vector<16xf32>
        }
        %while3A_270 = arith.constant 1 : i32
        %while3A_271:4 = scf.for %while3A_312 = %while3A_267 to %while3A_263 step %while3A_270 iter_args(%while3A_313 = %while3A_269#0, %while3A_314 = %while3A_269#1, %while3A_315 = %while3A_269#2, %while3A_316 = %while3A_269#3) -> (vector<16xf32>, vector<16xf32>, vector<16xf32>, vector<16xf32>)  : i32 {
          %get3A_317 = arith.index_cast %rem3A_182 : i32 to index
          %get3A_318 = arith.index_cast %while3A_312 : i32 to index
          %get3A_319 = arith.constant 0 : index
          %get3A_320 = tpu.vector_load %arg12[%get3A_317, %get3A_318, %get3A_319] {strides = array<i32>} : memref<4x128x64xf32, #tpu.memory_space<vmem>>, vector<1x1x16xf32>,
          %get3A_321 = vector.shape_cast %get3A_320 : vector<1x1x16xf32> to vector<16xf32>
          %add3A_322 = arith.addf %while3A_313, %get3A_321 : vector<16xf32>
          %get3A_323 = arith.index_cast %rem3A_182 : i32 to index
          %get3A_324 = arith.index_cast %while3A_312 : i32 to index
          %get3A_325 = arith.constant 16 : index
          %get3A_326 = tpu.vector_load %arg12[%get3A_323, %get3A_324, %get3A_325] {strides = array<i32>} : memref<4x128x64xf32, #tpu.memory_space<vmem>>, vector<1x1x16xf32>,
          %get3A_327 = vector.shape_cast %get3A_326 : vector<1x1x16xf32> to vector<16xf32>
          %add3A_328 = arith.addf %while3A_314, %get3A_327 : vector<16xf32>
          %get3A_329 = arith.index_cast %rem3A_182 : i32 to index
          %get3A_330 = arith.index_cast %while3A_312 : i32 to index
          %get3A_331 = arith.constant 32 : index
          %get3A_332 = tpu.vector_load %arg12[%get3A_329, %get3A_330, %get3A_331] {strides = array<i32>} : memref<4x128x64xf32, #tpu.memory_space<vmem>>, vector<1x1x16xf32>,
          %get3A_333 = vector.shape_cast %get3A_332 : vector<1x1x16xf32> to vector<16xf32>
          %add3A_334 = arith.addf %while3A_315, %get3A_333 : vector<16xf32>
          %get3A_335 = arith.index_cast %rem3A_182 : i32 to index
          %get3A_336 = arith.index_cast %while3A_312 : i32 to index
          %get3A_337 = arith.constant 48 : index
          %get3A_338 = tpu.vector_load %arg12[%get3A_335, %get3A_336, %get3A_337] {strides = array<i32>} : memref<4x128x64xf32, #tpu.memory_space<vmem>>, vector<1x1x16xf32>,
          %get3A_339 = vector.shape_cast %get3A_338 : vector<1x1x16xf32> to vector<16xf32>
          %add3A_340 = arith.addf %while3A_316, %get3A_339 : vector<16xf32>
          scf.yield %add3A_322, %add3A_328, %add3A_334, %add3A_340 : vector<16xf32>, vector<16xf32>, vector<16xf32>, vector<16xf32>
        }
        %get3A_272 = arith.index_cast %while3A_237 : i32 to index
        %get3A_273 = arith.constant 0 : index
        %get3A_274 = tpu.vector_load %arg14[%get3A_272, %get3A_273] {strides = array<i32>} : memref<128x64xf32, #tpu.memory_space<vmem>>, vector<1x16xf32>,
        %get3A_275 = vector.shape_cast %get3A_274 : vector<1x16xf32> to vector<16xf32>
        %add3A_276 = arith.addf %get3A_275, %while3A_271#0 : vector<16xf32>
        %swap3A = arith.index_cast %while3A_237 : i32 to index
        %swap3A_277 = arith.constant 0 : index
        %swap3A_278 = tpu.vector_load %arg14[%swap3A, %swap3A_277] {strides = array<i32>} : memref<128x64xf32, #tpu.memory_space<vmem>>, vector<1x16xf32>,
        %swap3A_279 = vector.shape_cast %swap3A_278 : vector<1x16xf32> to vector<16xf32>
        %swap3A_280 = vector.shape_cast %add3A_276 : vector<16xf32> to vector<1x16xf32>
        tpu.vector_store %arg14[%swap3A, %swap3A_277], %swap3A_280 {strides = array<i32>} : memref<128x64xf32, #tpu.memory_space<vmem>>, vector<1x16xf32>,
        %get3A_281 = arith.index_cast %while3A_237 : i32 to index
        %get3A_282 = arith.constant 16 : index
        %get3A_283 = tpu.vector_load %arg14[%get3A_281, %get3A_282] {strides = array<i32>} : memref<128x64xf32, #tpu.memory_space<vmem>>, vector<1x16xf32>,
        %get3A_284 = vector.shape_cast %get3A_283 : vector<1x16xf32> to vector<16xf32>
        %add3A_285 = arith.addf %get3A_284, %while3A_271#1 : vector<16xf32>
        %swap3A_286 = arith.index_cast %while3A_237 : i32 to index
        %swap3A_287 = arith.constant 16 : index
        %swap3A_288 = tpu.vector_load %arg14[%swap3A_286, %swap3A_287] {strides = array<i32>} : memref<128x64xf32, #tpu.memory_space<vmem>>, vector<1x16xf32>,
        %swap3A_289 = vector.shape_cast %swap3A_288 : vector<1x16xf32> to vector<16xf32>
        %swap3A_290 = vector.shape_cast %add3A_285 : vector<16xf32> to vector<1x16xf32>
        tpu.vector_store %arg14[%swap3A_286, %swap3A_287], %swap3A_290 {strides = array<i32>} : memref<128x64xf32, #tpu.memory_space<vmem>>, vector<1x16xf32>,
        %get3A_291 = arith.index_cast %while3A_237 : i32 to index
        %get3A_292 = arith.constant 32 : index
        %get3A_293 = tpu.vector_load %arg14[%get3A_291, %get3A_292] {strides = array<i32>} : memref<128x64xf32, #tpu.memory_space<vmem>>, vector<1x16xf32>,
        %get3A_294 = vector.shape_cast %get3A_293 : vector<1x16xf32> to vector<16xf32>
        %add3A_295 = arith.addf %get3A_294, %while3A_271#2 : vector<16xf32>
        %swap3A_296 = arith.index_cast %while3A_237 : i32 to index
        %swap3A_297 = arith.constant 32 : index
        %swap3A_298 = tpu.vector_load %arg14[%swap3A_296, %swap3A_297] {strides = array<i32>} : memref<128x64xf32, #tpu.memory_space<vmem>>, vector<1x16xf32>,
        %swap3A_299 = vector.shape_cast %swap3A_298 : vector<1x16xf32> to vector<16xf32>
        %swap3A_300 = vector.shape_cast %add3A_295 : vector<16xf32> to vector<1x16xf32>
        tpu.vector_store %arg14[%swap3A_296, %swap3A_297], %swap3A_300 {strides = array<i32>} : memref<128x64xf32, #tpu.memory_space<vmem>>, vector<1x16xf32>,
        %get3A_301 = arith.index_cast %while3A_237 : i32 to index
        %get3A_302 = arith.constant 48 : index
        %get3A_303 = tpu.vector_load %arg14[%get3A_301, %get3A_302] {strides = array<i32>} : memref<128x64xf32, #tpu.memory_space<vmem>>, vector<1x16xf32>,
        %get3A_304 = vector.shape_cast %get3A_303 : vector<1x16xf32> to vector<16xf32>
        %add3A_305 = arith.addf %get3A_304, %while3A_271#3 : vector<16xf32>
        %swap3A_306 = arith.index_cast %while3A_237 : i32 to index
        %swap3A_307 = arith.constant 48 : index
        %swap3A_308 = tpu.vector_load %arg14[%swap3A_306, %swap3A_307] {strides = array<i32>} : memref<128x64xf32, #tpu.memory_space<vmem>>, vector<1x16xf32>,
        %swap3A_309 = vector.shape_cast %swap3A_308 : vector<1x16xf32> to vector<16xf32>
        %swap3A_310 = vector.shape_cast %add3A_305 : vector<16xf32> to vector<1x16xf32>
        tpu.vector_store %arg14[%swap3A_306, %swap3A_307], %swap3A_310 {strides = array<i32>} : memref<128x64xf32, #tpu.memory_space<vmem>>, vector<1x16xf32>,
        %while3A_311 = arith.constant 0 : i32
        scf.yield %while3A_311 : i32
      }
      %while3A_232 = arith.constant 1 : i32
      %while3A_233 = scf.for %while3A_237 = %while3A_229 to %while3A_225 step %while3A_232 iter_args(%while3A_238 = %while3A_231) -> (i32)  : i32 {
        %get3A_239 = arith.index_cast %while3A_237 : i32 to index
        %get3A_240 = tpu.vector_load %arg10[%get3A_239] {strides = array<i32>} : memref<152xi32, #tpu.memory_space<vmem>>, vector<16xi32>,
        %get3A_241 = vector.shape_cast %get3A_240 : vector<16xi32> to vector<16xi32>
        %slice3A_242 = vector.extract_strided_slice %get3A_241 {offsets = [0], sizes = [1], strides = [1]} : vector<16xi32> to vector<1xi32>
        %squeeze3A_243 = vector.extract %slice3A_242[0] : i32 from vector<1xi32>
        %max3A_244 = arith.maxsi %squeeze3A_243, %max3A : i32
        %sub3A_245 = arith.subi %max3A_244, %mul3A_195 : i32
        %add3A_246 = arith.constant 1 : i32
        %add3A_247 = arith.addi %while3A_237, %add3A_246 : i32
        %get3A_248 = arith.index_cast %add3A_247 : i32 to index
        %get3A_249 = tpu.vector_load %arg10[%get3A_248] {strides = array<i32>} : memref<152xi32, #tpu.memory_space<vmem>>, vector<16xi32>,
        %get3A_250 = vector.shape_cast %get3A_249 : vector<16xi32> to vector<16xi32>
        %slice3A_251 = vector.extract_strided_slice %get3A_250 {offsets = [0], sizes = [1], strides = [1]} : vector<16xi32> to vector<1xi32>
        %squeeze3A_252 = vector.extract %slice3A_251[0] : i32 from vector<1xi32>
        %min3A_253 = arith.minsi %squeeze3A_252, %min3A_198 : i32
        %sub3A_254 = arith.subi %min3A_253, %mul3A_195 : i32
        %broadcast_in_dim3A = arith.constant 0.000000e+00 : f32
        %broadcast_in_dim3A_255 = vector.broadcast %broadcast_in_dim3A : f32 to vector<16xf32>
        %broadcast_in_dim3A_256 = arith.constant 0.000000e+00 : f32
        %broadcast_in_dim3A_257 = vector.broadcast %broadcast_in_dim3A_256 : f32 to vector<16xf32>
        %broadcast_in_dim3A_258 = arith.constant 0.000000e+00 : f32
        %broadcast_in_dim3A_259 = vector.broadcast %broadcast_in_dim3A_258 : f32 to vector<16xf32>
        %broadcast_in_dim3A_260 = arith.constant 0.000000e+00 : f32
        %broadcast_in_dim3A_261 = vector.broadcast %broadcast_in_dim3A_260 : f32 to vector<16xf32>
        %while3A_262 = arith.subi %sub3A_254, %sub3A_245 : i32
        %while3A_263 = arith.addi %sub3A_245, %while3A_262 : i32
        %while3A_264 = arith.constant 1 : i32
        %while3A_265 = arith.divsi %while3A_262, %while3A_264 : i32
        %while3A_266 = arith.muli %while3A_265, %while3A_264 : i32
        %while3A_267 = arith.addi %sub3A_245, %while3A_266 : i32
        %while3A_268 = arith.constant 1 : i32
        %while3A_269:4 = scf.for %while3A_312 = %sub3A_245 to %while3A_267 step %while3A_268 iter_args(%while3A_313 = %broadcast_in_dim3A_255, %while3A_314 = %broadcast_in_dim3A_257, %while3A_315 = %broadcast_in_dim3A_259, %while3A_316 = %broadcast_in_dim3A_261) -> (vector<16xf32>, vector<16xf32>, vector<16xf32>, vector<16xf32>)  : i32 {
          %get3A_317 = arith.index_cast %rem3A_182 : i32 to index
          %get3A_318 = arith.index_cast %while3A_312 : i32 to index
          %get3A_319 = arith.constant 0 : index
          %get3A_320 = tpu.vector_load %arg12[%get3A_317, %get3A_318, %get3A_319] {strides = array<i32>} : memref<4x128x64xf32, #tpu.memory_space<vmem>>, vector<1x1x16xf32>,
          %get3A_321 = vector.shape_cast %get3A_320 : vector<1x1x16xf32> to vector<16xf32>
          %add3A_322 = arith.addf %while3A_313, %get3A_321 : vector<16xf32>
          %get3A_323 = arith.index_cast %rem3A_182 : i32 to index
          %get3A_324 = arith.index_cast %while3A_312 : i32 to index
          %get3A_325 = arith.constant 16 : index
          %get3A_326 = tpu.vector_load %arg12[%get3A_323, %get3A_324, %get3A_325] {strides = array<i32>} : memref<4x128x64xf32, #tpu.memory_space<vmem>>, vector<1x1x16xf32>,
          %get3A_327 = vector.shape_cast %get3A_326 : vector<1x1x16xf32> to vector<16xf32>
          %add3A_328 = arith.addf %while3A_314, %get3A_327 : vector<16xf32>
          %get3A_329 = arith.index_cast %rem3A_182 : i32 to index
          %get3A_330 = arith.index_cast %while3A_312 : i32 to index
          %get3A_331 = arith.constant 32 : index
          %get3A_332 = tpu.vector_load %arg12[%get3A_329, %get3A_330, %get3A_331] {strides = array<i32>} : memref<4x128x64xf32, #tpu.memory_space<vmem>>, vector<1x1x16xf32>,
          %get3A_333 = vector.shape_cast %get3A_332 : vector<1x1x16xf32> to vector<16xf32>
          %add3A_334 = arith.addf %while3A_315, %get3A_333 : vector<16xf32>
          %get3A_335 = arith.index_cast %rem3A_182 : i32 to index
          %get3A_336 = arith.index_cast %while3A_312 : i32 to index
          %get3A_337 = arith.constant 48 : index
          %get3A_338 = tpu.vector_load %arg12[%get3A_335, %get3A_336, %get3A_337] {strides = array<i32>} : memref<4x128x64xf32, #tpu.memory_space<vmem>>, vector<1x1x16xf32>,
          %get3A_339 = vector.shape_cast %get3A_338 : vector<1x1x16xf32> to vector<16xf32>
          %add3A_340 = arith.addf %while3A_316, %get3A_339 : vector<16xf32>
          scf.yield %add3A_322, %add3A_328, %add3A_334, %add3A_340 : vector<16xf32>, vector<16xf32>, vector<16xf32>, vector<16xf32>
        }
        %while3A_270 = arith.constant 1 : i32
        %while3A_271:4 = scf.for %while3A_312 = %while3A_267 to %while3A_263 step %while3A_270 iter_args(%while3A_313 = %while3A_269#0, %while3A_314 = %while3A_269#1, %while3A_315 = %while3A_269#2, %while3A_316 = %while3A_269#3) -> (vector<16xf32>, vector<16xf32>, vector<16xf32>, vector<16xf32>)  : i32 {
          %get3A_317 = arith.index_cast %rem3A_182 : i32 to index
          %get3A_318 = arith.index_cast %while3A_312 : i32 to index
          %get3A_319 = arith.constant 0 : index
          %get3A_320 = tpu.vector_load %arg12[%get3A_317, %get3A_318, %get3A_319] {strides = array<i32>} : memref<4x128x64xf32, #tpu.memory_space<vmem>>, vector<1x1x16xf32>,
          %get3A_321 = vector.shape_cast %get3A_320 : vector<1x1x16xf32> to vector<16xf32>
          %add3A_322 = arith.addf %while3A_313, %get3A_321 : vector<16xf32>
          %get3A_323 = arith.index_cast %rem3A_182 : i32 to index
          %get3A_324 = arith.index_cast %while3A_312 : i32 to index
          %get3A_325 = arith.constant 16 : index
          %get3A_326 = tpu.vector_load %arg12[%get3A_323, %get3A_324, %get3A_325] {strides = array<i32>} : memref<4x128x64xf32, #tpu.memory_space<vmem>>, vector<1x1x16xf32>,
          %get3A_327 = vector.shape_cast %get3A_326 : vector<1x1x16xf32> to vector<16xf32>
          %add3A_328 = arith.addf %while3A_314, %get3A_327 : vector<16xf32>
          %get3A_329 = arith.index_cast %rem3A_182 : i32 to index
          %get3A_330 = arith.index_cast %while3A_312 : i32 to index
          %get3A_331 = arith.constant 32 : index
          %get3A_332 = tpu.vector_load %arg12[%get3A_329, %get3A_330, %get3A_331] {strides = array<i32>} : memref<4x128x64xf32, #tpu.memory_space<vmem>>, vector<1x1x16xf32>,
          %get3A_333 = vector.shape_cast %get3A_332 : vector<1x1x16xf32> to vector<16xf32>
          %add3A_334 = arith.addf %while3A_315, %get3A_333 : vector<16xf32>
          %get3A_335 = arith.index_cast %rem3A_182 : i32 to index
          %get3A_336 = arith.index_cast %while3A_312 : i32 to index
          %get3A_337 = arith.constant 48 : index
          %get3A_338 = tpu.vector_load %arg12[%get3A_335, %get3A_336, %get3A_337] {strides = array<i32>} : memref<4x128x64xf32, #tpu.memory_space<vmem>>, vector<1x1x16xf32>,
          %get3A_339 = vector.shape_cast %get3A_338 : vector<1x1x16xf32> to vector<16xf32>
          %add3A_340 = arith.addf %while3A_316, %get3A_339 : vector<16xf32>
          scf.yield %add3A_322, %add3A_328, %add3A_334, %add3A_340 : vector<16xf32>, vector<16xf32>, vector<16xf32>, vector<16xf32>
        }
        %get3A_272 = arith.index_cast %while3A_237 : i32 to index
        %get3A_273 = arith.constant 0 : index
        %get3A_274 = tpu.vector_load %arg14[%get3A_272, %get3A_273] {strides = array<i32>} : memref<128x64xf32, #tpu.memory_space<vmem>>, vector<1x16xf32>,
        %get3A_275 = vector.shape_cast %get3A_274 : vector<1x16xf32> to vector<16xf32>
        %add3A_276 = arith.addf %get3A_275, %while3A_271#0 : vector<16xf32>
        %swap3A = arith.index_cast %while3A_237 : i32 to index
        %swap3A_277 = arith.constant 0 : index
        %swap3A_278 = tpu.vector_load %arg14[%swap3A, %swap3A_277] {strides = array<i32>} : memref<128x64xf32, #tpu.memory_space<vmem>>, vector<1x16xf32>,
        %swap3A_279 = vector.shape_cast %swap3A_278 : vector<1x16xf32> to vector<16xf32>
        %swap3A_280 = vector.shape_cast %add3A_276 : vector<16xf32> to vector<1x16xf32>
        tpu.vector_store %arg14[%swap3A, %swap3A_277], %swap3A_280 {strides = array<i32>} : memref<128x64xf32, #tpu.memory_space<vmem>>, vector<1x16xf32>,
        %get3A_281 = arith.index_cast %while3A_237 : i32 to index
        %get3A_282 = arith.constant 16 : index
        %get3A_283 = tpu.vector_load %arg14[%get3A_281, %get3A_282] {strides = array<i32>} : memref<128x64xf32, #tpu.memory_space<vmem>>, vector<1x16xf32>,
        %get3A_284 = vector.shape_cast %get3A_283 : vector<1x16xf32> to vector<16xf32>
        %add3A_285 = arith.addf %get3A_284, %while3A_271#1 : vector<16xf32>
        %swap3A_286 = arith.index_cast %while3A_237 : i32 to index
        %swap3A_287 = arith.constant 16 : index
        %swap3A_288 = tpu.vector_load %arg14[%swap3A_286, %swap3A_287] {strides = array<i32>} : memref<128x64xf32, #tpu.memory_space<vmem>>, vector<1x16xf32>,
        %swap3A_289 = vector.shape_cast %swap3A_288 : vector<1x16xf32> to vector<16xf32>
        %swap3A_290 = vector.shape_cast %add3A_285 : vector<16xf32> to vector<1x16xf32>
        tpu.vector_store %arg14[%swap3A_286, %swap3A_287], %swap3A_290 {strides = array<i32>} : memref<128x64xf32, #tpu.memory_space<vmem>>, vector<1x16xf32>,
        %get3A_291 = arith.index_cast %while3A_237 : i32 to index
        %get3A_292 = arith.constant 32 : index
        %get3A_293 = tpu.vector_load %arg14[%get3A_291, %get3A_292] {strides = array<i32>} : memref<128x64xf32, #tpu.memory_space<vmem>>, vector<1x16xf32>,
        %get3A_294 = vector.shape_cast %get3A_293 : vector<1x16xf32> to vector<16xf32>
        %add3A_295 = arith.addf %get3A_294, %while3A_271#2 : vector<16xf32>
        %swap3A_296 = arith.index_cast %while3A_237 : i32 to index
        %swap3A_297 = arith.constant 32 : index
        %swap3A_298 = tpu.vector_load %arg14[%swap3A_296, %swap3A_297] {strides = array<i32>} : memref<128x64xf32, #tpu.memory_space<vmem>>, vector<1x16xf32>,
        %swap3A_299 = vector.shape_cast %swap3A_298 : vector<1x16xf32> to vector<16xf32>
        %swap3A_300 = vector.shape_cast %add3A_295 : vector<16xf32> to vector<1x16xf32>
        tpu.vector_store %arg14[%swap3A_296, %swap3A_297], %swap3A_300 {strides = array<i32>} : memref<128x64xf32, #tpu.memory_space<vmem>>, vector<1x16xf32>,
        %get3A_301 = arith.index_cast %while3A_237 : i32 to index
        %get3A_302 = arith.constant 48 : index
        %get3A_303 = tpu.vector_load %arg14[%get3A_301, %get3A_302] {strides = array<i32>} : memref<128x64xf32, #tpu.memory_space<vmem>>, vector<1x16xf32>,
        %get3A_304 = vector.shape_cast %get3A_303 : vector<1x16xf32> to vector<16xf32>
        %add3A_305 = arith.addf %get3A_304, %while3A_271#3 : vector<16xf32>
        %swap3A_306 = arith.index_cast %while3A_237 : i32 to index
        %swap3A_307 = arith.constant 48 : index
        %swap3A_308 = tpu.vector_load %arg14[%swap3A_306, %swap3A_307] {strides = array<i32>} : memref<128x64xf32, #tpu.memory_space<vmem>>, vector<1x16xf32>,
        %swap3A_309 = vector.shape_cast %swap3A_308 : vector<1x16xf32> to vector<16xf32>
        %swap3A_310 = vector.shape_cast %add3A_305 : vector<16xf32> to vector<1x16xf32>
        tpu.vector_store %arg14[%swap3A_306, %swap3A_307], %swap3A_310 {strides = array<i32>} : memref<128x64xf32, #tpu.memory_space<vmem>>, vector<1x16xf32>,
        %while3A_311 = arith.constant 0 : i32
        scf.yield %while3A_311 : i32
      }
      %add3A_234 = arith.constant 4 : i32
      %add3A_235 = arith.addi %while3A_179, %add3A_234 : i32
      %lt3A = arith.cmpi slt, %add3A_235, %sub3A_60 : i32
      %convert_element_type3A = arith.extui %lt3A : i1 to i32
      %cond3A = arith.constant 0 : i32
      %cond3A_236 = arith.cmpi ne, %convert_element_type3A, %cond3A : i32
      scf.if %cond3A_236 {
        %add3A_237 = arith.constant 4 : i32
        %add3A_238 = arith.addi %add3A_180, %add3A_237 : i32
        %mul3A_239 = arith.constant 128 : i32
        %mul3A_240 = arith.muli %add3A_238, %mul3A_239 : i32
        %multiple_of3A = tpu.assume_multiple %mul3A_240, 128 : i32
        "tpu.region"() ({
          %run_scoped3A = tpu.sem_alloc : memref<!tpu.dma_semaphore, #tpu.memory_space<semaphore_mem>>
          %dma_start3A_252 = arith.constant 0 : i32
          %dma_start3A_253 = tpu.memref_slice %arg11[%rem3A_182, %dma_start3A_252] : memref<4x128xi32, #tpu.memory_space<vmem>> -> memref<1x128xi32, #tpu.memory_space<vmem>>
          %dma_start3A_254 = tpu.memref_squeeze %dma_start3A_253 : memref<1x128xi32, #tpu.memory_space<vmem>> -> memref<128xi32, #tpu.memory_space<vmem>>
          %dma_start3A_255 = tpu.memref_slice %arg2[%multiple_of3A] : memref<204800xi32, #tpu.memory_space<hbm>> -> memref<128xi32, #tpu.memory_space<hbm>>
          %dma_start3A_256 = arith.constant 0 : i32
          %dma_start3A_257 = tpu.memref_slice %arg11[%rem3A_182, %dma_start3A_256] : memref<4x128xi32, #tpu.memory_space<vmem>> -> memref<1x128xi32, #tpu.memory_space<vmem>>
          %dma_start3A_258 = tpu.memref_squeeze %dma_start3A_257 : memref<1x128xi32, #tpu.memory_space<vmem>> -> memref<128xi32, #tpu.memory_space<vmem>>
          %dma_start3A_259 = tpu.memref_slice %arg2[%multiple_of3A] : memref<204800xi32, #tpu.memory_space<hbm>> -> memref<128xi32, #tpu.memory_space<hbm>>
          tpu.enqueue_dma source(%dma_start3A_259 : memref<128xi32, #tpu.memory_space<hbm>>) target(%dma_start3A_258 : memref<128xi32, #tpu.memory_space<vmem>>) target_semaphore(%run_scoped3A : memref<!tpu.dma_semaphore, #tpu.memory_space<semaphore_mem>>)
          %dma_wait3A_260 = arith.constant 0 : i32
          %dma_wait3A_261 = tpu.memref_slice %arg11[%rem3A_182, %dma_wait3A_260] : memref<4x128xi32, #tpu.memory_space<vmem>> -> memref<1x128xi32, #tpu.memory_space<vmem>>
          %dma_wait3A_262 = tpu.memref_squeeze %dma_wait3A_261 : memref<1x128xi32, #tpu.memory_space<vmem>> -> memref<128xi32, #tpu.memory_space<vmem>>
          %dma_wait3A_263 = tpu.memref_slice %arg2[%multiple_of3A] : memref<204800xi32, #tpu.memory_space<hbm>> -> memref<128xi32, #tpu.memory_space<hbm>>
          %dma_wait3A_264 = arith.constant 0 : i32
          %dma_wait3A_265 = tpu.memref_slice %arg11[%rem3A_182, %dma_wait3A_264] : memref<4x128xi32, #tpu.memory_space<vmem>> -> memref<1x128xi32, #tpu.memory_space<vmem>>
          %dma_wait3A_266 = tpu.memref_squeeze %dma_wait3A_265 : memref<1x128xi32, #tpu.memory_space<vmem>> -> memref<128xi32, #tpu.memory_space<vmem>>
          %dma_wait3A_267 = tpu.memref_slice %arg2[%multiple_of3A] : memref<204800xi32, #tpu.memory_space<hbm>> -> memref<128xi32, #tpu.memory_space<hbm>>
          tpu.wait_dma2 semaphore(%run_scoped3A : memref<!tpu.dma_semaphore, #tpu.memory_space<semaphore_mem>>) src(%dma_wait3A_267 : memref<128xi32, #tpu.memory_space<hbm>>) dst(%dma_wait3A_266 : memref<128xi32, #tpu.memory_space<vmem>>)
          tpu.yield
        }) : () -> ()
        %dma_start3A = arith.constant 0 : i32
        %dma_start3A_241 = arith.constant 0 : i32
        %dma_start3A_242 = tpu.memref_slice %arg12[%rem3A_182, %dma_start3A, %dma_start3A_241] : memref<4x128x64xf32, #tpu.memory_space<vmem>> -> memref<1x128x64xf32, #tpu.memory_space<vmem>>
        %dma_start3A_243 = tpu.memref_squeeze %dma_start3A_242 : memref<1x128x64xf32, #tpu.memory_space<vmem>> -> memref<128x64xf32, #tpu.memory_space<vmem>>
        %dma_start3A_244 = arith.constant 0 : i32
        %dma_start3A_245 = tpu.memref_slice %arg11[%rem3A_182, %dma_start3A_244] : memref<4x128xi32, #tpu.memory_space<vmem>> -> memref<1x128xi32, #tpu.memory_space<vmem>>
        %dma_start3A_246 = tpu.memref_squeeze %dma_start3A_245 : memref<1x128xi32, #tpu.memory_space<vmem>> -> memref<128xi32, #tpu.memory_space<vmem>>
        %dma_start3A_247 = arith.constant 0 : i32
        %dma_start3A_248 = arith.constant 0 : i32
        %dma_start3A_249 = tpu.memref_slice %arg6[%dma_start3A_247, %dma_start3A_248] : memref<1000000x64xf32, #tpu.memory_space<hbm>> -> memref<1000000x64xf32, #tpu.memory_space<hbm>>
        %dma_start3A_250 = tpu.memref_slice %arg16[%rem3A_182] : memref<4x!tpu.dma_semaphore, #tpu.memory_space<semaphore_mem>> -> memref<1x!tpu.dma_semaphore, #tpu.memory_space<semaphore_mem>>
        %dma_start3A_251 = tpu.memref_squeeze %dma_start3A_250 : memref<1x!tpu.dma_semaphore, #tpu.memory_space<semaphore_mem>> -> memref<!tpu.dma_semaphore, #tpu.memory_space<semaphore_mem>>
        tpu.enqueue_indirect_dma source(%dma_start3A_249 : memref<1000000x64xf32, #tpu.memory_space<hbm>>) target(%dma_start3A_243 : memref<128x64xf32, #tpu.memory_space<vmem>>) offsets(%dma_start3A_246 : memref<128xi32, #tpu.memory_space<vmem>>) semaphore(%dma_start3A_251 : memref<!tpu.dma_semaphore, #tpu.memory_space<semaphore_mem>>)
      } else {
      }
    }
    %while3A_82 = arith.constant 1 : i32
    scf.for %while3A_179 = %while3A_80 to %while3A_76 step %while3A_82  : i32 {
      %add3A_180 = arith.addi %select_n3A, %while3A_179 : i32
      %rem3A_181 = arith.constant 4 : i32
      %rem3A_182 = arith.remsi %while3A_179, %rem3A_181 : i32
      %dma_wait3A = arith.constant 0 : i32
      %dma_wait3A_183 = arith.constant 0 : i32
      %dma_wait3A_184 = tpu.memref_slice %arg12[%rem3A_182, %dma_wait3A, %dma_wait3A_183] : memref<4x128x64xf32, #tpu.memory_space<vmem>> -> memref<1x128x64xf32, #tpu.memory_space<vmem>>
      %dma_wait3A_185 = tpu.memref_squeeze %dma_wait3A_184 : memref<1x128x64xf32, #tpu.memory_space<vmem>> -> memref<128x64xf32, #tpu.memory_space<vmem>>
      %dma_wait3A_186 = arith.constant 0 : i32
      %dma_wait3A_187 = tpu.memref_slice %arg11[%rem3A_182, %dma_wait3A_186] : memref<4x128xi32, #tpu.memory_space<vmem>> -> memref<1x128xi32, #tpu.memory_space<vmem>>
      %dma_wait3A_188 = tpu.memref_squeeze %dma_wait3A_187 : memref<1x128xi32, #tpu.memory_space<vmem>> -> memref<128xi32, #tpu.memory_space<vmem>>
      %dma_wait3A_189 = arith.constant 0 : i32
      %dma_wait3A_190 = arith.constant 0 : i32
      %dma_wait3A_191 = tpu.memref_slice %arg6[%dma_wait3A_189, %dma_wait3A_190] : memref<1000000x64xf32, #tpu.memory_space<hbm>> -> memref<1000000x64xf32, #tpu.memory_space<hbm>>
      %dma_wait3A_192 = tpu.memref_slice %arg16[%rem3A_182] : memref<4x!tpu.dma_semaphore, #tpu.memory_space<semaphore_mem>> -> memref<1x!tpu.dma_semaphore, #tpu.memory_space<semaphore_mem>>
      %dma_wait3A_193 = tpu.memref_squeeze %dma_wait3A_192 : memref<1x!tpu.dma_semaphore, #tpu.memory_space<semaphore_mem>> -> memref<!tpu.dma_semaphore, #tpu.memory_space<semaphore_mem>>
      tpu.wait_indirect_dma semaphore(%dma_wait3A_193 : memref<!tpu.dma_semaphore, #tpu.memory_space<semaphore_mem>>) src(%dma_wait3A_191 : memref<1000000x64xf32, #tpu.memory_space<hbm>>) dst(%dma_wait3A_185 : memref<128x64xf32, #tpu.memory_space<vmem>>)
      %mul3A_194 = arith.constant 128 : i32
      %mul3A_195 = arith.muli %add3A_180, %mul3A_194 : i32
      %max3A = arith.maxsi %mul3A_195, %squeeze3A : i32
      %add3A_196 = arith.constant 128 : i32
      %add3A_197 = arith.addi %mul3A_195, %add3A_196 : i32
      %min3A_198 = arith.minsi %add3A_197, %squeeze3A_15 : i32
      %scan3A_199 = arith.constant 0 : i32
      %scan3A_200 = arith.constant 129 : i32
      %scan3A_201 = arith.constant 0 : i32
      %scan3A_202 = arith.constant 8 : i32
      %scan3A_203 = arith.addi %scan3A_201, %scan3A_202 : i32
      %scan3A_204 = arith.constant 1 : i32
      %scan3A_205:2 = scf.for %scan3A_237 = %scan3A_201 to %scan3A_203 step %scan3A_204 iter_args(%scan3A_238 = %scan3A_199, %scan3A_239 = %scan3A_200) -> (i32, i32)  : i32 {
        %lt3A_240 = arith.cmpi slt, %scan3A_238, %scan3A_239 : i32
        %add3A_241 = arith.addi %scan3A_238, %scan3A_239 : i32
        %jit3A_242 = arith.constant 2 : i32
        %div3A_243 = arith.divsi %add3A_241, %jit3A_242 : i32
        %sign3A_244 = arith.constant 0 : i32
        %sign3A_245 = arith.cmpi sgt, %add3A_241, %sign3A_244 : i32
        %sign3A_246 = arith.extui %sign3A_245 : i1 to i32
        %sign3A_247 = arith.constant 0 : i32
        %sign3A_248 = arith.cmpi slt, %add3A_241, %sign3A_247 : i32
        %sign3A_249 = arith.extui %sign3A_248 : i1 to i32
        %sign3A_250 = arith.subi %sign3A_246, %sign3A_249 : i32
        %sign3A_251 = arith.constant 0 : i32
        %sign3A_252 = arith.cmpi sgt, %jit3A_242, %sign3A_251 : i32
        %sign3A_253 = arith.extui %sign3A_252 : i1 to i32
        %sign3A_254 = arith.constant 0 : i32
        %sign3A_255 = arith.cmpi slt, %jit3A_242, %sign3A_254 : i32
        %sign3A_256 = arith.extui %sign3A_255 : i1 to i32
        %sign3A_257 = arith.subi %sign3A_253, %sign3A_256 : i32
        %ne3A_258 = arith.cmpi ne, %sign3A_250, %sign3A_257 : i32
        %rem3A_259 = arith.remsi %add3A_241, %jit3A_242 : i32
        %ne3A_260 = arith.constant 0 : i32
        %ne3A_261 = arith.cmpi ne, %rem3A_259, %ne3A_260 : i32
        %and3A_262 = arith.andi %ne3A_258, %ne3A_261 : i1
        %sub3A_263 = arith.constant 1 : i32
        %sub3A_264 = arith.subi %div3A_243, %sub3A_263 : i32
        %select_n3A_265 = arith.select %and3A_262, %sub3A_264, %div3A_243 : i32
        %min3A_266 = arith.constant 128 : i32
        %min3A_267 = arith.minsi %select_n3A_265, %min3A_266 : i32
        %get3A_268 = arith.index_cast %min3A_267 : i32 to index
        %get3A_269 = tpu.vector_load %arg10[%get3A_268] {strides = array<i32>} : memref<152xi32, #tpu.memory_space<vmem>>, vector<16xi32>,
        %get3A_270 = vector.shape_cast %get3A_269 : vector<16xi32> to vector<16xi32>
        %slice3A_271 = vector.extract_strided_slice %get3A_270 {offsets = [0], sizes = [1], strides = [1]} : vector<16xi32> to vector<1xi32>
        %squeeze3A_272 = vector.extract %slice3A_271[0] : i32 from vector<1xi32>
        %gt3A = arith.cmpi sgt, %squeeze3A_272, %max3A : i32
        %add3A_273 = arith.constant 1 : i32
        %add3A_274 = arith.addi %min3A_267, %add3A_273 : i32
        %select_n3A_275 = arith.select %gt3A, %scan3A_238, %add3A_274 : i32
        %select_n3A_276 = arith.select %gt3A, %min3A_267, %scan3A_239 : i32
        %select_n3A_277 = arith.select %lt3A_240, %select_n3A_275, %scan3A_238 : i32
        %select_n3A_278 = arith.select %lt3A_240, %select_n3A_276, %scan3A_239 : i32
        scf.yield %select_n3A_277, %select_n3A_278 : i32, i32
      }
      %scan3A_206 = arith.constant 8 : i32
      %sub3A_207 = arith.constant 1 : i32
      %sub3A_208 = arith.subi %scan3A_205#0, %sub3A_207 : i32
      %sub3A_209 = arith.constant 1 : i32
      %sub3A_210 = arith.subi %min3A_198, %sub3A_209 : i32
      %scan3A_211 = arith.constant 0 : i32
      %scan3A_212 = arith.constant 129 : i32
      %scan3A_213 = arith.constant 0 : i32
      %scan3A_214 = arith.constant 8 : i32
      %scan3A_215 = arith.addi %scan3A_213, %scan3A_214 : i32
      %scan3A_216 = arith.constant 1 : i32
      %scan3A_217:2 = scf.for %scan3A_237 = %scan3A_213 to %scan3A_215 step %scan3A_216 iter_args(%scan3A_238 = %scan3A_211, %scan3A_239 = %scan3A_212) -> (i32, i32)  : i32 {
        %lt3A_240 = arith.cmpi slt, %scan3A_238, %scan3A_239 : i32
        %add3A_241 = arith.addi %scan3A_238, %scan3A_239 : i32
        %jit3A_242 = arith.constant 2 : i32
        %div3A_243 = arith.divsi %add3A_241, %jit3A_242 : i32
        %sign3A_244 = arith.constant 0 : i32
        %sign3A_245 = arith.cmpi sgt, %add3A_241, %sign3A_244 : i32
        %sign3A_246 = arith.extui %sign3A_245 : i1 to i32
        %sign3A_247 = arith.constant 0 : i32
        %sign3A_248 = arith.cmpi slt, %add3A_241, %sign3A_247 : i32
        %sign3A_249 = arith.extui %sign3A_248 : i1 to i32
        %sign3A_250 = arith.subi %sign3A_246, %sign3A_249 : i32
        %sign3A_251 = arith.constant 0 : i32
        %sign3A_252 = arith.cmpi sgt, %jit3A_242, %sign3A_251 : i32
        %sign3A_253 = arith.extui %sign3A_252 : i1 to i32
        %sign3A_254 = arith.constant 0 : i32
        %sign3A_255 = arith.cmpi slt, %jit3A_242, %sign3A_254 : i32
        %sign3A_256 = arith.extui %sign3A_255 : i1 to i32
        %sign3A_257 = arith.subi %sign3A_253, %sign3A_256 : i32
        %ne3A_258 = arith.cmpi ne, %sign3A_250, %sign3A_257 : i32
        %rem3A_259 = arith.remsi %add3A_241, %jit3A_242 : i32
        %ne3A_260 = arith.constant 0 : i32
        %ne3A_261 = arith.cmpi ne, %rem3A_259, %ne3A_260 : i32
        %and3A_262 = arith.andi %ne3A_258, %ne3A_261 : i1
        %sub3A_263 = arith.constant 1 : i32
        %sub3A_264 = arith.subi %div3A_243, %sub3A_263 : i32
        %select_n3A_265 = arith.select %and3A_262, %sub3A_264, %div3A_243 : i32
        %min3A_266 = arith.constant 128 : i32
        %min3A_267 = arith.minsi %select_n3A_265, %min3A_266 : i32
        %get3A_268 = arith.index_cast %min3A_267 : i32 to index
        %get3A_269 = tpu.vector_load %arg10[%get3A_268] {strides = array<i32>} : memref<152xi32, #tpu.memory_space<vmem>>, vector<16xi32>,
        %get3A_270 = vector.shape_cast %get3A_269 : vector<16xi32> to vector<16xi32>
        %slice3A_271 = vector.extract_strided_slice %get3A_270 {offsets = [0], sizes = [1], strides = [1]} : vector<16xi32> to vector<1xi32>
        %squeeze3A_272 = vector.extract %slice3A_271[0] : i32 from vector<1xi32>
        %gt3A = arith.cmpi sgt, %squeeze3A_272, %sub3A_210 : i32
        %add3A_273 = arith.constant 1 : i32
        %add3A_274 = arith.addi %min3A_267, %add3A_273 : i32
        %select_n3A_275 = arith.select %gt3A, %scan3A_238, %add3A_274 : i32
        %select_n3A_276 = arith.select %gt3A, %min3A_267, %scan3A_239 : i32
        %select_n3A_277 = arith.select %lt3A_240, %select_n3A_275, %scan3A_238 : i32
        %select_n3A_278 = arith.select %lt3A_240, %select_n3A_276, %scan3A_239 : i32
        scf.yield %select_n3A_277, %select_n3A_278 : i32, i32
      }
      %scan3A_218 = arith.constant 8 : i32
      %sub3A_219 = arith.constant 1 : i32
      %sub3A_220 = arith.subi %scan3A_217#0, %sub3A_219 : i32
      %add3A_221 = arith.constant 1 : i32
      %add3A_222 = arith.addi %sub3A_220, %add3A_221 : i32
      %while3A_223 = arith.constant 0 : i32
      %while3A_224 = arith.subi %add3A_222, %sub3A_208 : i32
      %while3A_225 = arith.addi %sub3A_208, %while3A_224 : i32
      %while3A_226 = arith.constant 1 : i32
      %while3A_227 = arith.divsi %while3A_224, %while3A_226 : i32
      %while3A_228 = arith.muli %while3A_227, %while3A_226 : i32
      %while3A_229 = arith.addi %sub3A_208, %while3A_228 : i32
      %while3A_230 = arith.constant 1 : i32
      %while3A_231 = scf.for %while3A_237 = %sub3A_208 to %while3A_229 step %while3A_230 iter_args(%while3A_238 = %while3A_223) -> (i32)  : i32 {
        %get3A_239 = arith.index_cast %while3A_237 : i32 to index
        %get3A_240 = tpu.vector_load %arg10[%get3A_239] {strides = array<i32>} : memref<152xi32, #tpu.memory_space<vmem>>, vector<16xi32>,
        %get3A_241 = vector.shape_cast %get3A_240 : vector<16xi32> to vector<16xi32>
        %slice3A_242 = vector.extract_strided_slice %get3A_241 {offsets = [0], sizes = [1], strides = [1]} : vector<16xi32> to vector<1xi32>
        %squeeze3A_243 = vector.extract %slice3A_242[0] : i32 from vector<1xi32>
        %max3A_244 = arith.maxsi %squeeze3A_243, %max3A : i32
        %sub3A_245 = arith.subi %max3A_244, %mul3A_195 : i32
        %add3A_246 = arith.constant 1 : i32
        %add3A_247 = arith.addi %while3A_237, %add3A_246 : i32
        %get3A_248 = arith.index_cast %add3A_247 : i32 to index
        %get3A_249 = tpu.vector_load %arg10[%get3A_248] {strides = array<i32>} : memref<152xi32, #tpu.memory_space<vmem>>, vector<16xi32>,
        %get3A_250 = vector.shape_cast %get3A_249 : vector<16xi32> to vector<16xi32>
        %slice3A_251 = vector.extract_strided_slice %get3A_250 {offsets = [0], sizes = [1], strides = [1]} : vector<16xi32> to vector<1xi32>
        %squeeze3A_252 = vector.extract %slice3A_251[0] : i32 from vector<1xi32>
        %min3A_253 = arith.minsi %squeeze3A_252, %min3A_198 : i32
        %sub3A_254 = arith.subi %min3A_253, %mul3A_195 : i32
        %broadcast_in_dim3A = arith.constant 0.000000e+00 : f32
        %broadcast_in_dim3A_255 = vector.broadcast %broadcast_in_dim3A : f32 to vector<16xf32>
        %broadcast_in_dim3A_256 = arith.constant 0.000000e+00 : f32
        %broadcast_in_dim3A_257 = vector.broadcast %broadcast_in_dim3A_256 : f32 to vector<16xf32>
        %broadcast_in_dim3A_258 = arith.constant 0.000000e+00 : f32
        %broadcast_in_dim3A_259 = vector.broadcast %broadcast_in_dim3A_258 : f32 to vector<16xf32>
        %broadcast_in_dim3A_260 = arith.constant 0.000000e+00 : f32
        %broadcast_in_dim3A_261 = vector.broadcast %broadcast_in_dim3A_260 : f32 to vector<16xf32>
        %while3A_262 = arith.subi %sub3A_254, %sub3A_245 : i32
        %while3A_263 = arith.addi %sub3A_245, %while3A_262 : i32
        %while3A_264 = arith.constant 1 : i32
        %while3A_265 = arith.divsi %while3A_262, %while3A_264 : i32
        %while3A_266 = arith.muli %while3A_265, %while3A_264 : i32
        %while3A_267 = arith.addi %sub3A_245, %while3A_266 : i32
        %while3A_268 = arith.constant 1 : i32
        %while3A_269:4 = scf.for %while3A_312 = %sub3A_245 to %while3A_267 step %while3A_268 iter_args(%while3A_313 = %broadcast_in_dim3A_255, %while3A_314 = %broadcast_in_dim3A_257, %while3A_315 = %broadcast_in_dim3A_259, %while3A_316 = %broadcast_in_dim3A_261) -> (vector<16xf32>, vector<16xf32>, vector<16xf32>, vector<16xf32>)  : i32 {
          %get3A_317 = arith.index_cast %rem3A_182 : i32 to index
          %get3A_318 = arith.index_cast %while3A_312 : i32 to index
          %get3A_319 = arith.constant 0 : index
          %get3A_320 = tpu.vector_load %arg12[%get3A_317, %get3A_318, %get3A_319] {strides = array<i32>} : memref<4x128x64xf32, #tpu.memory_space<vmem>>, vector<1x1x16xf32>,
          %get3A_321 = vector.shape_cast %get3A_320 : vector<1x1x16xf32> to vector<16xf32>
          %add3A_322 = arith.addf %while3A_313, %get3A_321 : vector<16xf32>
          %get3A_323 = arith.index_cast %rem3A_182 : i32 to index
          %get3A_324 = arith.index_cast %while3A_312 : i32 to index
          %get3A_325 = arith.constant 16 : index
          %get3A_326 = tpu.vector_load %arg12[%get3A_323, %get3A_324, %get3A_325] {strides = array<i32>} : memref<4x128x64xf32, #tpu.memory_space<vmem>>, vector<1x1x16xf32>,
          %get3A_327 = vector.shape_cast %get3A_326 : vector<1x1x16xf32> to vector<16xf32>
          %add3A_328 = arith.addf %while3A_314, %get3A_327 : vector<16xf32>
          %get3A_329 = arith.index_cast %rem3A_182 : i32 to index
          %get3A_330 = arith.index_cast %while3A_312 : i32 to index
          %get3A_331 = arith.constant 32 : index
          %get3A_332 = tpu.vector_load %arg12[%get3A_329, %get3A_330, %get3A_331] {strides = array<i32>} : memref<4x128x64xf32, #tpu.memory_space<vmem>>, vector<1x1x16xf32>,
          %get3A_333 = vector.shape_cast %get3A_332 : vector<1x1x16xf32> to vector<16xf32>
          %add3A_334 = arith.addf %while3A_315, %get3A_333 : vector<16xf32>
          %get3A_335 = arith.index_cast %rem3A_182 : i32 to index
          %get3A_336 = arith.index_cast %while3A_312 : i32 to index
          %get3A_337 = arith.constant 48 : index
          %get3A_338 = tpu.vector_load %arg12[%get3A_335, %get3A_336, %get3A_337] {strides = array<i32>} : memref<4x128x64xf32, #tpu.memory_space<vmem>>, vector<1x1x16xf32>,
          %get3A_339 = vector.shape_cast %get3A_338 : vector<1x1x16xf32> to vector<16xf32>
          %add3A_340 = arith.addf %while3A_316, %get3A_339 : vector<16xf32>
          scf.yield %add3A_322, %add3A_328, %add3A_334, %add3A_340 : vector<16xf32>, vector<16xf32>, vector<16xf32>, vector<16xf32>
        }
        %while3A_270 = arith.constant 1 : i32
        %while3A_271:4 = scf.for %while3A_312 = %while3A_267 to %while3A_263 step %while3A_270 iter_args(%while3A_313 = %while3A_269#0, %while3A_314 = %while3A_269#1, %while3A_315 = %while3A_269#2, %while3A_316 = %while3A_269#3) -> (vector<16xf32>, vector<16xf32>, vector<16xf32>, vector<16xf32>)  : i32 {
          %get3A_317 = arith.index_cast %rem3A_182 : i32 to index
          %get3A_318 = arith.index_cast %while3A_312 : i32 to index
          %get3A_319 = arith.constant 0 : index
          %get3A_320 = tpu.vector_load %arg12[%get3A_317, %get3A_318, %get3A_319] {strides = array<i32>} : memref<4x128x64xf32, #tpu.memory_space<vmem>>, vector<1x1x16xf32>,
          %get3A_321 = vector.shape_cast %get3A_320 : vector<1x1x16xf32> to vector<16xf32>
          %add3A_322 = arith.addf %while3A_313, %get3A_321 : vector<16xf32>
          %get3A_323 = arith.index_cast %rem3A_182 : i32 to index
          %get3A_324 = arith.index_cast %while3A_312 : i32 to index
          %get3A_325 = arith.constant 16 : index
          %get3A_326 = tpu.vector_load %arg12[%get3A_323, %get3A_324, %get3A_325] {strides = array<i32>} : memref<4x128x64xf32, #tpu.memory_space<vmem>>, vector<1x1x16xf32>,
          %get3A_327 = vector.shape_cast %get3A_326 : vector<1x1x16xf32> to vector<16xf32>
          %add3A_328 = arith.addf %while3A_314, %get3A_327 : vector<16xf32>
          %get3A_329 = arith.index_cast %rem3A_182 : i32 to index
          %get3A_330 = arith.index_cast %while3A_312 : i32 to index
          %get3A_331 = arith.constant 32 : index
          %get3A_332 = tpu.vector_load %arg12[%get3A_329, %get3A_330, %get3A_331] {strides = array<i32>} : memref<4x128x64xf32, #tpu.memory_space<vmem>>, vector<1x1x16xf32>,
          %get3A_333 = vector.shape_cast %get3A_332 : vector<1x1x16xf32> to vector<16xf32>
          %add3A_334 = arith.addf %while3A_315, %get3A_333 : vector<16xf32>
          %get3A_335 = arith.index_cast %rem3A_182 : i32 to index
          %get3A_336 = arith.index_cast %while3A_312 : i32 to index
          %get3A_337 = arith.constant 48 : index
          %get3A_338 = tpu.vector_load %arg12[%get3A_335, %get3A_336, %get3A_337] {strides = array<i32>} : memref<4x128x64xf32, #tpu.memory_space<vmem>>, vector<1x1x16xf32>,
          %get3A_339 = vector.shape_cast %get3A_338 : vector<1x1x16xf32> to vector<16xf32>
          %add3A_340 = arith.addf %while3A_316, %get3A_339 : vector<16xf32>
          scf.yield %add3A_322, %add3A_328, %add3A_334, %add3A_340 : vector<16xf32>, vector<16xf32>, vector<16xf32>, vector<16xf32>
        }
        %get3A_272 = arith.index_cast %while3A_237 : i32 to index
        %get3A_273 = arith.constant 0 : index
        %get3A_274 = tpu.vector_load %arg14[%get3A_272, %get3A_273] {strides = array<i32>} : memref<128x64xf32, #tpu.memory_space<vmem>>, vector<1x16xf32>,
        %get3A_275 = vector.shape_cast %get3A_274 : vector<1x16xf32> to vector<16xf32>
        %add3A_276 = arith.addf %get3A_275, %while3A_271#0 : vector<16xf32>
        %swap3A = arith.index_cast %while3A_237 : i32 to index
        %swap3A_277 = arith.constant 0 : index
        %swap3A_278 = tpu.vector_load %arg14[%swap3A, %swap3A_277] {strides = array<i32>} : memref<128x64xf32, #tpu.memory_space<vmem>>, vector<1x16xf32>,
        %swap3A_279 = vector.shape_cast %swap3A_278 : vector<1x16xf32> to vector<16xf32>
        %swap3A_280 = vector.shape_cast %add3A_276 : vector<16xf32> to vector<1x16xf32>
        tpu.vector_store %arg14[%swap3A, %swap3A_277], %swap3A_280 {strides = array<i32>} : memref<128x64xf32, #tpu.memory_space<vmem>>, vector<1x16xf32>,
        %get3A_281 = arith.index_cast %while3A_237 : i32 to index
        %get3A_282 = arith.constant 16 : index
        %get3A_283 = tpu.vector_load %arg14[%get3A_281, %get3A_282] {strides = array<i32>} : memref<128x64xf32, #tpu.memory_space<vmem>>, vector<1x16xf32>,
        %get3A_284 = vector.shape_cast %get3A_283 : vector<1x16xf32> to vector<16xf32>
        %add3A_285 = arith.addf %get3A_284, %while3A_271#1 : vector<16xf32>
        %swap3A_286 = arith.index_cast %while3A_237 : i32 to index
        %swap3A_287 = arith.constant 16 : index
        %swap3A_288 = tpu.vector_load %arg14[%swap3A_286, %swap3A_287] {strides = array<i32>} : memref<128x64xf32, #tpu.memory_space<vmem>>, vector<1x16xf32>,
        %swap3A_289 = vector.shape_cast %swap3A_288 : vector<1x16xf32> to vector<16xf32>
        %swap3A_290 = vector.shape_cast %add3A_285 : vector<16xf32> to vector<1x16xf32>
        tpu.vector_store %arg14[%swap3A_286, %swap3A_287], %swap3A_290 {strides = array<i32>} : memref<128x64xf32, #tpu.memory_space<vmem>>, vector<1x16xf32>,
        %get3A_291 = arith.index_cast %while3A_237 : i32 to index
        %get3A_292 = arith.constant 32 : index
        %get3A_293 = tpu.vector_load %arg14[%get3A_291, %get3A_292] {strides = array<i32>} : memref<128x64xf32, #tpu.memory_space<vmem>>, vector<1x16xf32>,
        %get3A_294 = vector.shape_cast %get3A_293 : vector<1x16xf32> to vector<16xf32>
        %add3A_295 = arith.addf %get3A_294, %while3A_271#2 : vector<16xf32>
        %swap3A_296 = arith.index_cast %while3A_237 : i32 to index
        %swap3A_297 = arith.constant 32 : index
        %swap3A_298 = tpu.vector_load %arg14[%swap3A_296, %swap3A_297] {strides = array<i32>} : memref<128x64xf32, #tpu.memory_space<vmem>>, vector<1x16xf32>,
        %swap3A_299 = vector.shape_cast %swap3A_298 : vector<1x16xf32> to vector<16xf32>
        %swap3A_300 = vector.shape_cast %add3A_295 : vector<16xf32> to vector<1x16xf32>
        tpu.vector_store %arg14[%swap3A_296, %swap3A_297], %swap3A_300 {strides = array<i32>} : memref<128x64xf32, #tpu.memory_space<vmem>>, vector<1x16xf32>,
        %get3A_301 = arith.index_cast %while3A_237 : i32 to index
        %get3A_302 = arith.constant 48 : index
        %get3A_303 = tpu.vector_load %arg14[%get3A_301, %get3A_302] {strides = array<i32>} : memref<128x64xf32, #tpu.memory_space<vmem>>, vector<1x16xf32>,
        %get3A_304 = vector.shape_cast %get3A_303 : vector<1x16xf32> to vector<16xf32>
        %add3A_305 = arith.addf %get3A_304, %while3A_271#3 : vector<16xf32>
        %swap3A_306 = arith.index_cast %while3A_237 : i32 to index
        %swap3A_307 = arith.constant 48 : index
        %swap3A_308 = tpu.vector_load %arg14[%swap3A_306, %swap3A_307] {strides = array<i32>} : memref<128x64xf32, #tpu.memory_space<vmem>>, vector<1x16xf32>,
        %swap3A_309 = vector.shape_cast %swap3A_308 : vector<1x16xf32> to vector<16xf32>
        %swap3A_310 = vector.shape_cast %add3A_305 : vector<16xf32> to vector<1x16xf32>
        tpu.vector_store %arg14[%swap3A_306, %swap3A_307], %swap3A_310 {strides = array<i32>} : memref<128x64xf32, #tpu.memory_space<vmem>>, vector<1x16xf32>,
        %while3A_311 = arith.constant 0 : i32
        scf.yield %while3A_311 : i32
      }
      %while3A_232 = arith.constant 1 : i32
      %while3A_233 = scf.for %while3A_237 = %while3A_229 to %while3A_225 step %while3A_232 iter_args(%while3A_238 = %while3A_231) -> (i32)  : i32 {
        %get3A_239 = arith.index_cast %while3A_237 : i32 to index
        %get3A_240 = tpu.vector_load %arg10[%get3A_239] {strides = array<i32>} : memref<152xi32, #tpu.memory_space<vmem>>, vector<16xi32>,
        %get3A_241 = vector.shape_cast %get3A_240 : vector<16xi32> to vector<16xi32>
        %slice3A_242 = vector.extract_strided_slice %get3A_241 {offsets = [0], sizes = [1], strides = [1]} : vector<16xi32> to vector<1xi32>
        %squeeze3A_243 = vector.extract %slice3A_242[0] : i32 from vector<1xi32>
        %max3A_244 = arith.maxsi %squeeze3A_243, %max3A : i32
        %sub3A_245 = arith.subi %max3A_244, %mul3A_195 : i32
        %add3A_246 = arith.constant 1 : i32
        %add3A_247 = arith.addi %while3A_237, %add3A_246 : i32
        %get3A_248 = arith.index_cast %add3A_247 : i32 to index
        %get3A_249 = tpu.vector_load %arg10[%get3A_248] {strides = array<i32>} : memref<152xi32, #tpu.memory_space<vmem>>, vector<16xi32>,
        %get3A_250 = vector.shape_cast %get3A_249 : vector<16xi32> to vector<16xi32>
        %slice3A_251 = vector.extract_strided_slice %get3A_250 {offsets = [0], sizes = [1], strides = [1]} : vector<16xi32> to vector<1xi32>
        %squeeze3A_252 = vector.extract %slice3A_251[0] : i32 from vector<1xi32>
        %min3A_253 = arith.minsi %squeeze3A_252, %min3A_198 : i32
        %sub3A_254 = arith.subi %min3A_253, %mul3A_195 : i32
        %broadcast_in_dim3A = arith.constant 0.000000e+00 : f32
        %broadcast_in_dim3A_255 = vector.broadcast %broadcast_in_dim3A : f32 to vector<16xf32>
        %broadcast_in_dim3A_256 = arith.constant 0.000000e+00 : f32
        %broadcast_in_dim3A_257 = vector.broadcast %broadcast_in_dim3A_256 : f32 to vector<16xf32>
        %broadcast_in_dim3A_258 = arith.constant 0.000000e+00 : f32
        %broadcast_in_dim3A_259 = vector.broadcast %broadcast_in_dim3A_258 : f32 to vector<16xf32>
        %broadcast_in_dim3A_260 = arith.constant 0.000000e+00 : f32
        %broadcast_in_dim3A_261 = vector.broadcast %broadcast_in_dim3A_260 : f32 to vector<16xf32>
        %while3A_262 = arith.subi %sub3A_254, %sub3A_245 : i32
        %while3A_263 = arith.addi %sub3A_245, %while3A_262 : i32
        %while3A_264 = arith.constant 1 : i32
        %while3A_265 = arith.divsi %while3A_262, %while3A_264 : i32
        %while3A_266 = arith.muli %while3A_265, %while3A_264 : i32
        %while3A_267 = arith.addi %sub3A_245, %while3A_266 : i32
        %while3A_268 = arith.constant 1 : i32
        %while3A_269:4 = scf.for %while3A_312 = %sub3A_245 to %while3A_267 step %while3A_268 iter_args(%while3A_313 = %broadcast_in_dim3A_255, %while3A_314 = %broadcast_in_dim3A_257, %while3A_315 = %broadcast_in_dim3A_259, %while3A_316 = %broadcast_in_dim3A_261) -> (vector<16xf32>, vector<16xf32>, vector<16xf32>, vector<16xf32>)  : i32 {
          %get3A_317 = arith.index_cast %rem3A_182 : i32 to index
          %get3A_318 = arith.index_cast %while3A_312 : i32 to index
          %get3A_319 = arith.constant 0 : index
          %get3A_320 = tpu.vector_load %arg12[%get3A_317, %get3A_318, %get3A_319] {strides = array<i32>} : memref<4x128x64xf32, #tpu.memory_space<vmem>>, vector<1x1x16xf32>,
          %get3A_321 = vector.shape_cast %get3A_320 : vector<1x1x16xf32> to vector<16xf32>
          %add3A_322 = arith.addf %while3A_313, %get3A_321 : vector<16xf32>
          %get3A_323 = arith.index_cast %rem3A_182 : i32 to index
          %get3A_324 = arith.index_cast %while3A_312 : i32 to index
          %get3A_325 = arith.constant 16 : index
          %get3A_326 = tpu.vector_load %arg12[%get3A_323, %get3A_324, %get3A_325] {strides = array<i32>} : memref<4x128x64xf32, #tpu.memory_space<vmem>>, vector<1x1x16xf32>,
          %get3A_327 = vector.shape_cast %get3A_326 : vector<1x1x16xf32> to vector<16xf32>
          %add3A_328 = arith.addf %while3A_314, %get3A_327 : vector<16xf32>
          %get3A_329 = arith.index_cast %rem3A_182 : i32 to index
          %get3A_330 = arith.index_cast %while3A_312 : i32 to index
          %get3A_331 = arith.constant 32 : index
          %get3A_332 = tpu.vector_load %arg12[%get3A_329, %get3A_330, %get3A_331] {strides = array<i32>} : memref<4x128x64xf32, #tpu.memory_space<vmem>>, vector<1x1x16xf32>,
          %get3A_333 = vector.shape_cast %get3A_332 : vector<1x1x16xf32> to vector<16xf32>
          %add3A_334 = arith.addf %while3A_315, %get3A_333 : vector<16xf32>
          %get3A_335 = arith.index_cast %rem3A_182 : i32 to index
          %get3A_336 = arith.index_cast %while3A_312 : i32 to index
          %get3A_337 = arith.constant 48 : index
          %get3A_338 = tpu.vector_load %arg12[%get3A_335, %get3A_336, %get3A_337] {strides = array<i32>} : memref<4x128x64xf32, #tpu.memory_space<vmem>>, vector<1x1x16xf32>,
          %get3A_339 = vector.shape_cast %get3A_338 : vector<1x1x16xf32> to vector<16xf32>
          %add3A_340 = arith.addf %while3A_316, %get3A_339 : vector<16xf32>
          scf.yield %add3A_322, %add3A_328, %add3A_334, %add3A_340 : vector<16xf32>, vector<16xf32>, vector<16xf32>, vector<16xf32>
        }
        %while3A_270 = arith.constant 1 : i32
        %while3A_271:4 = scf.for %while3A_312 = %while3A_267 to %while3A_263 step %while3A_270 iter_args(%while3A_313 = %while3A_269#0, %while3A_314 = %while3A_269#1, %while3A_315 = %while3A_269#2, %while3A_316 = %while3A_269#3) -> (vector<16xf32>, vector<16xf32>, vector<16xf32>, vector<16xf32>)  : i32 {
          %get3A_317 = arith.index_cast %rem3A_182 : i32 to index
          %get3A_318 = arith.index_cast %while3A_312 : i32 to index
          %get3A_319 = arith.constant 0 : index
          %get3A_320 = tpu.vector_load %arg12[%get3A_317, %get3A_318, %get3A_319] {strides = array<i32>} : memref<4x128x64xf32, #tpu.memory_space<vmem>>, vector<1x1x16xf32>,
          %get3A_321 = vector.shape_cast %get3A_320 : vector<1x1x16xf32> to vector<16xf32>
          %add3A_322 = arith.addf %while3A_313, %get3A_321 : vector<16xf32>
          %get3A_323 = arith.index_cast %rem3A_182 : i32 to index
          %get3A_324 = arith.index_cast %while3A_312 : i32 to index
          %get3A_325 = arith.constant 16 : index
          %get3A_326 = tpu.vector_load %arg12[%get3A_323, %get3A_324, %get3A_325] {strides = array<i32>} : memref<4x128x64xf32, #tpu.memory_space<vmem>>, vector<1x1x16xf32>,
          %get3A_327 = vector.shape_cast %get3A_326 : vector<1x1x16xf32> to vector<16xf32>
          %add3A_328 = arith.addf %while3A_314, %get3A_327 : vector<16xf32>
          %get3A_329 = arith.index_cast %rem3A_182 : i32 to index
          %get3A_330 = arith.index_cast %while3A_312 : i32 to index
          %get3A_331 = arith.constant 32 : index
          %get3A_332 = tpu.vector_load %arg12[%get3A_329, %get3A_330, %get3A_331] {strides = array<i32>} : memref<4x128x64xf32, #tpu.memory_space<vmem>>, vector<1x1x16xf32>,
          %get3A_333 = vector.shape_cast %get3A_332 : vector<1x1x16xf32> to vector<16xf32>
          %add3A_334 = arith.addf %while3A_315, %get3A_333 : vector<16xf32>
          %get3A_335 = arith.index_cast %rem3A_182 : i32 to index
          %get3A_336 = arith.index_cast %while3A_312 : i32 to index
          %get3A_337 = arith.constant 48 : index
          %get3A_338 = tpu.vector_load %arg12[%get3A_335, %get3A_336, %get3A_337] {strides = array<i32>} : memref<4x128x64xf32, #tpu.memory_space<vmem>>, vector<1x1x16xf32>,
          %get3A_339 = vector.shape_cast %get3A_338 : vector<1x1x16xf32> to vector<16xf32>
          %add3A_340 = arith.addf %while3A_316, %get3A_339 : vector<16xf32>
          scf.yield %add3A_322, %add3A_328, %add3A_334, %add3A_340 : vector<16xf32>, vector<16xf32>, vector<16xf32>, vector<16xf32>
        }
        %get3A_272 = arith.index_cast %while3A_237 : i32 to index
        %get3A_273 = arith.constant 0 : index
        %get3A_274 = tpu.vector_load %arg14[%get3A_272, %get3A_273] {strides = array<i32>} : memref<128x64xf32, #tpu.memory_space<vmem>>, vector<1x16xf32>,
        %get3A_275 = vector.shape_cast %get3A_274 : vector<1x16xf32> to vector<16xf32>
        %add3A_276 = arith.addf %get3A_275, %while3A_271#0 : vector<16xf32>
        %swap3A = arith.index_cast %while3A_237 : i32 to index
        %swap3A_277 = arith.constant 0 : index
        %swap3A_278 = tpu.vector_load %arg14[%swap3A, %swap3A_277] {strides = array<i32>} : memref<128x64xf32, #tpu.memory_space<vmem>>, vector<1x16xf32>,
        %swap3A_279 = vector.shape_cast %swap3A_278 : vector<1x16xf32> to vector<16xf32>
        %swap3A_280 = vector.shape_cast %add3A_276 : vector<16xf32> to vector<1x16xf32>
        tpu.vector_store %arg14[%swap3A, %swap3A_277], %swap3A_280 {strides = array<i32>} : memref<128x64xf32, #tpu.memory_space<vmem>>, vector<1x16xf32>,
        %get3A_281 = arith.index_cast %while3A_237 : i32 to index
        %get3A_282 = arith.constant 16 : index
        %get3A_283 = tpu.vector_load %arg14[%get3A_281, %get3A_282] {strides = array<i32>} : memref<128x64xf32, #tpu.memory_space<vmem>>, vector<1x16xf32>,
        %get3A_284 = vector.shape_cast %get3A_283 : vector<1x16xf32> to vector<16xf32>
        %add3A_285 = arith.addf %get3A_284, %while3A_271#1 : vector<16xf32>
        %swap3A_286 = arith.index_cast %while3A_237 : i32 to index
        %swap3A_287 = arith.constant 16 : index
        %swap3A_288 = tpu.vector_load %arg14[%swap3A_286, %swap3A_287] {strides = array<i32>} : memref<128x64xf32, #tpu.memory_space<vmem>>, vector<1x16xf32>,
        %swap3A_289 = vector.shape_cast %swap3A_288 : vector<1x16xf32> to vector<16xf32>
        %swap3A_290 = vector.shape_cast %add3A_285 : vector<16xf32> to vector<1x16xf32>
        tpu.vector_store %arg14[%swap3A_286, %swap3A_287], %swap3A_290 {strides = array<i32>} : memref<128x64xf32, #tpu.memory_space<vmem>>, vector<1x16xf32>,
        %get3A_291 = arith.index_cast %while3A_237 : i32 to index
        %get3A_292 = arith.constant 32 : index
        %get3A_293 = tpu.vector_load %arg14[%get3A_291, %get3A_292] {strides = array<i32>} : memref<128x64xf32, #tpu.memory_space<vmem>>, vector<1x16xf32>,
        %get3A_294 = vector.shape_cast %get3A_293 : vector<1x16xf32> to vector<16xf32>
        %add3A_295 = arith.addf %get3A_294, %while3A_271#2 : vector<16xf32>
        %swap3A_296 = arith.index_cast %while3A_237 : i32 to index
        %swap3A_297 = arith.constant 32 : index
        %swap3A_298 = tpu.vector_load %arg14[%swap3A_296, %swap3A_297] {strides = array<i32>} : memref<128x64xf32, #tpu.memory_space<vmem>>, vector<1x16xf32>,
        %swap3A_299 = vector.shape_cast %swap3A_298 : vector<1x16xf32> to vector<16xf32>
        %swap3A_300 = vector.shape_cast %add3A_295 : vector<16xf32> to vector<1x16xf32>
        tpu.vector_store %arg14[%swap3A_296, %swap3A_297], %swap3A_300 {strides = array<i32>} : memref<128x64xf32, #tpu.memory_space<vmem>>, vector<1x16xf32>,
        %get3A_301 = arith.index_cast %while3A_237 : i32 to index
        %get3A_302 = arith.constant 48 : index
        %get3A_303 = tpu.vector_load %arg14[%get3A_301, %get3A_302] {strides = array<i32>} : memref<128x64xf32, #tpu.memory_space<vmem>>, vector<1x16xf32>,
        %get3A_304 = vector.shape_cast %get3A_303 : vector<1x16xf32> to vector<16xf32>
        %add3A_305 = arith.addf %get3A_304, %while3A_271#3 : vector<16xf32>
        %swap3A_306 = arith.index_cast %while3A_237 : i32 to index
        %swap3A_307 = arith.constant 48 : index
        %swap3A_308 = tpu.vector_load %arg14[%swap3A_306, %swap3A_307] {strides = array<i32>} : memref<128x64xf32, #tpu.memory_space<vmem>>, vector<1x16xf32>,
        %swap3A_309 = vector.shape_cast %swap3A_308 : vector<1x16xf32> to vector<16xf32>
        %swap3A_310 = vector.shape_cast %add3A_305 : vector<16xf32> to vector<1x16xf32>
        tpu.vector_store %arg14[%swap3A_306, %swap3A_307], %swap3A_310 {strides = array<i32>} : memref<128x64xf32, #tpu.memory_space<vmem>>, vector<1x16xf32>,
        %while3A_311 = arith.constant 0 : i32
        scf.yield %while3A_311 : i32
      }
      %add3A_234 = arith.constant 4 : i32
      %add3A_235 = arith.addi %while3A_179, %add3A_234 : i32
      %lt3A = arith.cmpi slt, %add3A_235, %sub3A_60 : i32
      %convert_element_type3A = arith.extui %lt3A : i1 to i32
      %cond3A = arith.constant 0 : i32
      %cond3A_236 = arith.cmpi ne, %convert_element_type3A, %cond3A : i32
      scf.if %cond3A_236 {
        %add3A_237 = arith.constant 4 : i32
        %add3A_238 = arith.addi %add3A_180, %add3A_237 : i32
        %mul3A_239 = arith.constant 128 : i32
        %mul3A_240 = arith.muli %add3A_238, %mul3A_239 : i32
        %multiple_of3A = tpu.assume_multiple %mul3A_240, 128 : i32
        "tpu.region"() ({
          %run_scoped3A = tpu.sem_alloc : memref<!tpu.dma_semaphore, #tpu.memory_space<semaphore_mem>>
          %dma_start3A_252 = arith.constant 0 : i32
          %dma_start3A_253 = tpu.memref_slice %arg11[%rem3A_182, %dma_start3A_252] : memref<4x128xi32, #tpu.memory_space<vmem>> -> memref<1x128xi32, #tpu.memory_space<vmem>>
          %dma_start3A_254 = tpu.memref_squeeze %dma_start3A_253 : memref<1x128xi32, #tpu.memory_space<vmem>> -> memref<128xi32, #tpu.memory_space<vmem>>
          %dma_start3A_255 = tpu.memref_slice %arg2[%multiple_of3A] : memref<204800xi32, #tpu.memory_space<hbm>> -> memref<128xi32, #tpu.memory_space<hbm>>
          %dma_start3A_256 = arith.constant 0 : i32
          %dma_start3A_257 = tpu.memref_slice %arg11[%rem3A_182, %dma_start3A_256] : memref<4x128xi32, #tpu.memory_space<vmem>> -> memref<1x128xi32, #tpu.memory_space<vmem>>
          %dma_start3A_258 = tpu.memref_squeeze %dma_start3A_257 : memref<1x128xi32, #tpu.memory_space<vmem>> -> memref<128xi32, #tpu.memory_space<vmem>>
          %dma_start3A_259 = tpu.memref_slice %arg2[%multiple_of3A] : memref<204800xi32, #tpu.memory_space<hbm>> -> memref<128xi32, #tpu.memory_space<hbm>>
          tpu.enqueue_dma source(%dma_start3A_259 : memref<128xi32, #tpu.memory_space<hbm>>) target(%dma_start3A_258 : memref<128xi32, #tpu.memory_space<vmem>>) target_semaphore(%run_scoped3A : memref<!tpu.dma_semaphore, #tpu.memory_space<semaphore_mem>>)
          %dma_wait3A_260 = arith.constant 0 : i32
          %dma_wait3A_261 = tpu.memref_slice %arg11[%rem3A_182, %dma_wait3A_260] : memref<4x128xi32, #tpu.memory_space<vmem>> -> memref<1x128xi32, #tpu.memory_space<vmem>>
          %dma_wait3A_262 = tpu.memref_squeeze %dma_wait3A_261 : memref<1x128xi32, #tpu.memory_space<vmem>> -> memref<128xi32, #tpu.memory_space<vmem>>
          %dma_wait3A_263 = tpu.memref_slice %arg2[%multiple_of3A] : memref<204800xi32, #tpu.memory_space<hbm>> -> memref<128xi32, #tpu.memory_space<hbm>>
          %dma_wait3A_264 = arith.constant 0 : i32
          %dma_wait3A_265 = tpu.memref_slice %arg11[%rem3A_182, %dma_wait3A_264] : memref<4x128xi32, #tpu.memory_space<vmem>> -> memref<1x128xi32, #tpu.memory_space<vmem>>
          %dma_wait3A_266 = tpu.memref_squeeze %dma_wait3A_265 : memref<1x128xi32, #tpu.memory_space<vmem>> -> memref<128xi32, #tpu.memory_space<vmem>>
          %dma_wait3A_267 = tpu.memref_slice %arg2[%multiple_of3A] : memref<204800xi32, #tpu.memory_space<hbm>> -> memref<128xi32, #tpu.memory_space<hbm>>
          tpu.wait_dma2 semaphore(%run_scoped3A : memref<!tpu.dma_semaphore, #tpu.memory_space<semaphore_mem>>) src(%dma_wait3A_267 : memref<128xi32, #tpu.memory_space<hbm>>) dst(%dma_wait3A_266 : memref<128xi32, #tpu.memory_space<vmem>>)
          tpu.yield
        }) : () -> ()
        %dma_start3A = arith.constant 0 : i32
        %dma_start3A_241 = arith.constant 0 : i32
        %dma_start3A_242 = tpu.memref_slice %arg12[%rem3A_182, %dma_start3A, %dma_start3A_241] : memref<4x128x64xf32, #tpu.memory_space<vmem>> -> memref<1x128x64xf32, #tpu.memory_space<vmem>>
        %dma_start3A_243 = tpu.memref_squeeze %dma_start3A_242 : memref<1x128x64xf32, #tpu.memory_space<vmem>> -> memref<128x64xf32, #tpu.memory_space<vmem>>
        %dma_start3A_244 = arith.constant 0 : i32
        %dma_start3A_245 = tpu.memref_slice %arg11[%rem3A_182, %dma_start3A_244] : memref<4x128xi32, #tpu.memory_space<vmem>> -> memref<1x128xi32, #tpu.memory_space<vmem>>
        %dma_start3A_246 = tpu.memref_squeeze %dma_start3A_245 : memref<1x128xi32, #tpu.memory_space<vmem>> -> memref<128xi32, #tpu.memory_space<vmem>>
        %dma_start3A_247 = arith.constant 0 : i32
        %dma_start3A_248 = arith.constant 0 : i32
        %dma_start3A_249 = tpu.memref_slice %arg6[%dma_start3A_247, %dma_start3A_248] : memref<1000000x64xf32, #tpu.memory_space<hbm>> -> memref<1000000x64xf32, #tpu.memory_space<hbm>>
        %dma_start3A_250 = tpu.memref_slice %arg16[%rem3A_182] : memref<4x!tpu.dma_semaphore, #tpu.memory_space<semaphore_mem>> -> memref<1x!tpu.dma_semaphore, #tpu.memory_space<semaphore_mem>>
        %dma_start3A_251 = tpu.memref_squeeze %dma_start3A_250 : memref<1x!tpu.dma_semaphore, #tpu.memory_space<semaphore_mem>> -> memref<!tpu.dma_semaphore, #tpu.memory_space<semaphore_mem>>
        tpu.enqueue_indirect_dma source(%dma_start3A_249 : memref<1000000x64xf32, #tpu.memory_space<hbm>>) target(%dma_start3A_243 : memref<128x64xf32, #tpu.memory_space<vmem>>) offsets(%dma_start3A_246 : memref<128xi32, #tpu.memory_space<vmem>>) semaphore(%dma_start3A_251 : memref<!tpu.dma_semaphore, #tpu.memory_space<semaphore_mem>>)
      } else {
      }
    }
    "tpu.region"() ({
      %run_scoped3A = tpu.sem_alloc : memref<!tpu.dma_semaphore, #tpu.memory_space<semaphore_mem>>
      %dma_start3A = arith.constant 0 : i32
      %dma_start3A_179 = tpu.memref_slice %arg8[%mul3A_2, %dma_start3A] : memref<4096x64xf32, #tpu.memory_space<hbm>> -> memref<128x64xf32, #tpu.memory_space<hbm>>
      %dma_start3A_180 = arith.constant 0 : i32
      %dma_start3A_181 = tpu.memref_slice %arg8[%mul3A_2, %dma_start3A_180] : memref<4096x64xf32, #tpu.memory_space<hbm>> -> memref<128x64xf32, #tpu.memory_space<hbm>>
      tpu.enqueue_dma source(%arg14 : memref<128x64xf32, #tpu.memory_space<vmem>>) target(%dma_start3A_181 : memref<128x64xf32, #tpu.memory_space<hbm>>) target_semaphore(%run_scoped3A : memref<!tpu.dma_semaphore, #tpu.memory_space<semaphore_mem>>)
      %dma_wait3A = arith.constant 0 : i32
      %dma_wait3A_182 = tpu.memref_slice %arg8[%mul3A_2, %dma_wait3A] : memref<4096x64xf32, #tpu.memory_space<hbm>> -> memref<128x64xf32, #tpu.memory_space<hbm>>
      %dma_wait3A_183 = arith.constant 0 : i32
      %dma_wait3A_184 = tpu.memref_slice %arg8[%mul3A_2, %dma_wait3A_183] : memref<4096x64xf32, #tpu.memory_space<hbm>> -> memref<128x64xf32, #tpu.memory_space<hbm>>
      tpu.wait_dma2 semaphore(%run_scoped3A : memref<!tpu.dma_semaphore, #tpu.memory_space<semaphore_mem>>) src(%arg14 : memref<128x64xf32, #tpu.memory_space<vmem>>) dst(%dma_wait3A_184 : memref<128x64xf32, #tpu.memory_space<hbm>>)
      tpu.yield
    }) : () -> ()
    %mul3A_83 = arith.constant 128 : i32
    %mul3A_84 = arith.muli %add3A, %mul3A_83 : i32
    "tpu.region"() ({
      %run_scoped3A = tpu.sem_alloc : memref<!tpu.dma_semaphore, #tpu.memory_space<semaphore_mem>>
      %dma_start3A = tpu.memref_slice %arg5[%mul3A_84] : memref<4120xi32, #tpu.memory_space<hbm>> -> memref<152xi32, #tpu.memory_space<hbm>>
      %dma_start3A_179 = tpu.memref_slice %arg5[%mul3A_84] : memref<4120xi32, #tpu.memory_space<hbm>> -> memref<152xi32, #tpu.memory_space<hbm>>
      tpu.enqueue_dma source(%dma_start3A_179 : memref<152xi32, #tpu.memory_space<hbm>>) target(%arg10 : memref<152xi32, #tpu.memory_space<vmem>>) target_semaphore(%run_scoped3A : memref<!tpu.dma_semaphore, #tpu.memory_space<semaphore_mem>>)
      %dma_wait3A = tpu.memref_slice %arg5[%mul3A_84] : memref<4120xi32, #tpu.memory_space<hbm>> -> memref<152xi32, #tpu.memory_space<hbm>>
      %dma_wait3A_180 = tpu.memref_slice %arg5[%mul3A_84] : memref<4120xi32, #tpu.memory_space<hbm>> -> memref<152xi32, #tpu.memory_space<hbm>>
      tpu.wait_dma2 semaphore(%run_scoped3A : memref<!tpu.dma_semaphore, #tpu.memory_space<semaphore_mem>>) src(%dma_wait3A_180 : memref<152xi32, #tpu.memory_space<hbm>>) dst(%arg10 : memref<152xi32, #tpu.memory_space<vmem>>)
      tpu.yield
    }) : () -> ()
    %scan3A_85 = arith.constant 0 : i32
    %scan3A_86 = arith.constant 0 : i32
    %scan3A_87 = arith.constant 128 : i32
    %scan3A_88 = arith.addi %scan3A_86, %scan3A_87 : i32
    %scan3A_89 = arith.constant 1 : i32
    %scan3A_90 = scf.for %scan3A_179 = %scan3A_86 to %scan3A_88 step %scan3A_89 iter_args(%scan3A_180 = %scan3A_85) -> (i32)  : i32 {
      %broadcast_in_dim3A = arith.constant 0.000000e+00 : f32
      %broadcast_in_dim3A_181 = vector.broadcast %broadcast_in_dim3A : f32 to vector<16xf32>
      %swap3A = arith.index_cast %scan3A_179 : i32 to index
      %swap3A_182 = arith.constant 0 : index
      %swap3A_183 = tpu.vector_load %arg15[%swap3A, %swap3A_182] {strides = array<i32>} : memref<128x32xf32, #tpu.memory_space<vmem>>, vector<1x16xf32>,
      %swap3A_184 = vector.shape_cast %swap3A_183 : vector<1x16xf32> to vector<16xf32>
      %swap3A_185 = vector.shape_cast %broadcast_in_dim3A_181 : vector<16xf32> to vector<1x16xf32>
      tpu.vector_store %arg15[%swap3A, %swap3A_182], %swap3A_185 {strides = array<i32>} : memref<128x32xf32, #tpu.memory_space<vmem>>, vector<1x16xf32>,
      %broadcast_in_dim3A_186 = arith.constant 0.000000e+00 : f32
      %broadcast_in_dim3A_187 = vector.broadcast %broadcast_in_dim3A_186 : f32 to vector<16xf32>
      %swap3A_188 = arith.index_cast %scan3A_179 : i32 to index
      %swap3A_189 = arith.constant 16 : index
      %swap3A_190 = tpu.vector_load %arg15[%swap3A_188, %swap3A_189] {strides = array<i32>} : memref<128x32xf32, #tpu.memory_space<vmem>>, vector<1x16xf32>,
      %swap3A_191 = vector.shape_cast %swap3A_190 : vector<1x16xf32> to vector<16xf32>
      %swap3A_192 = vector.shape_cast %broadcast_in_dim3A_187 : vector<16xf32> to vector<1x16xf32>
      tpu.vector_store %arg15[%swap3A_188, %swap3A_189], %swap3A_192 {strides = array<i32>} : memref<128x32xf32, #tpu.memory_space<vmem>>, vector<1x16xf32>,
      %scan3A_193 = arith.constant 0 : i32
      scf.yield %scan3A_193 : i32
    }
    %scan3A_91 = arith.constant 128 : i32
    %get3A_92 = arith.constant 0 : index
    %get3A_93 = tpu.vector_load %arg10[%get3A_92] {strides = array<i32>} : memref<152xi32, #tpu.memory_space<vmem>>, vector<16xi32>,
    %get3A_94 = vector.shape_cast %get3A_93 : vector<16xi32> to vector<16xi32>
    %slice3A_95 = vector.extract_strided_slice %get3A_94 {offsets = [0], sizes = [1], strides = [1]} : vector<16xi32> to vector<1xi32>
    %squeeze3A_96 = vector.extract %slice3A_95[0] : i32 from vector<1xi32>
    %get3A_97 = arith.constant 128 : index
    %get3A_98 = tpu.vector_load %arg10[%get3A_97] {strides = array<i32>} : memref<152xi32, #tpu.memory_space<vmem>>, vector<16xi32>,
    %get3A_99 = vector.shape_cast %get3A_98 : vector<16xi32> to vector<16xi32>
    %slice3A_100 = vector.extract_strided_slice %get3A_99 {offsets = [0], sizes = [1], strides = [1]} : vector<16xi32> to vector<1xi32>
    %squeeze3A_101 = vector.extract %slice3A_100[0] : i32 from vector<1xi32>
    %jit3A_102 = arith.constant 128 : i32
    %div3A_103 = arith.divsi %squeeze3A_96, %jit3A_102 : i32
    %sign3A_104 = arith.constant 0 : i32
    %sign3A_105 = arith.cmpi sgt, %squeeze3A_96, %sign3A_104 : i32
    %sign3A_106 = arith.extui %sign3A_105 : i1 to i32
    %sign3A_107 = arith.constant 0 : i32
    %sign3A_108 = arith.cmpi slt, %squeeze3A_96, %sign3A_107 : i32
    %sign3A_109 = arith.extui %sign3A_108 : i1 to i32
    %sign3A_110 = arith.subi %sign3A_106, %sign3A_109 : i32
    %sign3A_111 = arith.constant 0 : i32
    %sign3A_112 = arith.cmpi sgt, %jit3A_102, %sign3A_111 : i32
    %sign3A_113 = arith.extui %sign3A_112 : i1 to i32
    %sign3A_114 = arith.constant 0 : i32
    %sign3A_115 = arith.cmpi slt, %jit3A_102, %sign3A_114 : i32
    %sign3A_116 = arith.extui %sign3A_115 : i1 to i32
    %sign3A_117 = arith.subi %sign3A_113, %sign3A_116 : i32
    %ne3A_118 = arith.cmpi ne, %sign3A_110, %sign3A_117 : i32
    %rem3A_119 = arith.remsi %squeeze3A_96, %jit3A_102 : i32
    %ne3A_120 = arith.constant 0 : i32
    %ne3A_121 = arith.cmpi ne, %rem3A_119, %ne3A_120 : i32
    %and3A_122 = arith.andi %ne3A_118, %ne3A_121 : i1
    %sub3A_123 = arith.constant 1 : i32
    %sub3A_124 = arith.subi %div3A_103, %sub3A_123 : i32
    %select_n3A_125 = arith.select %and3A_122, %sub3A_124, %div3A_103 : i32
    %add3A_126 = arith.constant 128 : i32
    %add3A_127 = arith.addi %squeeze3A_101, %add3A_126 : i32
    %sub3A_128 = arith.constant 1 : i32
    %sub3A_129 = arith.subi %add3A_127, %sub3A_128 : i32
    %jit3A_130 = arith.constant 128 : i32
    %div3A_131 = arith.divsi %sub3A_129, %jit3A_130 : i32
    %sign3A_132 = arith.constant 0 : i32
    %sign3A_133 = arith.cmpi sgt, %sub3A_129, %sign3A_132 : i32
    %sign3A_134 = arith.extui %sign3A_133 : i1 to i32
    %sign3A_135 = arith.constant 0 : i32
    %sign3A_136 = arith.cmpi slt, %sub3A_129, %sign3A_135 : i32
    %sign3A_137 = arith.extui %sign3A_136 : i1 to i32
    %sign3A_138 = arith.subi %sign3A_134, %sign3A_137 : i32
    %sign3A_139 = arith.constant 0 : i32
    %sign3A_140 = arith.cmpi sgt, %jit3A_130, %sign3A_139 : i32
    %sign3A_141 = arith.extui %sign3A_140 : i1 to i32
    %sign3A_142 = arith.constant 0 : i32
    %sign3A_143 = arith.cmpi slt, %jit3A_130, %sign3A_142 : i32
    %sign3A_144 = arith.extui %sign3A_143 : i1 to i32
    %sign3A_145 = arith.subi %sign3A_141, %sign3A_144 : i32
    %ne3A_146 = arith.cmpi ne, %sign3A_138, %sign3A_145 : i32
    %rem3A_147 = arith.remsi %sub3A_129, %jit3A_130 : i32
    %ne3A_148 = arith.constant 0 : i32
    %ne3A_149 = arith.cmpi ne, %rem3A_147, %ne3A_148 : i32
    %and3A_150 = arith.andi %ne3A_146, %ne3A_149 : i1
    %sub3A_151 = arith.constant 1 : i32
    %sub3A_152 = arith.subi %div3A_131, %sub3A_151 : i32
    %select_n3A_153 = arith.select %and3A_150, %sub3A_152, %div3A_131 : i32
    %sub3A_154 = arith.subi %select_n3A_153, %select_n3A_125 : i32
    %min3A_155 = arith.constant 4 : i32
    %min3A_156 = arith.minsi %sub3A_154, %min3A_155 : i32
    %while3A_157 = arith.constant 0 : i32
    %while3A_158 = arith.constant 0 : i32
    %while3A_159 = arith.subi %min3A_156, %while3A_157 : i32
    %while3A_160 = arith.addi %while3A_157, %while3A_159 : i32
    %while3A_161 = arith.constant 1 : i32
    %while3A_162 = arith.divsi %while3A_159, %while3A_161 : i32
    %while3A_163 = arith.muli %while3A_162, %while3A_161 : i32
    %while3A_164 = arith.addi %while3A_157, %while3A_163 : i32
    %while3A_165 = arith.constant 1 : i32
    %while3A_166 = scf.for %while3A_179 = %while3A_157 to %while3A_164 step %while3A_165 iter_args(%while3A_180 = %while3A_158) -> (i32)  : i32 {
      %add3A_181 = arith.addi %select_n3A_125, %while3A_179 : i32
      %mul3A_182 = arith.constant 128 : i32
      %mul3A_183 = arith.muli %add3A_181, %mul3A_182 : i32
      %multiple_of3A = tpu.assume_multiple %mul3A_183, 128 : i32
      "tpu.region"() ({
        %run_scoped3A = tpu.sem_alloc : memref<!tpu.dma_semaphore, #tpu.memory_space<semaphore_mem>>
        %dma_start3A_196 = arith.constant 0 : i32
        %dma_start3A_197 = tpu.memref_slice %arg11[%while3A_179, %dma_start3A_196] : memref<4x128xi32, #tpu.memory_space<vmem>> -> memref<1x128xi32, #tpu.memory_space<vmem>>
        %dma_start3A_198 = tpu.memref_squeeze %dma_start3A_197 : memref<1x128xi32, #tpu.memory_space<vmem>> -> memref<128xi32, #tpu.memory_space<vmem>>
        %dma_start3A_199 = tpu.memref_slice %arg4[%multiple_of3A] : memref<204800xi32, #tpu.memory_space<hbm>> -> memref<128xi32, #tpu.memory_space<hbm>>
        %dma_start3A_200 = arith.constant 0 : i32
        %dma_start3A_201 = tpu.memref_slice %arg11[%while3A_179, %dma_start3A_200] : memref<4x128xi32, #tpu.memory_space<vmem>> -> memref<1x128xi32, #tpu.memory_space<vmem>>
        %dma_start3A_202 = tpu.memref_squeeze %dma_start3A_201 : memref<1x128xi32, #tpu.memory_space<vmem>> -> memref<128xi32, #tpu.memory_space<vmem>>
        %dma_start3A_203 = tpu.memref_slice %arg4[%multiple_of3A] : memref<204800xi32, #tpu.memory_space<hbm>> -> memref<128xi32, #tpu.memory_space<hbm>>
        tpu.enqueue_dma source(%dma_start3A_203 : memref<128xi32, #tpu.memory_space<hbm>>) target(%dma_start3A_202 : memref<128xi32, #tpu.memory_space<vmem>>) target_semaphore(%run_scoped3A : memref<!tpu.dma_semaphore, #tpu.memory_space<semaphore_mem>>)
        %dma_wait3A = arith.constant 0 : i32
        %dma_wait3A_204 = tpu.memref_slice %arg11[%while3A_179, %dma_wait3A] : memref<4x128xi32, #tpu.memory_space<vmem>> -> memref<1x128xi32, #tpu.memory_space<vmem>>
        %dma_wait3A_205 = tpu.memref_squeeze %dma_wait3A_204 : memref<1x128xi32, #tpu.memory_space<vmem>> -> memref<128xi32, #tpu.memory_space<vmem>>
        %dma_wait3A_206 = tpu.memref_slice %arg4[%multiple_of3A] : memref<204800xi32, #tpu.memory_space<hbm>> -> memref<128xi32, #tpu.memory_space<hbm>>
        %dma_wait3A_207 = arith.constant 0 : i32
        %dma_wait3A_208 = tpu.memref_slice %arg11[%while3A_179, %dma_wait3A_207] : memref<4x128xi32, #tpu.memory_space<vmem>> -> memref<1x128xi32, #tpu.memory_space<vmem>>
        %dma_wait3A_209 = tpu.memref_squeeze %dma_wait3A_208 : memref<1x128xi32, #tpu.memory_space<vmem>> -> memref<128xi32, #tpu.memory_space<vmem>>
        %dma_wait3A_210 = tpu.memref_slice %arg4[%multiple_of3A] : memref<204800xi32, #tpu.memory_space<hbm>> -> memref<128xi32, #tpu.memory_space<hbm>>
        tpu.wait_dma2 semaphore(%run_scoped3A : memref<!tpu.dma_semaphore, #tpu.memory_space<semaphore_mem>>) src(%dma_wait3A_210 : memref<128xi32, #tpu.memory_space<hbm>>) dst(%dma_wait3A_209 : memref<128xi32, #tpu.memory_space<vmem>>)
        tpu.yield
      }) : () -> ()
      %dma_start3A = arith.constant 0 : i32
      %dma_start3A_184 = arith.constant 0 : i32
      %dma_start3A_185 = tpu.memref_slice %arg13[%while3A_179, %dma_start3A, %dma_start3A_184] : memref<4x128x32xf32, #tpu.memory_space<vmem>> -> memref<1x128x32xf32, #tpu.memory_space<vmem>>
      %dma_start3A_186 = tpu.memref_squeeze %dma_start3A_185 : memref<1x128x32xf32, #tpu.memory_space<vmem>> -> memref<128x32xf32, #tpu.memory_space<vmem>>
      %dma_start3A_187 = arith.constant 0 : i32
      %dma_start3A_188 = tpu.memref_slice %arg11[%while3A_179, %dma_start3A_187] : memref<4x128xi32, #tpu.memory_space<vmem>> -> memref<1x128xi32, #tpu.memory_space<vmem>>
      %dma_start3A_189 = tpu.memref_squeeze %dma_start3A_188 : memref<1x128xi32, #tpu.memory_space<vmem>> -> memref<128xi32, #tpu.memory_space<vmem>>
      %dma_start3A_190 = arith.constant 0 : i32
      %dma_start3A_191 = arith.constant 0 : i32
      %dma_start3A_192 = tpu.memref_slice %arg7[%dma_start3A_190, %dma_start3A_191] : memref<100000x32xf32, #tpu.memory_space<hbm>> -> memref<100000x32xf32, #tpu.memory_space<hbm>>
      %dma_start3A_193 = tpu.memref_slice %arg16[%while3A_179] : memref<4x!tpu.dma_semaphore, #tpu.memory_space<semaphore_mem>> -> memref<1x!tpu.dma_semaphore, #tpu.memory_space<semaphore_mem>>
      %dma_start3A_194 = tpu.memref_squeeze %dma_start3A_193 : memref<1x!tpu.dma_semaphore, #tpu.memory_space<semaphore_mem>> -> memref<!tpu.dma_semaphore, #tpu.memory_space<semaphore_mem>>
      tpu.enqueue_indirect_dma source(%dma_start3A_192 : memref<100000x32xf32, #tpu.memory_space<hbm>>) target(%dma_start3A_186 : memref<128x32xf32, #tpu.memory_space<vmem>>) offsets(%dma_start3A_189 : memref<128xi32, #tpu.memory_space<vmem>>) semaphore(%dma_start3A_194 : memref<!tpu.dma_semaphore, #tpu.memory_space<semaphore_mem>>)
      %while3A_195 = arith.constant 0 : i32
      scf.yield %while3A_195 : i32
    }
    %while3A_167 = arith.constant 1 : i32
    %while3A_168 = scf.for %while3A_179 = %while3A_164 to %while3A_160 step %while3A_167 iter_args(%while3A_180 = %while3A_166) -> (i32)  : i32 {
      %add3A_181 = arith.addi %select_n3A_125, %while3A_179 : i32
      %mul3A_182 = arith.constant 128 : i32
      %mul3A_183 = arith.muli %add3A_181, %mul3A_182 : i32
      %multiple_of3A = tpu.assume_multiple %mul3A_183, 128 : i32
      "tpu.region"() ({
        %run_scoped3A = tpu.sem_alloc : memref<!tpu.dma_semaphore, #tpu.memory_space<semaphore_mem>>
        %dma_start3A_196 = arith.constant 0 : i32
        %dma_start3A_197 = tpu.memref_slice %arg11[%while3A_179, %dma_start3A_196] : memref<4x128xi32, #tpu.memory_space<vmem>> -> memref<1x128xi32, #tpu.memory_space<vmem>>
        %dma_start3A_198 = tpu.memref_squeeze %dma_start3A_197 : memref<1x128xi32, #tpu.memory_space<vmem>> -> memref<128xi32, #tpu.memory_space<vmem>>
        %dma_start3A_199 = tpu.memref_slice %arg4[%multiple_of3A] : memref<204800xi32, #tpu.memory_space<hbm>> -> memref<128xi32, #tpu.memory_space<hbm>>
        %dma_start3A_200 = arith.constant 0 : i32
        %dma_start3A_201 = tpu.memref_slice %arg11[%while3A_179, %dma_start3A_200] : memref<4x128xi32, #tpu.memory_space<vmem>> -> memref<1x128xi32, #tpu.memory_space<vmem>>
        %dma_start3A_202 = tpu.memref_squeeze %dma_start3A_201 : memref<1x128xi32, #tpu.memory_space<vmem>> -> memref<128xi32, #tpu.memory_space<vmem>>
        %dma_start3A_203 = tpu.memref_slice %arg4[%multiple_of3A] : memref<204800xi32, #tpu.memory_space<hbm>> -> memref<128xi32, #tpu.memory_space<hbm>>
        tpu.enqueue_dma source(%dma_start3A_203 : memref<128xi32, #tpu.memory_space<hbm>>) target(%dma_start3A_202 : memref<128xi32, #tpu.memory_space<vmem>>) target_semaphore(%run_scoped3A : memref<!tpu.dma_semaphore, #tpu.memory_space<semaphore_mem>>)
        %dma_wait3A = arith.constant 0 : i32
        %dma_wait3A_204 = tpu.memref_slice %arg11[%while3A_179, %dma_wait3A] : memref<4x128xi32, #tpu.memory_space<vmem>> -> memref<1x128xi32, #tpu.memory_space<vmem>>
        %dma_wait3A_205 = tpu.memref_squeeze %dma_wait3A_204 : memref<1x128xi32, #tpu.memory_space<vmem>> -> memref<128xi32, #tpu.memory_space<vmem>>
        %dma_wait3A_206 = tpu.memref_slice %arg4[%multiple_of3A] : memref<204800xi32, #tpu.memory_space<hbm>> -> memref<128xi32, #tpu.memory_space<hbm>>
        %dma_wait3A_207 = arith.constant 0 : i32
        %dma_wait3A_208 = tpu.memref_slice %arg11[%while3A_179, %dma_wait3A_207] : memref<4x128xi32, #tpu.memory_space<vmem>> -> memref<1x128xi32, #tpu.memory_space<vmem>>
        %dma_wait3A_209 = tpu.memref_squeeze %dma_wait3A_208 : memref<1x128xi32, #tpu.memory_space<vmem>> -> memref<128xi32, #tpu.memory_space<vmem>>
        %dma_wait3A_210 = tpu.memref_slice %arg4[%multiple_of3A] : memref<204800xi32, #tpu.memory_space<hbm>> -> memref<128xi32, #tpu.memory_space<hbm>>
        tpu.wait_dma2 semaphore(%run_scoped3A : memref<!tpu.dma_semaphore, #tpu.memory_space<semaphore_mem>>) src(%dma_wait3A_210 : memref<128xi32, #tpu.memory_space<hbm>>) dst(%dma_wait3A_209 : memref<128xi32, #tpu.memory_space<vmem>>)
        tpu.yield
      }) : () -> ()
      %dma_start3A = arith.constant 0 : i32
      %dma_start3A_184 = arith.constant 0 : i32
      %dma_start3A_185 = tpu.memref_slice %arg13[%while3A_179, %dma_start3A, %dma_start3A_184] : memref<4x128x32xf32, #tpu.memory_space<vmem>> -> memref<1x128x32xf32, #tpu.memory_space<vmem>>
      %dma_start3A_186 = tpu.memref_squeeze %dma_start3A_185 : memref<1x128x32xf32, #tpu.memory_space<vmem>> -> memref<128x32xf32, #tpu.memory_space<vmem>>
      %dma_start3A_187 = arith.constant 0 : i32
      %dma_start3A_188 = tpu.memref_slice %arg11[%while3A_179, %dma_start3A_187] : memref<4x128xi32, #tpu.memory_space<vmem>> -> memref<1x128xi32, #tpu.memory_space<vmem>>
      %dma_start3A_189 = tpu.memref_squeeze %dma_start3A_188 : memref<1x128xi32, #tpu.memory_space<vmem>> -> memref<128xi32, #tpu.memory_space<vmem>>
      %dma_start3A_190 = arith.constant 0 : i32
      %dma_start3A_191 = arith.constant 0 : i32
      %dma_start3A_192 = tpu.memref_slice %arg7[%dma_start3A_190, %dma_start3A_191] : memref<100000x32xf32, #tpu.memory_space<hbm>> -> memref<100000x32xf32, #tpu.memory_space<hbm>>
      %dma_start3A_193 = tpu.memref_slice %arg16[%while3A_179] : memref<4x!tpu.dma_semaphore, #tpu.memory_space<semaphore_mem>> -> memref<1x!tpu.dma_semaphore, #tpu.memory_space<semaphore_mem>>
      %dma_start3A_194 = tpu.memref_squeeze %dma_start3A_193 : memref<1x!tpu.dma_semaphore, #tpu.memory_space<semaphore_mem>> -> memref<!tpu.dma_semaphore, #tpu.memory_space<semaphore_mem>>
      tpu.enqueue_indirect_dma source(%dma_start3A_192 : memref<100000x32xf32, #tpu.memory_space<hbm>>) target(%dma_start3A_186 : memref<128x32xf32, #tpu.memory_space<vmem>>) offsets(%dma_start3A_189 : memref<128xi32, #tpu.memory_space<vmem>>) semaphore(%dma_start3A_194 : memref<!tpu.dma_semaphore, #tpu.memory_space<semaphore_mem>>)
      %while3A_195 = arith.constant 0 : i32
      scf.yield %while3A_195 : i32
    }
    %while3A_169 = arith.constant 0 : i32
    %while3A_170 = arith.constant 0 : i32
    %while3A_171 = arith.subi %sub3A_154, %while3A_170 : i32
    %while3A_172 = arith.addi %while3A_170, %while3A_171 : i32
    %while3A_173 = arith.constant 1 : i32
    %while3A_174 = arith.divsi %while3A_171, %while3A_173 : i32
    %while3A_175 = arith.muli %while3A_174, %while3A_173 : i32
    %while3A_176 = arith.addi %while3A_170, %while3A_175 : i32
    %while3A_177 = arith.constant 1 : i32
    scf.for %while3A_179 = %while3A_170 to %while3A_176 step %while3A_177  : i32 {
      %add3A_180 = arith.addi %select_n3A_125, %while3A_179 : i32
      %rem3A_181 = arith.constant 4 : i32
      %rem3A_182 = arith.remsi %while3A_179, %rem3A_181 : i32
      %dma_wait3A = arith.constant 0 : i32
      %dma_wait3A_183 = arith.constant 0 : i32
      %dma_wait3A_184 = tpu.memref_slice %arg13[%rem3A_182, %dma_wait3A, %dma_wait3A_183] : memref<4x128x32xf32, #tpu.memory_space<vmem>> -> memref<1x128x32xf32, #tpu.memory_space<vmem>>
      %dma_wait3A_185 = tpu.memref_squeeze %dma_wait3A_184 : memref<1x128x32xf32, #tpu.memory_space<vmem>> -> memref<128x32xf32, #tpu.memory_space<vmem>>
      %dma_wait3A_186 = arith.constant 0 : i32
      %dma_wait3A_187 = tpu.memref_slice %arg11[%rem3A_182, %dma_wait3A_186] : memref<4x128xi32, #tpu.memory_space<vmem>> -> memref<1x128xi32, #tpu.memory_space<vmem>>
      %dma_wait3A_188 = tpu.memref_squeeze %dma_wait3A_187 : memref<1x128xi32, #tpu.memory_space<vmem>> -> memref<128xi32, #tpu.memory_space<vmem>>
      %dma_wait3A_189 = arith.constant 0 : i32
      %dma_wait3A_190 = arith.constant 0 : i32
      %dma_wait3A_191 = tpu.memref_slice %arg7[%dma_wait3A_189, %dma_wait3A_190] : memref<100000x32xf32, #tpu.memory_space<hbm>> -> memref<100000x32xf32, #tpu.memory_space<hbm>>
      %dma_wait3A_192 = tpu.memref_slice %arg16[%rem3A_182] : memref<4x!tpu.dma_semaphore, #tpu.memory_space<semaphore_mem>> -> memref<1x!tpu.dma_semaphore, #tpu.memory_space<semaphore_mem>>
      %dma_wait3A_193 = tpu.memref_squeeze %dma_wait3A_192 : memref<1x!tpu.dma_semaphore, #tpu.memory_space<semaphore_mem>> -> memref<!tpu.dma_semaphore, #tpu.memory_space<semaphore_mem>>
      tpu.wait_indirect_dma semaphore(%dma_wait3A_193 : memref<!tpu.dma_semaphore, #tpu.memory_space<semaphore_mem>>) src(%dma_wait3A_191 : memref<100000x32xf32, #tpu.memory_space<hbm>>) dst(%dma_wait3A_185 : memref<128x32xf32, #tpu.memory_space<vmem>>)
      %mul3A_194 = arith.constant 128 : i32
      %mul3A_195 = arith.muli %add3A_180, %mul3A_194 : i32
      %max3A = arith.maxsi %mul3A_195, %squeeze3A_96 : i32
      %add3A_196 = arith.constant 128 : i32
      %add3A_197 = arith.addi %mul3A_195, %add3A_196 : i32
      %min3A_198 = arith.minsi %add3A_197, %squeeze3A_101 : i32
      %scan3A_199 = arith.constant 0 : i32
      %scan3A_200 = arith.constant 129 : i32
      %scan3A_201 = arith.constant 0 : i32
      %scan3A_202 = arith.constant 8 : i32
      %scan3A_203 = arith.addi %scan3A_201, %scan3A_202 : i32
      %scan3A_204 = arith.constant 1 : i32
      %scan3A_205:2 = scf.for %scan3A_237 = %scan3A_201 to %scan3A_203 step %scan3A_204 iter_args(%scan3A_238 = %scan3A_199, %scan3A_239 = %scan3A_200) -> (i32, i32)  : i32 {
        %lt3A_240 = arith.cmpi slt, %scan3A_238, %scan3A_239 : i32
        %add3A_241 = arith.addi %scan3A_238, %scan3A_239 : i32
        %jit3A_242 = arith.constant 2 : i32
        %div3A_243 = arith.divsi %add3A_241, %jit3A_242 : i32
        %sign3A_244 = arith.constant 0 : i32
        %sign3A_245 = arith.cmpi sgt, %add3A_241, %sign3A_244 : i32
        %sign3A_246 = arith.extui %sign3A_245 : i1 to i32
        %sign3A_247 = arith.constant 0 : i32
        %sign3A_248 = arith.cmpi slt, %add3A_241, %sign3A_247 : i32
        %sign3A_249 = arith.extui %sign3A_248 : i1 to i32
        %sign3A_250 = arith.subi %sign3A_246, %sign3A_249 : i32
        %sign3A_251 = arith.constant 0 : i32
        %sign3A_252 = arith.cmpi sgt, %jit3A_242, %sign3A_251 : i32
        %sign3A_253 = arith.extui %sign3A_252 : i1 to i32
        %sign3A_254 = arith.constant 0 : i32
        %sign3A_255 = arith.cmpi slt, %jit3A_242, %sign3A_254 : i32
        %sign3A_256 = arith.extui %sign3A_255 : i1 to i32
        %sign3A_257 = arith.subi %sign3A_253, %sign3A_256 : i32
        %ne3A_258 = arith.cmpi ne, %sign3A_250, %sign3A_257 : i32
        %rem3A_259 = arith.remsi %add3A_241, %jit3A_242 : i32
        %ne3A_260 = arith.constant 0 : i32
        %ne3A_261 = arith.cmpi ne, %rem3A_259, %ne3A_260 : i32
        %and3A_262 = arith.andi %ne3A_258, %ne3A_261 : i1
        %sub3A_263 = arith.constant 1 : i32
        %sub3A_264 = arith.subi %div3A_243, %sub3A_263 : i32
        %select_n3A_265 = arith.select %and3A_262, %sub3A_264, %div3A_243 : i32
        %min3A_266 = arith.constant 128 : i32
        %min3A_267 = arith.minsi %select_n3A_265, %min3A_266 : i32
        %get3A_268 = arith.index_cast %min3A_267 : i32 to index
        %get3A_269 = tpu.vector_load %arg10[%get3A_268] {strides = array<i32>} : memref<152xi32, #tpu.memory_space<vmem>>, vector<16xi32>,
        %get3A_270 = vector.shape_cast %get3A_269 : vector<16xi32> to vector<16xi32>
        %slice3A_271 = vector.extract_strided_slice %get3A_270 {offsets = [0], sizes = [1], strides = [1]} : vector<16xi32> to vector<1xi32>
        %squeeze3A_272 = vector.extract %slice3A_271[0] : i32 from vector<1xi32>
        %gt3A = arith.cmpi sgt, %squeeze3A_272, %max3A : i32
        %add3A_273 = arith.constant 1 : i32
        %add3A_274 = arith.addi %min3A_267, %add3A_273 : i32
        %select_n3A_275 = arith.select %gt3A, %scan3A_238, %add3A_274 : i32
        %select_n3A_276 = arith.select %gt3A, %min3A_267, %scan3A_239 : i32
        %select_n3A_277 = arith.select %lt3A_240, %select_n3A_275, %scan3A_238 : i32
        %select_n3A_278 = arith.select %lt3A_240, %select_n3A_276, %scan3A_239 : i32
        scf.yield %select_n3A_277, %select_n3A_278 : i32, i32
      }
      %scan3A_206 = arith.constant 8 : i32
      %sub3A_207 = arith.constant 1 : i32
      %sub3A_208 = arith.subi %scan3A_205#0, %sub3A_207 : i32
      %sub3A_209 = arith.constant 1 : i32
      %sub3A_210 = arith.subi %min3A_198, %sub3A_209 : i32
      %scan3A_211 = arith.constant 0 : i32
      %scan3A_212 = arith.constant 129 : i32
      %scan3A_213 = arith.constant 0 : i32
      %scan3A_214 = arith.constant 8 : i32
      %scan3A_215 = arith.addi %scan3A_213, %scan3A_214 : i32
      %scan3A_216 = arith.constant 1 : i32
      %scan3A_217:2 = scf.for %scan3A_237 = %scan3A_213 to %scan3A_215 step %scan3A_216 iter_args(%scan3A_238 = %scan3A_211, %scan3A_239 = %scan3A_212) -> (i32, i32)  : i32 {
        %lt3A_240 = arith.cmpi slt, %scan3A_238, %scan3A_239 : i32
        %add3A_241 = arith.addi %scan3A_238, %scan3A_239 : i32
        %jit3A_242 = arith.constant 2 : i32
        %div3A_243 = arith.divsi %add3A_241, %jit3A_242 : i32
        %sign3A_244 = arith.constant 0 : i32
        %sign3A_245 = arith.cmpi sgt, %add3A_241, %sign3A_244 : i32
        %sign3A_246 = arith.extui %sign3A_245 : i1 to i32
        %sign3A_247 = arith.constant 0 : i32
        %sign3A_248 = arith.cmpi slt, %add3A_241, %sign3A_247 : i32
        %sign3A_249 = arith.extui %sign3A_248 : i1 to i32
        %sign3A_250 = arith.subi %sign3A_246, %sign3A_249 : i32
        %sign3A_251 = arith.constant 0 : i32
        %sign3A_252 = arith.cmpi sgt, %jit3A_242, %sign3A_251 : i32
        %sign3A_253 = arith.extui %sign3A_252 : i1 to i32
        %sign3A_254 = arith.constant 0 : i32
        %sign3A_255 = arith.cmpi slt, %jit3A_242, %sign3A_254 : i32
        %sign3A_256 = arith.extui %sign3A_255 : i1 to i32
        %sign3A_257 = arith.subi %sign3A_253, %sign3A_256 : i32
        %ne3A_258 = arith.cmpi ne, %sign3A_250, %sign3A_257 : i32
        %rem3A_259 = arith.remsi %add3A_241, %jit3A_242 : i32
        %ne3A_260 = arith.constant 0 : i32
        %ne3A_261 = arith.cmpi ne, %rem3A_259, %ne3A_260 : i32
        %and3A_262 = arith.andi %ne3A_258, %ne3A_261 : i1
        %sub3A_263 = arith.constant 1 : i32
        %sub3A_264 = arith.subi %div3A_243, %sub3A_263 : i32
        %select_n3A_265 = arith.select %and3A_262, %sub3A_264, %div3A_243 : i32
        %min3A_266 = arith.constant 128 : i32
        %min3A_267 = arith.minsi %select_n3A_265, %min3A_266 : i32
        %get3A_268 = arith.index_cast %min3A_267 : i32 to index
        %get3A_269 = tpu.vector_load %arg10[%get3A_268] {strides = array<i32>} : memref<152xi32, #tpu.memory_space<vmem>>, vector<16xi32>,
        %get3A_270 = vector.shape_cast %get3A_269 : vector<16xi32> to vector<16xi32>
        %slice3A_271 = vector.extract_strided_slice %get3A_270 {offsets = [0], sizes = [1], strides = [1]} : vector<16xi32> to vector<1xi32>
        %squeeze3A_272 = vector.extract %slice3A_271[0] : i32 from vector<1xi32>
        %gt3A = arith.cmpi sgt, %squeeze3A_272, %sub3A_210 : i32
        %add3A_273 = arith.constant 1 : i32
        %add3A_274 = arith.addi %min3A_267, %add3A_273 : i32
        %select_n3A_275 = arith.select %gt3A, %scan3A_238, %add3A_274 : i32
        %select_n3A_276 = arith.select %gt3A, %min3A_267, %scan3A_239 : i32
        %select_n3A_277 = arith.select %lt3A_240, %select_n3A_275, %scan3A_238 : i32
        %select_n3A_278 = arith.select %lt3A_240, %select_n3A_276, %scan3A_239 : i32
        scf.yield %select_n3A_277, %select_n3A_278 : i32, i32
      }
      %scan3A_218 = arith.constant 8 : i32
      %sub3A_219 = arith.constant 1 : i32
      %sub3A_220 = arith.subi %scan3A_217#0, %sub3A_219 : i32
      %add3A_221 = arith.constant 1 : i32
      %add3A_222 = arith.addi %sub3A_220, %add3A_221 : i32
      %while3A_223 = arith.constant 0 : i32
      %while3A_224 = arith.subi %add3A_222, %sub3A_208 : i32
      %while3A_225 = arith.addi %sub3A_208, %while3A_224 : i32
      %while3A_226 = arith.constant 1 : i32
      %while3A_227 = arith.divsi %while3A_224, %while3A_226 : i32
      %while3A_228 = arith.muli %while3A_227, %while3A_226 : i32
      %while3A_229 = arith.addi %sub3A_208, %while3A_228 : i32
      %while3A_230 = arith.constant 1 : i32
      %while3A_231 = scf.for %while3A_237 = %sub3A_208 to %while3A_229 step %while3A_230 iter_args(%while3A_238 = %while3A_223) -> (i32)  : i32 {
        %get3A_239 = arith.index_cast %while3A_237 : i32 to index
        %get3A_240 = tpu.vector_load %arg10[%get3A_239] {strides = array<i32>} : memref<152xi32, #tpu.memory_space<vmem>>, vector<16xi32>,
        %get3A_241 = vector.shape_cast %get3A_240 : vector<16xi32> to vector<16xi32>
        %slice3A_242 = vector.extract_strided_slice %get3A_241 {offsets = [0], sizes = [1], strides = [1]} : vector<16xi32> to vector<1xi32>
        %squeeze3A_243 = vector.extract %slice3A_242[0] : i32 from vector<1xi32>
        %max3A_244 = arith.maxsi %squeeze3A_243, %max3A : i32
        %sub3A_245 = arith.subi %max3A_244, %mul3A_195 : i32
        %add3A_246 = arith.constant 1 : i32
        %add3A_247 = arith.addi %while3A_237, %add3A_246 : i32
        %get3A_248 = arith.index_cast %add3A_247 : i32 to index
        %get3A_249 = tpu.vector_load %arg10[%get3A_248] {strides = array<i32>} : memref<152xi32, #tpu.memory_space<vmem>>, vector<16xi32>,
        %get3A_250 = vector.shape_cast %get3A_249 : vector<16xi32> to vector<16xi32>
        %slice3A_251 = vector.extract_strided_slice %get3A_250 {offsets = [0], sizes = [1], strides = [1]} : vector<16xi32> to vector<1xi32>
        %squeeze3A_252 = vector.extract %slice3A_251[0] : i32 from vector<1xi32>
        %min3A_253 = arith.minsi %squeeze3A_252, %min3A_198 : i32
        %sub3A_254 = arith.subi %min3A_253, %mul3A_195 : i32
        %broadcast_in_dim3A = arith.constant 0.000000e+00 : f32
        %broadcast_in_dim3A_255 = vector.broadcast %broadcast_in_dim3A : f32 to vector<16xf32>
        %broadcast_in_dim3A_256 = arith.constant 0.000000e+00 : f32
        %broadcast_in_dim3A_257 = vector.broadcast %broadcast_in_dim3A_256 : f32 to vector<16xf32>
        %while3A_258 = arith.subi %sub3A_254, %sub3A_245 : i32
        %while3A_259 = arith.addi %sub3A_245, %while3A_258 : i32
        %while3A_260 = arith.constant 1 : i32
        %while3A_261 = arith.divsi %while3A_258, %while3A_260 : i32
        %while3A_262 = arith.muli %while3A_261, %while3A_260 : i32
        %while3A_263 = arith.addi %sub3A_245, %while3A_262 : i32
        %while3A_264 = arith.constant 1 : i32
        %while3A_265:2 = scf.for %while3A_288 = %sub3A_245 to %while3A_263 step %while3A_264 iter_args(%while3A_289 = %broadcast_in_dim3A_255, %while3A_290 = %broadcast_in_dim3A_257) -> (vector<16xf32>, vector<16xf32>)  : i32 {
          %get3A_291 = arith.index_cast %rem3A_182 : i32 to index
          %get3A_292 = arith.index_cast %while3A_288 : i32 to index
          %get3A_293 = arith.constant 0 : index
          %get3A_294 = tpu.vector_load %arg13[%get3A_291, %get3A_292, %get3A_293] {strides = array<i32>} : memref<4x128x32xf32, #tpu.memory_space<vmem>>, vector<1x1x16xf32>,
          %get3A_295 = vector.shape_cast %get3A_294 : vector<1x1x16xf32> to vector<16xf32>
          %add3A_296 = arith.addf %while3A_289, %get3A_295 : vector<16xf32>
          %get3A_297 = arith.index_cast %rem3A_182 : i32 to index
          %get3A_298 = arith.index_cast %while3A_288 : i32 to index
          %get3A_299 = arith.constant 16 : index
          %get3A_300 = tpu.vector_load %arg13[%get3A_297, %get3A_298, %get3A_299] {strides = array<i32>} : memref<4x128x32xf32, #tpu.memory_space<vmem>>, vector<1x1x16xf32>,
          %get3A_301 = vector.shape_cast %get3A_300 : vector<1x1x16xf32> to vector<16xf32>
          %add3A_302 = arith.addf %while3A_290, %get3A_301 : vector<16xf32>
          scf.yield %add3A_296, %add3A_302 : vector<16xf32>, vector<16xf32>
        }
        %while3A_266 = arith.constant 1 : i32
        %while3A_267:2 = scf.for %while3A_288 = %while3A_263 to %while3A_259 step %while3A_266 iter_args(%while3A_289 = %while3A_265#0, %while3A_290 = %while3A_265#1) -> (vector<16xf32>, vector<16xf32>)  : i32 {
          %get3A_291 = arith.index_cast %rem3A_182 : i32 to index
          %get3A_292 = arith.index_cast %while3A_288 : i32 to index
          %get3A_293 = arith.constant 0 : index
          %get3A_294 = tpu.vector_load %arg13[%get3A_291, %get3A_292, %get3A_293] {strides = array<i32>} : memref<4x128x32xf32, #tpu.memory_space<vmem>>, vector<1x1x16xf32>,
          %get3A_295 = vector.shape_cast %get3A_294 : vector<1x1x16xf32> to vector<16xf32>
          %add3A_296 = arith.addf %while3A_289, %get3A_295 : vector<16xf32>
          %get3A_297 = arith.index_cast %rem3A_182 : i32 to index
          %get3A_298 = arith.index_cast %while3A_288 : i32 to index
          %get3A_299 = arith.constant 16 : index
          %get3A_300 = tpu.vector_load %arg13[%get3A_297, %get3A_298, %get3A_299] {strides = array<i32>} : memref<4x128x32xf32, #tpu.memory_space<vmem>>, vector<1x1x16xf32>,
          %get3A_301 = vector.shape_cast %get3A_300 : vector<1x1x16xf32> to vector<16xf32>
          %add3A_302 = arith.addf %while3A_290, %get3A_301 : vector<16xf32>
          scf.yield %add3A_296, %add3A_302 : vector<16xf32>, vector<16xf32>
        }
        %get3A_268 = arith.index_cast %while3A_237 : i32 to index
        %get3A_269 = arith.constant 0 : index
        %get3A_270 = tpu.vector_load %arg15[%get3A_268, %get3A_269] {strides = array<i32>} : memref<128x32xf32, #tpu.memory_space<vmem>>, vector<1x16xf32>,
        %get3A_271 = vector.shape_cast %get3A_270 : vector<1x16xf32> to vector<16xf32>
        %add3A_272 = arith.addf %get3A_271, %while3A_267#0 : vector<16xf32>
        %swap3A = arith.index_cast %while3A_237 : i32 to index
        %swap3A_273 = arith.constant 0 : index
        %swap3A_274 = tpu.vector_load %arg15[%swap3A, %swap3A_273] {strides = array<i32>} : memref<128x32xf32, #tpu.memory_space<vmem>>, vector<1x16xf32>,
        %swap3A_275 = vector.shape_cast %swap3A_274 : vector<1x16xf32> to vector<16xf32>
        %swap3A_276 = vector.shape_cast %add3A_272 : vector<16xf32> to vector<1x16xf32>
        tpu.vector_store %arg15[%swap3A, %swap3A_273], %swap3A_276 {strides = array<i32>} : memref<128x32xf32, #tpu.memory_space<vmem>>, vector<1x16xf32>,
        %get3A_277 = arith.index_cast %while3A_237 : i32 to index
        %get3A_278 = arith.constant 16 : index
        %get3A_279 = tpu.vector_load %arg15[%get3A_277, %get3A_278] {strides = array<i32>} : memref<128x32xf32, #tpu.memory_space<vmem>>, vector<1x16xf32>,
        %get3A_280 = vector.shape_cast %get3A_279 : vector<1x16xf32> to vector<16xf32>
        %add3A_281 = arith.addf %get3A_280, %while3A_267#1 : vector<16xf32>
        %swap3A_282 = arith.index_cast %while3A_237 : i32 to index
        %swap3A_283 = arith.constant 16 : index
        %swap3A_284 = tpu.vector_load %arg15[%swap3A_282, %swap3A_283] {strides = array<i32>} : memref<128x32xf32, #tpu.memory_space<vmem>>, vector<1x16xf32>,
        %swap3A_285 = vector.shape_cast %swap3A_284 : vector<1x16xf32> to vector<16xf32>
        %swap3A_286 = vector.shape_cast %add3A_281 : vector<16xf32> to vector<1x16xf32>
        tpu.vector_store %arg15[%swap3A_282, %swap3A_283], %swap3A_286 {strides = array<i32>} : memref<128x32xf32, #tpu.memory_space<vmem>>, vector<1x16xf32>,
        %while3A_287 = arith.constant 0 : i32
        scf.yield %while3A_287 : i32
      }
      %while3A_232 = arith.constant 1 : i32
      %while3A_233 = scf.for %while3A_237 = %while3A_229 to %while3A_225 step %while3A_232 iter_args(%while3A_238 = %while3A_231) -> (i32)  : i32 {
        %get3A_239 = arith.index_cast %while3A_237 : i32 to index
        %get3A_240 = tpu.vector_load %arg10[%get3A_239] {strides = array<i32>} : memref<152xi32, #tpu.memory_space<vmem>>, vector<16xi32>,
        %get3A_241 = vector.shape_cast %get3A_240 : vector<16xi32> to vector<16xi32>
        %slice3A_242 = vector.extract_strided_slice %get3A_241 {offsets = [0], sizes = [1], strides = [1]} : vector<16xi32> to vector<1xi32>
        %squeeze3A_243 = vector.extract %slice3A_242[0] : i32 from vector<1xi32>
        %max3A_244 = arith.maxsi %squeeze3A_243, %max3A : i32
        %sub3A_245 = arith.subi %max3A_244, %mul3A_195 : i32
        %add3A_246 = arith.constant 1 : i32
        %add3A_247 = arith.addi %while3A_237, %add3A_246 : i32
        %get3A_248 = arith.index_cast %add3A_247 : i32 to index
        %get3A_249 = tpu.vector_load %arg10[%get3A_248] {strides = array<i32>} : memref<152xi32, #tpu.memory_space<vmem>>, vector<16xi32>,
        %get3A_250 = vector.shape_cast %get3A_249 : vector<16xi32> to vector<16xi32>
        %slice3A_251 = vector.extract_strided_slice %get3A_250 {offsets = [0], sizes = [1], strides = [1]} : vector<16xi32> to vector<1xi32>
        %squeeze3A_252 = vector.extract %slice3A_251[0] : i32 from vector<1xi32>
        %min3A_253 = arith.minsi %squeeze3A_252, %min3A_198 : i32
        %sub3A_254 = arith.subi %min3A_253, %mul3A_195 : i32
        %broadcast_in_dim3A = arith.constant 0.000000e+00 : f32
        %broadcast_in_dim3A_255 = vector.broadcast %broadcast_in_dim3A : f32 to vector<16xf32>
        %broadcast_in_dim3A_256 = arith.constant 0.000000e+00 : f32
        %broadcast_in_dim3A_257 = vector.broadcast %broadcast_in_dim3A_256 : f32 to vector<16xf32>
        %while3A_258 = arith.subi %sub3A_254, %sub3A_245 : i32
        %while3A_259 = arith.addi %sub3A_245, %while3A_258 : i32
        %while3A_260 = arith.constant 1 : i32
        %while3A_261 = arith.divsi %while3A_258, %while3A_260 : i32
        %while3A_262 = arith.muli %while3A_261, %while3A_260 : i32
        %while3A_263 = arith.addi %sub3A_245, %while3A_262 : i32
        %while3A_264 = arith.constant 1 : i32
        %while3A_265:2 = scf.for %while3A_288 = %sub3A_245 to %while3A_263 step %while3A_264 iter_args(%while3A_289 = %broadcast_in_dim3A_255, %while3A_290 = %broadcast_in_dim3A_257) -> (vector<16xf32>, vector<16xf32>)  : i32 {
          %get3A_291 = arith.index_cast %rem3A_182 : i32 to index
          %get3A_292 = arith.index_cast %while3A_288 : i32 to index
          %get3A_293 = arith.constant 0 : index
          %get3A_294 = tpu.vector_load %arg13[%get3A_291, %get3A_292, %get3A_293] {strides = array<i32>} : memref<4x128x32xf32, #tpu.memory_space<vmem>>, vector<1x1x16xf32>,
          %get3A_295 = vector.shape_cast %get3A_294 : vector<1x1x16xf32> to vector<16xf32>
          %add3A_296 = arith.addf %while3A_289, %get3A_295 : vector<16xf32>
          %get3A_297 = arith.index_cast %rem3A_182 : i32 to index
          %get3A_298 = arith.index_cast %while3A_288 : i32 to index
          %get3A_299 = arith.constant 16 : index
          %get3A_300 = tpu.vector_load %arg13[%get3A_297, %get3A_298, %get3A_299] {strides = array<i32>} : memref<4x128x32xf32, #tpu.memory_space<vmem>>, vector<1x1x16xf32>,
          %get3A_301 = vector.shape_cast %get3A_300 : vector<1x1x16xf32> to vector<16xf32>
          %add3A_302 = arith.addf %while3A_290, %get3A_301 : vector<16xf32>
          scf.yield %add3A_296, %add3A_302 : vector<16xf32>, vector<16xf32>
        }
        %while3A_266 = arith.constant 1 : i32
        %while3A_267:2 = scf.for %while3A_288 = %while3A_263 to %while3A_259 step %while3A_266 iter_args(%while3A_289 = %while3A_265#0, %while3A_290 = %while3A_265#1) -> (vector<16xf32>, vector<16xf32>)  : i32 {
          %get3A_291 = arith.index_cast %rem3A_182 : i32 to index
          %get3A_292 = arith.index_cast %while3A_288 : i32 to index
          %get3A_293 = arith.constant 0 : index
          %get3A_294 = tpu.vector_load %arg13[%get3A_291, %get3A_292, %get3A_293] {strides = array<i32>} : memref<4x128x32xf32, #tpu.memory_space<vmem>>, vector<1x1x16xf32>,
          %get3A_295 = vector.shape_cast %get3A_294 : vector<1x1x16xf32> to vector<16xf32>
          %add3A_296 = arith.addf %while3A_289, %get3A_295 : vector<16xf32>
          %get3A_297 = arith.index_cast %rem3A_182 : i32 to index
          %get3A_298 = arith.index_cast %while3A_288 : i32 to index
          %get3A_299 = arith.constant 16 : index
          %get3A_300 = tpu.vector_load %arg13[%get3A_297, %get3A_298, %get3A_299] {strides = array<i32>} : memref<4x128x32xf32, #tpu.memory_space<vmem>>, vector<1x1x16xf32>,
          %get3A_301 = vector.shape_cast %get3A_300 : vector<1x1x16xf32> to vector<16xf32>
          %add3A_302 = arith.addf %while3A_290, %get3A_301 : vector<16xf32>
          scf.yield %add3A_296, %add3A_302 : vector<16xf32>, vector<16xf32>
        }
        %get3A_268 = arith.index_cast %while3A_237 : i32 to index
        %get3A_269 = arith.constant 0 : index
        %get3A_270 = tpu.vector_load %arg15[%get3A_268, %get3A_269] {strides = array<i32>} : memref<128x32xf32, #tpu.memory_space<vmem>>, vector<1x16xf32>,
        %get3A_271 = vector.shape_cast %get3A_270 : vector<1x16xf32> to vector<16xf32>
        %add3A_272 = arith.addf %get3A_271, %while3A_267#0 : vector<16xf32>
        %swap3A = arith.index_cast %while3A_237 : i32 to index
        %swap3A_273 = arith.constant 0 : index
        %swap3A_274 = tpu.vector_load %arg15[%swap3A, %swap3A_273] {strides = array<i32>} : memref<128x32xf32, #tpu.memory_space<vmem>>, vector<1x16xf32>,
        %swap3A_275 = vector.shape_cast %swap3A_274 : vector<1x16xf32> to vector<16xf32>
        %swap3A_276 = vector.shape_cast %add3A_272 : vector<16xf32> to vector<1x16xf32>
        tpu.vector_store %arg15[%swap3A, %swap3A_273], %swap3A_276 {strides = array<i32>} : memref<128x32xf32, #tpu.memory_space<vmem>>, vector<1x16xf32>,
        %get3A_277 = arith.index_cast %while3A_237 : i32 to index
        %get3A_278 = arith.constant 16 : index
        %get3A_279 = tpu.vector_load %arg15[%get3A_277, %get3A_278] {strides = array<i32>} : memref<128x32xf32, #tpu.memory_space<vmem>>, vector<1x16xf32>,
        %get3A_280 = vector.shape_cast %get3A_279 : vector<1x16xf32> to vector<16xf32>
        %add3A_281 = arith.addf %get3A_280, %while3A_267#1 : vector<16xf32>
        %swap3A_282 = arith.index_cast %while3A_237 : i32 to index
        %swap3A_283 = arith.constant 16 : index
        %swap3A_284 = tpu.vector_load %arg15[%swap3A_282, %swap3A_283] {strides = array<i32>} : memref<128x32xf32, #tpu.memory_space<vmem>>, vector<1x16xf32>,
        %swap3A_285 = vector.shape_cast %swap3A_284 : vector<1x16xf32> to vector<16xf32>
        %swap3A_286 = vector.shape_cast %add3A_281 : vector<16xf32> to vector<1x16xf32>
        tpu.vector_store %arg15[%swap3A_282, %swap3A_283], %swap3A_286 {strides = array<i32>} : memref<128x32xf32, #tpu.memory_space<vmem>>, vector<1x16xf32>,
        %while3A_287 = arith.constant 0 : i32
        scf.yield %while3A_287 : i32
      }
      %add3A_234 = arith.constant 4 : i32
      %add3A_235 = arith.addi %while3A_179, %add3A_234 : i32
      %lt3A = arith.cmpi slt, %add3A_235, %sub3A_154 : i32
      %convert_element_type3A = arith.extui %lt3A : i1 to i32
      %cond3A = arith.constant 0 : i32
      %cond3A_236 = arith.cmpi ne, %convert_element_type3A, %cond3A : i32
      scf.if %cond3A_236 {
        %add3A_237 = arith.constant 4 : i32
        %add3A_238 = arith.addi %add3A_180, %add3A_237 : i32
        %mul3A_239 = arith.constant 128 : i32
        %mul3A_240 = arith.muli %add3A_238, %mul3A_239 : i32
        %multiple_of3A = tpu.assume_multiple %mul3A_240, 128 : i32
        "tpu.region"() ({
          %run_scoped3A = tpu.sem_alloc : memref<!tpu.dma_semaphore, #tpu.memory_space<semaphore_mem>>
          %dma_start3A_252 = arith.constant 0 : i32
          %dma_start3A_253 = tpu.memref_slice %arg11[%rem3A_182, %dma_start3A_252] : memref<4x128xi32, #tpu.memory_space<vmem>> -> memref<1x128xi32, #tpu.memory_space<vmem>>
          %dma_start3A_254 = tpu.memref_squeeze %dma_start3A_253 : memref<1x128xi32, #tpu.memory_space<vmem>> -> memref<128xi32, #tpu.memory_space<vmem>>
          %dma_start3A_255 = tpu.memref_slice %arg4[%multiple_of3A] : memref<204800xi32, #tpu.memory_space<hbm>> -> memref<128xi32, #tpu.memory_space<hbm>>
          %dma_start3A_256 = arith.constant 0 : i32
          %dma_start3A_257 = tpu.memref_slice %arg11[%rem3A_182, %dma_start3A_256] : memref<4x128xi32, #tpu.memory_space<vmem>> -> memref<1x128xi32, #tpu.memory_space<vmem>>
          %dma_start3A_258 = tpu.memref_squeeze %dma_start3A_257 : memref<1x128xi32, #tpu.memory_space<vmem>> -> memref<128xi32, #tpu.memory_space<vmem>>
          %dma_start3A_259 = tpu.memref_slice %arg4[%multiple_of3A] : memref<204800xi32, #tpu.memory_space<hbm>> -> memref<128xi32, #tpu.memory_space<hbm>>
          tpu.enqueue_dma source(%dma_start3A_259 : memref<128xi32, #tpu.memory_space<hbm>>) target(%dma_start3A_258 : memref<128xi32, #tpu.memory_space<vmem>>) target_semaphore(%run_scoped3A : memref<!tpu.dma_semaphore, #tpu.memory_space<semaphore_mem>>)
          %dma_wait3A_260 = arith.constant 0 : i32
          %dma_wait3A_261 = tpu.memref_slice %arg11[%rem3A_182, %dma_wait3A_260] : memref<4x128xi32, #tpu.memory_space<vmem>> -> memref<1x128xi32, #tpu.memory_space<vmem>>
          %dma_wait3A_262 = tpu.memref_squeeze %dma_wait3A_261 : memref<1x128xi32, #tpu.memory_space<vmem>> -> memref<128xi32, #tpu.memory_space<vmem>>
          %dma_wait3A_263 = tpu.memref_slice %arg4[%multiple_of3A] : memref<204800xi32, #tpu.memory_space<hbm>> -> memref<128xi32, #tpu.memory_space<hbm>>
          %dma_wait3A_264 = arith.constant 0 : i32
          %dma_wait3A_265 = tpu.memref_slice %arg11[%rem3A_182, %dma_wait3A_264] : memref<4x128xi32, #tpu.memory_space<vmem>> -> memref<1x128xi32, #tpu.memory_space<vmem>>
          %dma_wait3A_266 = tpu.memref_squeeze %dma_wait3A_265 : memref<1x128xi32, #tpu.memory_space<vmem>> -> memref<128xi32, #tpu.memory_space<vmem>>
          %dma_wait3A_267 = tpu.memref_slice %arg4[%multiple_of3A] : memref<204800xi32, #tpu.memory_space<hbm>> -> memref<128xi32, #tpu.memory_space<hbm>>
          tpu.wait_dma2 semaphore(%run_scoped3A : memref<!tpu.dma_semaphore, #tpu.memory_space<semaphore_mem>>) src(%dma_wait3A_267 : memref<128xi32, #tpu.memory_space<hbm>>) dst(%dma_wait3A_266 : memref<128xi32, #tpu.memory_space<vmem>>)
          tpu.yield
        }) : () -> ()
        %dma_start3A = arith.constant 0 : i32
        %dma_start3A_241 = arith.constant 0 : i32
        %dma_start3A_242 = tpu.memref_slice %arg13[%rem3A_182, %dma_start3A, %dma_start3A_241] : memref<4x128x32xf32, #tpu.memory_space<vmem>> -> memref<1x128x32xf32, #tpu.memory_space<vmem>>
        %dma_start3A_243 = tpu.memref_squeeze %dma_start3A_242 : memref<1x128x32xf32, #tpu.memory_space<vmem>> -> memref<128x32xf32, #tpu.memory_space<vmem>>
        %dma_start3A_244 = arith.constant 0 : i32
        %dma_start3A_245 = tpu.memref_slice %arg11[%rem3A_182, %dma_start3A_244] : memref<4x128xi32, #tpu.memory_space<vmem>> -> memref<1x128xi32, #tpu.memory_space<vmem>>
        %dma_start3A_246 = tpu.memref_squeeze %dma_start3A_245 : memref<1x128xi32, #tpu.memory_space<vmem>> -> memref<128xi32, #tpu.memory_space<vmem>>
        %dma_start3A_247 = arith.constant 0 : i32
        %dma_start3A_248 = arith.constant 0 : i32
        %dma_start3A_249 = tpu.memref_slice %arg7[%dma_start3A_247, %dma_start3A_248] : memref<100000x32xf32, #tpu.memory_space<hbm>> -> memref<100000x32xf32, #tpu.memory_space<hbm>>
        %dma_start3A_250 = tpu.memref_slice %arg16[%rem3A_182] : memref<4x!tpu.dma_semaphore, #tpu.memory_space<semaphore_mem>> -> memref<1x!tpu.dma_semaphore, #tpu.memory_space<semaphore_mem>>
        %dma_start3A_251 = tpu.memref_squeeze %dma_start3A_250 : memref<1x!tpu.dma_semaphore, #tpu.memory_space<semaphore_mem>> -> memref<!tpu.dma_semaphore, #tpu.memory_space<semaphore_mem>>
        tpu.enqueue_indirect_dma source(%dma_start3A_249 : memref<100000x32xf32, #tpu.memory_space<hbm>>) target(%dma_start3A_243 : memref<128x32xf32, #tpu.memory_space<vmem>>) offsets(%dma_start3A_246 : memref<128xi32, #tpu.memory_space<vmem>>) semaphore(%dma_start3A_251 : memref<!tpu.dma_semaphore, #tpu.memory_space<semaphore_mem>>)
      } else {
      }
    }
    %while3A_178 = arith.constant 1 : i32
    scf.for %while3A_179 = %while3A_176 to %while3A_172 step %while3A_178  : i32 {
      %add3A_180 = arith.addi %select_n3A_125, %while3A_179 : i32
      %rem3A_181 = arith.constant 4 : i32
      %rem3A_182 = arith.remsi %while3A_179, %rem3A_181 : i32
      %dma_wait3A = arith.constant 0 : i32
      %dma_wait3A_183 = arith.constant 0 : i32
      %dma_wait3A_184 = tpu.memref_slice %arg13[%rem3A_182, %dma_wait3A, %dma_wait3A_183] : memref<4x128x32xf32, #tpu.memory_space<vmem>> -> memref<1x128x32xf32, #tpu.memory_space<vmem>>
      %dma_wait3A_185 = tpu.memref_squeeze %dma_wait3A_184 : memref<1x128x32xf32, #tpu.memory_space<vmem>> -> memref<128x32xf32, #tpu.memory_space<vmem>>
      %dma_wait3A_186 = arith.constant 0 : i32
      %dma_wait3A_187 = tpu.memref_slice %arg11[%rem3A_182, %dma_wait3A_186] : memref<4x128xi32, #tpu.memory_space<vmem>> -> memref<1x128xi32, #tpu.memory_space<vmem>>
      %dma_wait3A_188 = tpu.memref_squeeze %dma_wait3A_187 : memref<1x128xi32, #tpu.memory_space<vmem>> -> memref<128xi32, #tpu.memory_space<vmem>>
      %dma_wait3A_189 = arith.constant 0 : i32
      %dma_wait3A_190 = arith.constant 0 : i32
      %dma_wait3A_191 = tpu.memref_slice %arg7[%dma_wait3A_189, %dma_wait3A_190] : memref<100000x32xf32, #tpu.memory_space<hbm>> -> memref<100000x32xf32, #tpu.memory_space<hbm>>
      %dma_wait3A_192 = tpu.memref_slice %arg16[%rem3A_182] : memref<4x!tpu.dma_semaphore, #tpu.memory_space<semaphore_mem>> -> memref<1x!tpu.dma_semaphore, #tpu.memory_space<semaphore_mem>>
      %dma_wait3A_193 = tpu.memref_squeeze %dma_wait3A_192 : memref<1x!tpu.dma_semaphore, #tpu.memory_space<semaphore_mem>> -> memref<!tpu.dma_semaphore, #tpu.memory_space<semaphore_mem>>
      tpu.wait_indirect_dma semaphore(%dma_wait3A_193 : memref<!tpu.dma_semaphore, #tpu.memory_space<semaphore_mem>>) src(%dma_wait3A_191 : memref<100000x32xf32, #tpu.memory_space<hbm>>) dst(%dma_wait3A_185 : memref<128x32xf32, #tpu.memory_space<vmem>>)
      %mul3A_194 = arith.constant 128 : i32
      %mul3A_195 = arith.muli %add3A_180, %mul3A_194 : i32
      %max3A = arith.maxsi %mul3A_195, %squeeze3A_96 : i32
      %add3A_196 = arith.constant 128 : i32
      %add3A_197 = arith.addi %mul3A_195, %add3A_196 : i32
      %min3A_198 = arith.minsi %add3A_197, %squeeze3A_101 : i32
      %scan3A_199 = arith.constant 0 : i32
      %scan3A_200 = arith.constant 129 : i32
      %scan3A_201 = arith.constant 0 : i32
      %scan3A_202 = arith.constant 8 : i32
      %scan3A_203 = arith.addi %scan3A_201, %scan3A_202 : i32
      %scan3A_204 = arith.constant 1 : i32
      %scan3A_205:2 = scf.for %scan3A_237 = %scan3A_201 to %scan3A_203 step %scan3A_204 iter_args(%scan3A_238 = %scan3A_199, %scan3A_239 = %scan3A_200) -> (i32, i32)  : i32 {
        %lt3A_240 = arith.cmpi slt, %scan3A_238, %scan3A_239 : i32
        %add3A_241 = arith.addi %scan3A_238, %scan3A_239 : i32
        %jit3A_242 = arith.constant 2 : i32
        %div3A_243 = arith.divsi %add3A_241, %jit3A_242 : i32
        %sign3A_244 = arith.constant 0 : i32
        %sign3A_245 = arith.cmpi sgt, %add3A_241, %sign3A_244 : i32
        %sign3A_246 = arith.extui %sign3A_245 : i1 to i32
        %sign3A_247 = arith.constant 0 : i32
        %sign3A_248 = arith.cmpi slt, %add3A_241, %sign3A_247 : i32
        %sign3A_249 = arith.extui %sign3A_248 : i1 to i32
        %sign3A_250 = arith.subi %sign3A_246, %sign3A_249 : i32
        %sign3A_251 = arith.constant 0 : i32
        %sign3A_252 = arith.cmpi sgt, %jit3A_242, %sign3A_251 : i32
        %sign3A_253 = arith.extui %sign3A_252 : i1 to i32
        %sign3A_254 = arith.constant 0 : i32
        %sign3A_255 = arith.cmpi slt, %jit3A_242, %sign3A_254 : i32
        %sign3A_256 = arith.extui %sign3A_255 : i1 to i32
        %sign3A_257 = arith.subi %sign3A_253, %sign3A_256 : i32
        %ne3A_258 = arith.cmpi ne, %sign3A_250, %sign3A_257 : i32
        %rem3A_259 = arith.remsi %add3A_241, %jit3A_242 : i32
        %ne3A_260 = arith.constant 0 : i32
        %ne3A_261 = arith.cmpi ne, %rem3A_259, %ne3A_260 : i32
        %and3A_262 = arith.andi %ne3A_258, %ne3A_261 : i1
        %sub3A_263 = arith.constant 1 : i32
        %sub3A_264 = arith.subi %div3A_243, %sub3A_263 : i32
        %select_n3A_265 = arith.select %and3A_262, %sub3A_264, %div3A_243 : i32
        %min3A_266 = arith.constant 128 : i32
        %min3A_267 = arith.minsi %select_n3A_265, %min3A_266 : i32
        %get3A_268 = arith.index_cast %min3A_267 : i32 to index
        %get3A_269 = tpu.vector_load %arg10[%get3A_268] {strides = array<i32>} : memref<152xi32, #tpu.memory_space<vmem>>, vector<16xi32>,
        %get3A_270 = vector.shape_cast %get3A_269 : vector<16xi32> to vector<16xi32>
        %slice3A_271 = vector.extract_strided_slice %get3A_270 {offsets = [0], sizes = [1], strides = [1]} : vector<16xi32> to vector<1xi32>
        %squeeze3A_272 = vector.extract %slice3A_271[0] : i32 from vector<1xi32>
        %gt3A = arith.cmpi sgt, %squeeze3A_272, %max3A : i32
        %add3A_273 = arith.constant 1 : i32
        %add3A_274 = arith.addi %min3A_267, %add3A_273 : i32
        %select_n3A_275 = arith.select %gt3A, %scan3A_238, %add3A_274 : i32
        %select_n3A_276 = arith.select %gt3A, %min3A_267, %scan3A_239 : i32
        %select_n3A_277 = arith.select %lt3A_240, %select_n3A_275, %scan3A_238 : i32
        %select_n3A_278 = arith.select %lt3A_240, %select_n3A_276, %scan3A_239 : i32
        scf.yield %select_n3A_277, %select_n3A_278 : i32, i32
      }
      %scan3A_206 = arith.constant 8 : i32
      %sub3A_207 = arith.constant 1 : i32
      %sub3A_208 = arith.subi %scan3A_205#0, %sub3A_207 : i32
      %sub3A_209 = arith.constant 1 : i32
      %sub3A_210 = arith.subi %min3A_198, %sub3A_209 : i32
      %scan3A_211 = arith.constant 0 : i32
      %scan3A_212 = arith.constant 129 : i32
      %scan3A_213 = arith.constant 0 : i32
      %scan3A_214 = arith.constant 8 : i32
      %scan3A_215 = arith.addi %scan3A_213, %scan3A_214 : i32
      %scan3A_216 = arith.constant 1 : i32
      %scan3A_217:2 = scf.for %scan3A_237 = %scan3A_213 to %scan3A_215 step %scan3A_216 iter_args(%scan3A_238 = %scan3A_211, %scan3A_239 = %scan3A_212) -> (i32, i32)  : i32 {
        %lt3A_240 = arith.cmpi slt, %scan3A_238, %scan3A_239 : i32
        %add3A_241 = arith.addi %scan3A_238, %scan3A_239 : i32
        %jit3A_242 = arith.constant 2 : i32
        %div3A_243 = arith.divsi %add3A_241, %jit3A_242 : i32
        %sign3A_244 = arith.constant 0 : i32
        %sign3A_245 = arith.cmpi sgt, %add3A_241, %sign3A_244 : i32
        %sign3A_246 = arith.extui %sign3A_245 : i1 to i32
        %sign3A_247 = arith.constant 0 : i32
        %sign3A_248 = arith.cmpi slt, %add3A_241, %sign3A_247 : i32
        %sign3A_249 = arith.extui %sign3A_248 : i1 to i32
        %sign3A_250 = arith.subi %sign3A_246, %sign3A_249 : i32
        %sign3A_251 = arith.constant 0 : i32
        %sign3A_252 = arith.cmpi sgt, %jit3A_242, %sign3A_251 : i32
        %sign3A_253 = arith.extui %sign3A_252 : i1 to i32
        %sign3A_254 = arith.constant 0 : i32
        %sign3A_255 = arith.cmpi slt, %jit3A_242, %sign3A_254 : i32
        %sign3A_256 = arith.extui %sign3A_255 : i1 to i32
        %sign3A_257 = arith.subi %sign3A_253, %sign3A_256 : i32
        %ne3A_258 = arith.cmpi ne, %sign3A_250, %sign3A_257 : i32
        %rem3A_259 = arith.remsi %add3A_241, %jit3A_242 : i32
        %ne3A_260 = arith.constant 0 : i32
        %ne3A_261 = arith.cmpi ne, %rem3A_259, %ne3A_260 : i32
        %and3A_262 = arith.andi %ne3A_258, %ne3A_261 : i1
        %sub3A_263 = arith.constant 1 : i32
        %sub3A_264 = arith.subi %div3A_243, %sub3A_263 : i32
        %select_n3A_265 = arith.select %and3A_262, %sub3A_264, %div3A_243 : i32
        %min3A_266 = arith.constant 128 : i32
        %min3A_267 = arith.minsi %select_n3A_265, %min3A_266 : i32
        %get3A_268 = arith.index_cast %min3A_267 : i32 to index
        %get3A_269 = tpu.vector_load %arg10[%get3A_268] {strides = array<i32>} : memref<152xi32, #tpu.memory_space<vmem>>, vector<16xi32>,
        %get3A_270 = vector.shape_cast %get3A_269 : vector<16xi32> to vector<16xi32>
        %slice3A_271 = vector.extract_strided_slice %get3A_270 {offsets = [0], sizes = [1], strides = [1]} : vector<16xi32> to vector<1xi32>
        %squeeze3A_272 = vector.extract %slice3A_271[0] : i32 from vector<1xi32>
        %gt3A = arith.cmpi sgt, %squeeze3A_272, %sub3A_210 : i32
        %add3A_273 = arith.constant 1 : i32
        %add3A_274 = arith.addi %min3A_267, %add3A_273 : i32
        %select_n3A_275 = arith.select %gt3A, %scan3A_238, %add3A_274 : i32
        %select_n3A_276 = arith.select %gt3A, %min3A_267, %scan3A_239 : i32
        %select_n3A_277 = arith.select %lt3A_240, %select_n3A_275, %scan3A_238 : i32
        %select_n3A_278 = arith.select %lt3A_240, %select_n3A_276, %scan3A_239 : i32
        scf.yield %select_n3A_277, %select_n3A_278 : i32, i32
      }
      %scan3A_218 = arith.constant 8 : i32
      %sub3A_219 = arith.constant 1 : i32
      %sub3A_220 = arith.subi %scan3A_217#0, %sub3A_219 : i32
      %add3A_221 = arith.constant 1 : i32
      %add3A_222 = arith.addi %sub3A_220, %add3A_221 : i32
      %while3A_223 = arith.constant 0 : i32
      %while3A_224 = arith.subi %add3A_222, %sub3A_208 : i32
      %while3A_225 = arith.addi %sub3A_208, %while3A_224 : i32
      %while3A_226 = arith.constant 1 : i32
      %while3A_227 = arith.divsi %while3A_224, %while3A_226 : i32
      %while3A_228 = arith.muli %while3A_227, %while3A_226 : i32
      %while3A_229 = arith.addi %sub3A_208, %while3A_228 : i32
      %while3A_230 = arith.constant 1 : i32
      %while3A_231 = scf.for %while3A_237 = %sub3A_208 to %while3A_229 step %while3A_230 iter_args(%while3A_238 = %while3A_223) -> (i32)  : i32 {
        %get3A_239 = arith.index_cast %while3A_237 : i32 to index
        %get3A_240 = tpu.vector_load %arg10[%get3A_239] {strides = array<i32>} : memref<152xi32, #tpu.memory_space<vmem>>, vector<16xi32>,
        %get3A_241 = vector.shape_cast %get3A_240 : vector<16xi32> to vector<16xi32>
        %slice3A_242 = vector.extract_strided_slice %get3A_241 {offsets = [0], sizes = [1], strides = [1]} : vector<16xi32> to vector<1xi32>
        %squeeze3A_243 = vector.extract %slice3A_242[0] : i32 from vector<1xi32>
        %max3A_244 = arith.maxsi %squeeze3A_243, %max3A : i32
        %sub3A_245 = arith.subi %max3A_244, %mul3A_195 : i32
        %add3A_246 = arith.constant 1 : i32
        %add3A_247 = arith.addi %while3A_237, %add3A_246 : i32
        %get3A_248 = arith.index_cast %add3A_247 : i32 to index
        %get3A_249 = tpu.vector_load %arg10[%get3A_248] {strides = array<i32>} : memref<152xi32, #tpu.memory_space<vmem>>, vector<16xi32>,
        %get3A_250 = vector.shape_cast %get3A_249 : vector<16xi32> to vector<16xi32>
        %slice3A_251 = vector.extract_strided_slice %get3A_250 {offsets = [0], sizes = [1], strides = [1]} : vector<16xi32> to vector<1xi32>
        %squeeze3A_252 = vector.extract %slice3A_251[0] : i32 from vector<1xi32>
        %min3A_253 = arith.minsi %squeeze3A_252, %min3A_198 : i32
        %sub3A_254 = arith.subi %min3A_253, %mul3A_195 : i32
        %broadcast_in_dim3A = arith.constant 0.000000e+00 : f32
        %broadcast_in_dim3A_255 = vector.broadcast %broadcast_in_dim3A : f32 to vector<16xf32>
        %broadcast_in_dim3A_256 = arith.constant 0.000000e+00 : f32
        %broadcast_in_dim3A_257 = vector.broadcast %broadcast_in_dim3A_256 : f32 to vector<16xf32>
        %while3A_258 = arith.subi %sub3A_254, %sub3A_245 : i32
        %while3A_259 = arith.addi %sub3A_245, %while3A_258 : i32
        %while3A_260 = arith.constant 1 : i32
        %while3A_261 = arith.divsi %while3A_258, %while3A_260 : i32
        %while3A_262 = arith.muli %while3A_261, %while3A_260 : i32
        %while3A_263 = arith.addi %sub3A_245, %while3A_262 : i32
        %while3A_264 = arith.constant 1 : i32
        %while3A_265:2 = scf.for %while3A_288 = %sub3A_245 to %while3A_263 step %while3A_264 iter_args(%while3A_289 = %broadcast_in_dim3A_255, %while3A_290 = %broadcast_in_dim3A_257) -> (vector<16xf32>, vector<16xf32>)  : i32 {
          %get3A_291 = arith.index_cast %rem3A_182 : i32 to index
          %get3A_292 = arith.index_cast %while3A_288 : i32 to index
          %get3A_293 = arith.constant 0 : index
          %get3A_294 = tpu.vector_load %arg13[%get3A_291, %get3A_292, %get3A_293] {strides = array<i32>} : memref<4x128x32xf32, #tpu.memory_space<vmem>>, vector<1x1x16xf32>,
          %get3A_295 = vector.shape_cast %get3A_294 : vector<1x1x16xf32> to vector<16xf32>
          %add3A_296 = arith.addf %while3A_289, %get3A_295 : vector<16xf32>
          %get3A_297 = arith.index_cast %rem3A_182 : i32 to index
          %get3A_298 = arith.index_cast %while3A_288 : i32 to index
          %get3A_299 = arith.constant 16 : index
          %get3A_300 = tpu.vector_load %arg13[%get3A_297, %get3A_298, %get3A_299] {strides = array<i32>} : memref<4x128x32xf32, #tpu.memory_space<vmem>>, vector<1x1x16xf32>,
          %get3A_301 = vector.shape_cast %get3A_300 : vector<1x1x16xf32> to vector<16xf32>
          %add3A_302 = arith.addf %while3A_290, %get3A_301 : vector<16xf32>
          scf.yield %add3A_296, %add3A_302 : vector<16xf32>, vector<16xf32>
        }
        %while3A_266 = arith.constant 1 : i32
        %while3A_267:2 = scf.for %while3A_288 = %while3A_263 to %while3A_259 step %while3A_266 iter_args(%while3A_289 = %while3A_265#0, %while3A_290 = %while3A_265#1) -> (vector<16xf32>, vector<16xf32>)  : i32 {
          %get3A_291 = arith.index_cast %rem3A_182 : i32 to index
          %get3A_292 = arith.index_cast %while3A_288 : i32 to index
          %get3A_293 = arith.constant 0 : index
          %get3A_294 = tpu.vector_load %arg13[%get3A_291, %get3A_292, %get3A_293] {strides = array<i32>} : memref<4x128x32xf32, #tpu.memory_space<vmem>>, vector<1x1x16xf32>,
          %get3A_295 = vector.shape_cast %get3A_294 : vector<1x1x16xf32> to vector<16xf32>
          %add3A_296 = arith.addf %while3A_289, %get3A_295 : vector<16xf32>
          %get3A_297 = arith.index_cast %rem3A_182 : i32 to index
          %get3A_298 = arith.index_cast %while3A_288 : i32 to index
          %get3A_299 = arith.constant 16 : index
          %get3A_300 = tpu.vector_load %arg13[%get3A_297, %get3A_298, %get3A_299] {strides = array<i32>} : memref<4x128x32xf32, #tpu.memory_space<vmem>>, vector<1x1x16xf32>,
          %get3A_301 = vector.shape_cast %get3A_300 : vector<1x1x16xf32> to vector<16xf32>
          %add3A_302 = arith.addf %while3A_290, %get3A_301 : vector<16xf32>
          scf.yield %add3A_296, %add3A_302 : vector<16xf32>, vector<16xf32>
        }
        %get3A_268 = arith.index_cast %while3A_237 : i32 to index
        %get3A_269 = arith.constant 0 : index
        %get3A_270 = tpu.vector_load %arg15[%get3A_268, %get3A_269] {strides = array<i32>} : memref<128x32xf32, #tpu.memory_space<vmem>>, vector<1x16xf32>,
        %get3A_271 = vector.shape_cast %get3A_270 : vector<1x16xf32> to vector<16xf32>
        %add3A_272 = arith.addf %get3A_271, %while3A_267#0 : vector<16xf32>
        %swap3A = arith.index_cast %while3A_237 : i32 to index
        %swap3A_273 = arith.constant 0 : index
        %swap3A_274 = tpu.vector_load %arg15[%swap3A, %swap3A_273] {strides = array<i32>} : memref<128x32xf32, #tpu.memory_space<vmem>>, vector<1x16xf32>,
        %swap3A_275 = vector.shape_cast %swap3A_274 : vector<1x16xf32> to vector<16xf32>
        %swap3A_276 = vector.shape_cast %add3A_272 : vector<16xf32> to vector<1x16xf32>
        tpu.vector_store %arg15[%swap3A, %swap3A_273], %swap3A_276 {strides = array<i32>} : memref<128x32xf32, #tpu.memory_space<vmem>>, vector<1x16xf32>,
        %get3A_277 = arith.index_cast %while3A_237 : i32 to index
        %get3A_278 = arith.constant 16 : index
        %get3A_279 = tpu.vector_load %arg15[%get3A_277, %get3A_278] {strides = array<i32>} : memref<128x32xf32, #tpu.memory_space<vmem>>, vector<1x16xf32>,
        %get3A_280 = vector.shape_cast %get3A_279 : vector<1x16xf32> to vector<16xf32>
        %add3A_281 = arith.addf %get3A_280, %while3A_267#1 : vector<16xf32>
        %swap3A_282 = arith.index_cast %while3A_237 : i32 to index
        %swap3A_283 = arith.constant 16 : index
        %swap3A_284 = tpu.vector_load %arg15[%swap3A_282, %swap3A_283] {strides = array<i32>} : memref<128x32xf32, #tpu.memory_space<vmem>>, vector<1x16xf32>,
        %swap3A_285 = vector.shape_cast %swap3A_284 : vector<1x16xf32> to vector<16xf32>
        %swap3A_286 = vector.shape_cast %add3A_281 : vector<16xf32> to vector<1x16xf32>
        tpu.vector_store %arg15[%swap3A_282, %swap3A_283], %swap3A_286 {strides = array<i32>} : memref<128x32xf32, #tpu.memory_space<vmem>>, vector<1x16xf32>,
        %while3A_287 = arith.constant 0 : i32
        scf.yield %while3A_287 : i32
      }
      %while3A_232 = arith.constant 1 : i32
      %while3A_233 = scf.for %while3A_237 = %while3A_229 to %while3A_225 step %while3A_232 iter_args(%while3A_238 = %while3A_231) -> (i32)  : i32 {
        %get3A_239 = arith.index_cast %while3A_237 : i32 to index
        %get3A_240 = tpu.vector_load %arg10[%get3A_239] {strides = array<i32>} : memref<152xi32, #tpu.memory_space<vmem>>, vector<16xi32>,
        %get3A_241 = vector.shape_cast %get3A_240 : vector<16xi32> to vector<16xi32>
        %slice3A_242 = vector.extract_strided_slice %get3A_241 {offsets = [0], sizes = [1], strides = [1]} : vector<16xi32> to vector<1xi32>
        %squeeze3A_243 = vector.extract %slice3A_242[0] : i32 from vector<1xi32>
        %max3A_244 = arith.maxsi %squeeze3A_243, %max3A : i32
        %sub3A_245 = arith.subi %max3A_244, %mul3A_195 : i32
        %add3A_246 = arith.constant 1 : i32
        %add3A_247 = arith.addi %while3A_237, %add3A_246 : i32
        %get3A_248 = arith.index_cast %add3A_247 : i32 to index
        %get3A_249 = tpu.vector_load %arg10[%get3A_248] {strides = array<i32>} : memref<152xi32, #tpu.memory_space<vmem>>, vector<16xi32>,
        %get3A_250 = vector.shape_cast %get3A_249 : vector<16xi32> to vector<16xi32>
        %slice3A_251 = vector.extract_strided_slice %get3A_250 {offsets = [0], sizes = [1], strides = [1]} : vector<16xi32> to vector<1xi32>
        %squeeze3A_252 = vector.extract %slice3A_251[0] : i32 from vector<1xi32>
        %min3A_253 = arith.minsi %squeeze3A_252, %min3A_198 : i32
        %sub3A_254 = arith.subi %min3A_253, %mul3A_195 : i32
        %broadcast_in_dim3A = arith.constant 0.000000e+00 : f32
        %broadcast_in_dim3A_255 = vector.broadcast %broadcast_in_dim3A : f32 to vector<16xf32>
        %broadcast_in_dim3A_256 = arith.constant 0.000000e+00 : f32
        %broadcast_in_dim3A_257 = vector.broadcast %broadcast_in_dim3A_256 : f32 to vector<16xf32>
        %while3A_258 = arith.subi %sub3A_254, %sub3A_245 : i32
        %while3A_259 = arith.addi %sub3A_245, %while3A_258 : i32
        %while3A_260 = arith.constant 1 : i32
        %while3A_261 = arith.divsi %while3A_258, %while3A_260 : i32
        %while3A_262 = arith.muli %while3A_261, %while3A_260 : i32
        %while3A_263 = arith.addi %sub3A_245, %while3A_262 : i32
        %while3A_264 = arith.constant 1 : i32
        %while3A_265:2 = scf.for %while3A_288 = %sub3A_245 to %while3A_263 step %while3A_264 iter_args(%while3A_289 = %broadcast_in_dim3A_255, %while3A_290 = %broadcast_in_dim3A_257) -> (vector<16xf32>, vector<16xf32>)  : i32 {
          %get3A_291 = arith.index_cast %rem3A_182 : i32 to index
          %get3A_292 = arith.index_cast %while3A_288 : i32 to index
          %get3A_293 = arith.constant 0 : index
          %get3A_294 = tpu.vector_load %arg13[%get3A_291, %get3A_292, %get3A_293] {strides = array<i32>} : memref<4x128x32xf32, #tpu.memory_space<vmem>>, vector<1x1x16xf32>,
          %get3A_295 = vector.shape_cast %get3A_294 : vector<1x1x16xf32> to vector<16xf32>
          %add3A_296 = arith.addf %while3A_289, %get3A_295 : vector<16xf32>
          %get3A_297 = arith.index_cast %rem3A_182 : i32 to index
          %get3A_298 = arith.index_cast %while3A_288 : i32 to index
          %get3A_299 = arith.constant 16 : index
          %get3A_300 = tpu.vector_load %arg13[%get3A_297, %get3A_298, %get3A_299] {strides = array<i32>} : memref<4x128x32xf32, #tpu.memory_space<vmem>>, vector<1x1x16xf32>,
          %get3A_301 = vector.shape_cast %get3A_300 : vector<1x1x16xf32> to vector<16xf32>
          %add3A_302 = arith.addf %while3A_290, %get3A_301 : vector<16xf32>
          scf.yield %add3A_296, %add3A_302 : vector<16xf32>, vector<16xf32>
        }
        %while3A_266 = arith.constant 1 : i32
        %while3A_267:2 = scf.for %while3A_288 = %while3A_263 to %while3A_259 step %while3A_266 iter_args(%while3A_289 = %while3A_265#0, %while3A_290 = %while3A_265#1) -> (vector<16xf32>, vector<16xf32>)  : i32 {
          %get3A_291 = arith.index_cast %rem3A_182 : i32 to index
          %get3A_292 = arith.index_cast %while3A_288 : i32 to index
          %get3A_293 = arith.constant 0 : index
          %get3A_294 = tpu.vector_load %arg13[%get3A_291, %get3A_292, %get3A_293] {strides = array<i32>} : memref<4x128x32xf32, #tpu.memory_space<vmem>>, vector<1x1x16xf32>,
          %get3A_295 = vector.shape_cast %get3A_294 : vector<1x1x16xf32> to vector<16xf32>
          %add3A_296 = arith.addf %while3A_289, %get3A_295 : vector<16xf32>
          %get3A_297 = arith.index_cast %rem3A_182 : i32 to index
          %get3A_298 = arith.index_cast %while3A_288 : i32 to index
          %get3A_299 = arith.constant 16 : index
          %get3A_300 = tpu.vector_load %arg13[%get3A_297, %get3A_298, %get3A_299] {strides = array<i32>} : memref<4x128x32xf32, #tpu.memory_space<vmem>>, vector<1x1x16xf32>,
          %get3A_301 = vector.shape_cast %get3A_300 : vector<1x1x16xf32> to vector<16xf32>
          %add3A_302 = arith.addf %while3A_290, %get3A_301 : vector<16xf32>
          scf.yield %add3A_296, %add3A_302 : vector<16xf32>, vector<16xf32>
        }
        %get3A_268 = arith.index_cast %while3A_237 : i32 to index
        %get3A_269 = arith.constant 0 : index
        %get3A_270 = tpu.vector_load %arg15[%get3A_268, %get3A_269] {strides = array<i32>} : memref<128x32xf32, #tpu.memory_space<vmem>>, vector<1x16xf32>,
        %get3A_271 = vector.shape_cast %get3A_270 : vector<1x16xf32> to vector<16xf32>
        %add3A_272 = arith.addf %get3A_271, %while3A_267#0 : vector<16xf32>
        %swap3A = arith.index_cast %while3A_237 : i32 to index
        %swap3A_273 = arith.constant 0 : index
        %swap3A_274 = tpu.vector_load %arg15[%swap3A, %swap3A_273] {strides = array<i32>} : memref<128x32xf32, #tpu.memory_space<vmem>>, vector<1x16xf32>,
        %swap3A_275 = vector.shape_cast %swap3A_274 : vector<1x16xf32> to vector<16xf32>
        %swap3A_276 = vector.shape_cast %add3A_272 : vector<16xf32> to vector<1x16xf32>
        tpu.vector_store %arg15[%swap3A, %swap3A_273], %swap3A_276 {strides = array<i32>} : memref<128x32xf32, #tpu.memory_space<vmem>>, vector<1x16xf32>,
        %get3A_277 = arith.index_cast %while3A_237 : i32 to index
        %get3A_278 = arith.constant 16 : index
        %get3A_279 = tpu.vector_load %arg15[%get3A_277, %get3A_278] {strides = array<i32>} : memref<128x32xf32, #tpu.memory_space<vmem>>, vector<1x16xf32>,
        %get3A_280 = vector.shape_cast %get3A_279 : vector<1x16xf32> to vector<16xf32>
        %add3A_281 = arith.addf %get3A_280, %while3A_267#1 : vector<16xf32>
        %swap3A_282 = arith.index_cast %while3A_237 : i32 to index
        %swap3A_283 = arith.constant 16 : index
        %swap3A_284 = tpu.vector_load %arg15[%swap3A_282, %swap3A_283] {strides = array<i32>} : memref<128x32xf32, #tpu.memory_space<vmem>>, vector<1x16xf32>,
        %swap3A_285 = vector.shape_cast %swap3A_284 : vector<1x16xf32> to vector<16xf32>
        %swap3A_286 = vector.shape_cast %add3A_281 : vector<16xf32> to vector<1x16xf32>
        tpu.vector_store %arg15[%swap3A_282, %swap3A_283], %swap3A_286 {strides = array<i32>} : memref<128x32xf32, #tpu.memory_space<vmem>>, vector<1x16xf32>,
        %while3A_287 = arith.constant 0 : i32
        scf.yield %while3A_287 : i32
      }
      %add3A_234 = arith.constant 4 : i32
      %add3A_235 = arith.addi %while3A_179, %add3A_234 : i32
      %lt3A = arith.cmpi slt, %add3A_235, %sub3A_154 : i32
      %convert_element_type3A = arith.extui %lt3A : i1 to i32
      %cond3A = arith.constant 0 : i32
      %cond3A_236 = arith.cmpi ne, %convert_element_type3A, %cond3A : i32
      scf.if %cond3A_236 {
        %add3A_237 = arith.constant 4 : i32
        %add3A_238 = arith.addi %add3A_180, %add3A_237 : i32
        %mul3A_239 = arith.constant 128 : i32
        %mul3A_240 = arith.muli %add3A_238, %mul3A_239 : i32
        %multiple_of3A = tpu.assume_multiple %mul3A_240, 128 : i32
        "tpu.region"() ({
          %run_scoped3A = tpu.sem_alloc : memref<!tpu.dma_semaphore, #tpu.memory_space<semaphore_mem>>
          %dma_start3A_252 = arith.constant 0 : i32
          %dma_start3A_253 = tpu.memref_slice %arg11[%rem3A_182, %dma_start3A_252] : memref<4x128xi32, #tpu.memory_space<vmem>> -> memref<1x128xi32, #tpu.memory_space<vmem>>
          %dma_start3A_254 = tpu.memref_squeeze %dma_start3A_253 : memref<1x128xi32, #tpu.memory_space<vmem>> -> memref<128xi32, #tpu.memory_space<vmem>>
          %dma_start3A_255 = tpu.memref_slice %arg4[%multiple_of3A] : memref<204800xi32, #tpu.memory_space<hbm>> -> memref<128xi32, #tpu.memory_space<hbm>>
          %dma_start3A_256 = arith.constant 0 : i32
          %dma_start3A_257 = tpu.memref_slice %arg11[%rem3A_182, %dma_start3A_256] : memref<4x128xi32, #tpu.memory_space<vmem>> -> memref<1x128xi32, #tpu.memory_space<vmem>>
          %dma_start3A_258 = tpu.memref_squeeze %dma_start3A_257 : memref<1x128xi32, #tpu.memory_space<vmem>> -> memref<128xi32, #tpu.memory_space<vmem>>
          %dma_start3A_259 = tpu.memref_slice %arg4[%multiple_of3A] : memref<204800xi32, #tpu.memory_space<hbm>> -> memref<128xi32, #tpu.memory_space<hbm>>
          tpu.enqueue_dma source(%dma_start3A_259 : memref<128xi32, #tpu.memory_space<hbm>>) target(%dma_start3A_258 : memref<128xi32, #tpu.memory_space<vmem>>) target_semaphore(%run_scoped3A : memref<!tpu.dma_semaphore, #tpu.memory_space<semaphore_mem>>)
          %dma_wait3A_260 = arith.constant 0 : i32
          %dma_wait3A_261 = tpu.memref_slice %arg11[%rem3A_182, %dma_wait3A_260] : memref<4x128xi32, #tpu.memory_space<vmem>> -> memref<1x128xi32, #tpu.memory_space<vmem>>
          %dma_wait3A_262 = tpu.memref_squeeze %dma_wait3A_261 : memref<1x128xi32, #tpu.memory_space<vmem>> -> memref<128xi32, #tpu.memory_space<vmem>>
          %dma_wait3A_263 = tpu.memref_slice %arg4[%multiple_of3A] : memref<204800xi32, #tpu.memory_space<hbm>> -> memref<128xi32, #tpu.memory_space<hbm>>
          %dma_wait3A_264 = arith.constant 0 : i32
          %dma_wait3A_265 = tpu.memref_slice %arg11[%rem3A_182, %dma_wait3A_264] : memref<4x128xi32, #tpu.memory_space<vmem>> -> memref<1x128xi32, #tpu.memory_space<vmem>>
          %dma_wait3A_266 = tpu.memref_squeeze %dma_wait3A_265 : memref<1x128xi32, #tpu.memory_space<vmem>> -> memref<128xi32, #tpu.memory_space<vmem>>
          %dma_wait3A_267 = tpu.memref_slice %arg4[%multiple_of3A] : memref<204800xi32, #tpu.memory_space<hbm>> -> memref<128xi32, #tpu.memory_space<hbm>>
          tpu.wait_dma2 semaphore(%run_scoped3A : memref<!tpu.dma_semaphore, #tpu.memory_space<semaphore_mem>>) src(%dma_wait3A_267 : memref<128xi32, #tpu.memory_space<hbm>>) dst(%dma_wait3A_266 : memref<128xi32, #tpu.memory_space<vmem>>)
          tpu.yield
        }) : () -> ()
        %dma_start3A = arith.constant 0 : i32
        %dma_start3A_241 = arith.constant 0 : i32
        %dma_start3A_242 = tpu.memref_slice %arg13[%rem3A_182, %dma_start3A, %dma_start3A_241] : memref<4x128x32xf32, #tpu.memory_space<vmem>> -> memref<1x128x32xf32, #tpu.memory_space<vmem>>
        %dma_start3A_243 = tpu.memref_squeeze %dma_start3A_242 : memref<1x128x32xf32, #tpu.memory_space<vmem>> -> memref<128x32xf32, #tpu.memory_space<vmem>>
        %dma_start3A_244 = arith.constant 0 : i32
        %dma_start3A_245 = tpu.memref_slice %arg11[%rem3A_182, %dma_start3A_244] : memref<4x128xi32, #tpu.memory_space<vmem>> -> memref<1x128xi32, #tpu.memory_space<vmem>>
        %dma_start3A_246 = tpu.memref_squeeze %dma_start3A_245 : memref<1x128xi32, #tpu.memory_space<vmem>> -> memref<128xi32, #tpu.memory_space<vmem>>
        %dma_start3A_247 = arith.constant 0 : i32
        %dma_start3A_248 = arith.constant 0 : i32
        %dma_start3A_249 = tpu.memref_slice %arg7[%dma_start3A_247, %dma_start3A_248] : memref<100000x32xf32, #tpu.memory_space<hbm>> -> memref<100000x32xf32, #tpu.memory_space<hbm>>
        %dma_start3A_250 = tpu.memref_slice %arg16[%rem3A_182] : memref<4x!tpu.dma_semaphore, #tpu.memory_space<semaphore_mem>> -> memref<1x!tpu.dma_semaphore, #tpu.memory_space<semaphore_mem>>
        %dma_start3A_251 = tpu.memref_squeeze %dma_start3A_250 : memref<1x!tpu.dma_semaphore, #tpu.memory_space<semaphore_mem>> -> memref<!tpu.dma_semaphore, #tpu.memory_space<semaphore_mem>>
        tpu.enqueue_indirect_dma source(%dma_start3A_249 : memref<100000x32xf32, #tpu.memory_space<hbm>>) target(%dma_start3A_243 : memref<128x32xf32, #tpu.memory_space<vmem>>) offsets(%dma_start3A_246 : memref<128xi32, #tpu.memory_space<vmem>>) semaphore(%dma_start3A_251 : memref<!tpu.dma_semaphore, #tpu.memory_space<semaphore_mem>>)
      } else {
      }
    }
    "tpu.region"() ({
      %run_scoped3A = tpu.sem_alloc : memref<!tpu.dma_semaphore, #tpu.memory_space<semaphore_mem>>
      %dma_start3A = arith.constant 0 : i32
      %dma_start3A_179 = tpu.memref_slice %arg9[%mul3A_84, %dma_start3A] : memref<4096x32xf32, #tpu.memory_space<hbm>> -> memref<128x32xf32, #tpu.memory_space<hbm>>
      %dma_start3A_180 = arith.constant 0 : i32
      %dma_start3A_181 = tpu.memref_slice %arg9[%mul3A_84, %dma_start3A_180] : memref<4096x32xf32, #tpu.memory_space<hbm>> -> memref<128x32xf32, #tpu.memory_space<hbm>>
      tpu.enqueue_dma source(%arg15 : memref<128x32xf32, #tpu.memory_space<vmem>>) target(%dma_start3A_181 : memref<128x32xf32, #tpu.memory_space<hbm>>) target_semaphore(%run_scoped3A : memref<!tpu.dma_semaphore, #tpu.memory_space<semaphore_mem>>)
      %dma_wait3A = arith.constant 0 : i32
      %dma_wait3A_182 = tpu.memref_slice %arg9[%mul3A_84, %dma_wait3A] : memref<4096x32xf32, #tpu.memory_space<hbm>> -> memref<128x32xf32, #tpu.memory_space<hbm>>
      %dma_wait3A_183 = arith.constant 0 : i32
      %dma_wait3A_184 = tpu.memref_slice %arg9[%mul3A_84, %dma_wait3A_183] : memref<4096x32xf32, #tpu.memory_space<hbm>> -> memref<128x32xf32, #tpu.memory_space<hbm>>
      tpu.wait_dma2 semaphore(%run_scoped3A : memref<!tpu.dma_semaphore, #tpu.memory_space<semaphore_mem>>) src(%arg15 : memref<128x32xf32, #tpu.memory_space<vmem>>) dst(%dma_wait3A_184 : memref<128x32xf32, #tpu.memory_space<hbm>>)
      tpu.yield
    }) : () -> ()
    return
  }
}

</mosaic_0001>

<sc_bundles>
// kernel: kernel.3.cloned.1.call-start
scs
__scs_entry_jumppad:
0x0: {  	(pc) =	sbr.rel $0x88, $3  }
0x1: {  	(tag) =	ssettag $0x0;
	lr =	simm.s32 $0x1  }
0x2: {  	[smem:$0x3F9B] =	sst lr;
	_ =	strace $0xD0000000  }
0x3: {  	_ = 	snop  }
0x4: {  	_ = 	snop  }
0x5: {  	_ = 	snop  }
0x6: {  	_ = 	snop  }
0x7: {  	_ = 	snop  }
__scs_overlays_trampoline_lowered:
0x8: {  	[smem:$0x3FAA] =	sst s0  }
0x9: {  	[smem:$0x3FAB] =	sst s1  }
0xa: {  	[smem:$0x3FAC] =	sst s2  }
0xb: {  	[smem:$0x3FAD] =	sst s3  }
0xc: {  	[smem:$0x3FAE] =	sst s4  }
0xd: {  	[smem:$0x3FAF] =	sst s5  }
0xe: {  	[smem:$0x3FB0] =	sst s6  }
0xf: {  	[smem:$0x3FB1] =	sst s7  }
0x10: {  	[smem:$0x3FB2] =	sst s8  }
0x11: {  	[smem:$0x3FB3] =	sst s9;
	s0 =	simm.s32 @!p0 $0x0  }
0x12: {  	s1 =	sld [smem:$0x3F99];
	s0 =	simm.s32 @p0 $0x1  }
0x13: {  	[smem:$0x3FB4] =	sst s0;
	s0 =	simm.s32 @!p1 $0x0  }
0x14: {  	s2 =	sld [smem:$0x3F98];
	s0 =	simm.s32 @p1 $0x1  }
0x15: {  	[smem:$0x3FB5] =	sst s0;
	s0 =	simm.s32 @!p2 $0x0  }
0x16: {  	s3 =	sld [smem:$0x3FDB];
	s0 =	simm.s32 @p2 $0x1  }
0x17: {  	s4 =	simm.s32 $0x1BF5;
	[smem:$0x3FB7] =	sst s0  }
0x18: {  	s0 =	sld [smem:$0x3F9A];
	_ =	swait.ge [sflag:s4], $0x0  }
0x19: {  	s7 =	sld [smem:$0x3F9B]  }
0x1a: {  	s8 =	sadd.s32 $0xFFFFE003, lr  }
0x1b: {  	s9 =	sadd.s32 $0xFFFFFEF7, lr;
	s5 =	simm.s32 $0xFFFFFFFF;
	p2 =	slt.u32 s8, $0xFFFFF086  }
0x1c: {  	p1 =	slt.u32 s9, $0xF7A;
	s5 =	simm.s32 @!p2 $0x0  }
0x1d: {  	s5 =	simm.s32 @p1 $0x1;
	p0 =	seq.s32 s7, s2  }
0x1e: {  	s7 =	smul.u32 @!p0 $0xF7A, s2;
	p2 =	seq.s32 @!p0 s5, $0x0  }
0x1f: {  	s9 =	smul.u32 $0xF7A, s1;
	s8 =	simm.s32 @!p0 $0x1BF5;
	p2 =	por !p2, p0  }
0x20: {  	[sflag:s8] =	ssyncset.s32 @!p0 $0xFFFFF086;
	s6 =	sadd.s32 @!p0 s3, s7;
	s7 =	simm.s32 @!p0 $0x108  }
0x21: {  	s3 =	sadd.s32 s3, s9;
	s6 =	sadd.s32 @!p0 $0x88, s6;
	s7 =	simm.s32 @p2 $0x1082  }
0x22: {  	[simem:s7], [sflag:s8] =	dma.local @!p0 [hbm:s6], $0xF7A  }
0x23: {  	s9 =	sor.u32 $0xD0000000, s2;
	s6 =	simm.s32 $0x108;
	_ =	swait.ge @!p0 [sflag:s8], $0x0  }
0x24: {  	s3 =	sadd.s32 $0x88, s3;
	s6 =	simm.s32 @!p1 $0x1082;
	[sflag:s4] =	ssyncset.s32 $0xFFFFF086  }
0x25: {  	[simem:s6], [sflag:s4] =	dma.local [hbm:s3], $0xF7A  }
0x26: {  	[smem:$0x3F9B] =	sst s1;
	(tag) =	ssettag s2;
	_ =	strace s9  }
0x27: {  	s1 =	sld [smem:$0x3FAB]  }
0x28: {  	s2 =	sld [smem:$0x3FAC]  }
0x29: {  	s4 =	sld [smem:$0x3FAE]  }
0x2a: {  	p0 =	seq.s32 s5, $0x0;
	s5 =	sld [smem:$0x3FAF]  }
0x2b: {  	s6 =	sld [smem:$0x3FB0]  }
0x2c: {  	s7 =	sld [smem:$0x3FB1]  }
0x2d: {  	s3 =	simm.s32 $0x108;
	s8 =	sld [smem:$0x3FB2]  }
0x2e: {  	s3 =	simm.s32 @!p0 $0x1082;
	s9 =	sld [smem:$0x3FB3]  }
0x2f: {  	lr =	sadd.s32 s0, s3;
	s0 =	sld [smem:$0x3FAA]  }
0x30: {  	s3 =	sld [smem:$0x3FAD]  }
0x31: {  	[smem:$0x3FB6] =	sst s10  }
0x32: {  	s10 =	sld [smem:$0x3FB4];
	_ =	sdelay $0x3  }
0x33: {  	p0 =	seq.s32 s10, $0x1;
	s10 =	sld [smem:$0x3FB6];
	_ =	sdelay $0x3  }
0x34: {  	[smem:$0x3FB6] =	sst s10  }
0x35: {  	s10 =	sld [smem:$0x3FB5];
	_ =	sdelay $0x3  }
0x36: {  	p1 =	seq.s32 s10, $0x1;
	s10 =	sld [smem:$0x3FB6];
	_ =	sdelay $0x3  }
0x37: {  	[smem:$0x3FB6] =	sst s10  }
0x38: {  	s10 =	sld [smem:$0x3FB7]  }
0x39: {  	_ = 	snop;
	(pc) =	sbr.ind lr, $3  }
0x3a: {  	_ = 	snop  }
0x3b: {  	_ = 	snop  }
0x3c: {  	p2 =	seq.s32 s10, $0x1;
	s10 =	sld [smem:$0x3FB6]  }
0x3d: {  	_ =	shalt  }
0x3e: {  	_ =	shalt  }
0x3f: {  	_ =	shalt  }
0x40: {  	_ =	shalt  }
0x41: {  	_ =	shalt  }
0x42: {  	_ =	shalt  }
0x43: {  	_ =	shalt  }
0x44: {  	_ =	shalt  }
0x45: {  	_ =	shalt  }
0x46: {  	_ =	shalt  }
0x47: {  	_ =	shalt  }
0x48: {  	_ =	shalt  }
0x49: {  	_ =	shalt  }
0x4a: {  	_ =	shalt  }
0x4b: {  	_ =	shalt  }
0x4c: {  	_ =	shalt  }
0x4d: {  	_ =	shalt  }
0x4e: {  	_ =	shalt  }
0x4f: {  	_ =	shalt  }
0x50: {  	_ =	shalt  }
0x51: {  	_ =	shalt  }
0x52: {  	_ =	shalt  }
0x53: {  	_ =	shalt  }
0x54: {  	_ =	shalt  }
0x55: {  	_ =	shalt  }
0x56: {  	_ =	shalt  }
0x57: {  	_ =	shalt  }
0x58: {  	_ =	shalt  }
0x59: {  	_ =	shalt  }
0x5a: {  	_ =	shalt  }
0x5b: {  	_ =	shalt  }
0x5c: {  	_ =	shalt  }
0x5d: {  	_ =	shalt  }
0x5e: {  	_ =	shalt  }
0x5f: {  	_ =	shalt  }
0x60: {  	_ =	shalt  }
0x61: {  	_ =	shalt  }
0x62: {  	_ =	shalt  }
0x63: {  	_ =	shalt  }
0x64: {  	_ =	shalt  }
0x65: {  	_ =	shalt  }
0x66: {  	_ =	shalt  }
0x67: {  	_ =	shalt  }
0x68: {  	_ =	shalt  }
0x69: {  	_ =	shalt  }
0x6a: {  	_ =	shalt  }
0x6b: {  	_ =	shalt  }
0x6c: {  	_ =	shalt  }
0x6d: {  	_ =	shalt  }
0x6e: {  	_ =	shalt  }
0x6f: {  	_ =	shalt  }
0x70: {  	_ =	shalt  }
0x71: {  	_ =	shalt  }
0x72: {  	_ =	shalt  }
0x73: {  	_ =	shalt  }
0x74: {  	_ =	shalt  }
0x75: {  	_ =	shalt  }
0x76: {  	_ =	shalt  }
0x77: {  	_ =	shalt  }
0x78: {  	_ =	shalt  }
0x79: {  	_ =	shalt  }
0x7a: {  	_ =	shalt  }
0x7b: {  	_ =	shalt  }
0x7c: {  	_ =	shalt  }
0x7d: {  	_ =	shalt  }
0x7e: {  	_ =	shalt  }
0x7f: {  	_ =	shalt  }
0x80: {  	_ =	shalt  }
0x81: {  	_ =	shalt  }
0x82: {  	_ =	shalt  }
0x83: {  	_ =	shalt  }
0x84: {  	_ =	shalt  }
0x85: {  	_ =	shalt  }
0x86: {  	_ =	shalt  }
0x87: {  	_ =	shalt  }
.Lfunc_end0:
.L_simem_size_0:
called_computation_lowered:
.L_overlay_start_0:
0x88: {  	s2 =	sld [smem:$0x3FD9]  }
0x89: {  	s3 =	sld [smem:$0x3FFE];
	_ =	sdelay $0x1  }
0x8a: {  	s1 =	srdreg.scid  }
0x8b: {  	s0 =	sand.u32 $0x1, s1  }
0x8c: {  	s14 =	sshll.u32 s0, $0xA;
	s2 =	sadd.s32 s3, s2  }
0x8d: {  	s2 =	sadd.s32 s2, s14  }
0x8e: {  	[smem:$0x3FC2] =	sst s2  }
0x8f: {  	_ = 	snop  }
0x90: {  	s2 =	sld [smem:$0x3FD0];
	_ =	sdelay $0x1  }
0x91: {  	s15 =	sld [smem:$0x3FC9]  }
0x92: {  	s5 =	simm.s32 $0xA;
	s6 =	simm.s32 $0x10;
	s4 =	sld [smem:$0x3FC7]  }
0x93: {  	[smem:s6], [sflag:s5] =	dma.local [hbm:s2], $0x1  }
0x94: {  	_ =	swait.eq [sflag:s5], $0x1  }
0x95: {  	[sflag:s5] =	ssyncset.done $0x0  }
0x96: {  	s16 =	sld [smem:$0x10];
	[sflag:s5] =	ssyncadd.s32 $0xFFFFFFFF  }
0x97: {  	s17 =	sld [smem:$0x11];
	(tm) =	ssettm $0x1  }
0x98: {  	s18 =	sld [smem:$0x3FFB];
	_ =	sdelay $0x3  }
0x99: {  	_ =	strace s18  }
0x9a: {  	s6 =	sld [smem:$0x3FFC];
	_ =	sdelay $0x3  }
0x9b: {  	_ =	strace s6  }
0x9c: {  	s6 =	sld [smem:$0x3FFD];
	_ =	sdelay $0x3  }
0x9d: {  	_ =	strace s6  }
0x9e: {  	_ =	strace $0x8FFFFFFF  }
0x9f: {  	s19 =	sld [smem:$0x3FDB];
	_ =	sdelay $0x1  }
0xa0: {  	s7 =	simm.s32 $_scs_section_size  }
0xa1: {  	s8 =	simm.s32 $_size__tile_overlayer_lowered;
	s9 =	simm.s32 $_tile_overlayer_lowered  }
0xa2: {  	s22 =	simm.s32 $0x1BFF;
	s21 =	sshll.u32 s9, $0x1;
	s6 =	sadd.s32 s7, s19  }
0xa3: {  	s10 =	simm.s32 $0x0;
	s20 =	sshll.u32 s8, $0x1;
	s8 =	sadd.s32 s21, s6  }
0xa4: {  	[timem:s10], [sflag:s22] =	dma.local [hbm:s8], s20  }
0xa5: {  	_ =	swait.ge [sflag:s22], s20  }
0xa6: {  	s7 =	ssub.s32 $0x0, s20;
	[sflag:s22] =	ssyncset.done $0x0  }
0xa7: {  	[sflag:s22] =	ssyncadd.s32 s7;
	_ =	sdelay $0x1  }
0xa8: {  	s23 =	simm.s32 $0x1B8B  }
0xa9: {  	_ =	swait.ge [sflag:s23], $0x1  }
0xaa: {  	[sflag:s23] =	ssyncset.done $0x0  }
0xab: {  	s25 =	simm.s32 $0x1B8E;
	s24 =	sld [smem:$0x3FFE];
	[sflag:s23] =	ssyncadd.s32 $0xFFFFFFFF  }
0xac: {  	s26 =	simm.s32 $execute0_lowered;
	[smem:$0x3FD2] =	sst s25  }
0xad: {  	s8 =	sshll.u32 s26, $0x1;
	_ =	strace $0x80000046;
	[dreg:$0x1] =	wrdreg $0xFFFFFFFF  }
0xae: {  	s28 =	simm.s32 $_size_execute0_lowered;
	s6 =	sadd.s32 s6, s8;
	[dreg:$0x0] =	wrdreg $0x0  }
0xaf: {  	s8 =	sshll.u32 s28, $0x1;
	[dreg:$0x2] =	wrdreg s6  }
0xb0: {  	[dreg:$0x3] =	wrdreg s8  }
0xb1: {  	[dreg:$0x4] =	wrdreg $0xC0  }
0xb2: {  	_ =	task [dreg:s10], $0x5FFFF  }
0xb3: {  	[dreg:$0x1] =	wrdreg $0xFFFFFFFF  }
0xb4: {  	[dreg:$0x0] =	wrdreg $0x60  }
0xb5: {  	[dreg:$0x2] =	wrdreg s15  }
0xb6: {  	[dreg:$0x3] =	wrdreg s24  }
0xb7: {  	[dreg:$0x4] =	wrdreg s4  }
0xb8: {  	[dreg:$0x5] =	wrdreg s16  }
0xb9: {  	[dreg:$0x6] =	wrdreg s17  }
0xba: {  	[dreg:$0x7] =	wrdreg $0x9  }
0xbb: {  	_ =	task.clear_ibuf [dreg:s10], $0x8FFFF;
	_ =	strace $0x90000046  }
0xbc: {  	s29 =	simm.s32 $0x9;
	_ =	strace $0x80000048  }
0xbd: {  	_ =	swait.ge [sflag:s29], $0x1  }
0xbe: {  	[sflag:s29] =	ssyncadd.s32 $0xFFFFFFFF  }
0xbf: {  	_ =	strace $0x90000048  }
0xc0: {  	_ =	sfence  }
0xc1: {  	s30 =	sld [smem:$0x0];
	_ =	sdelay $0x2  }
0xc2: {  	s31 =	sshll.u32 s1, $0xD;
	s1 =	sshrl.u32 s1, $0x2  }
0xc3: {  	s3 =	sand.u32 $0x4000, s31;
	s1 =	sadd.s32 s1, s30  }
0xc4: {  	s0 =	sor.u32 s3, s0;
	s1 =	sshll.u32 s1, $0x11  }
0xc5: {  	s0 =	sor.u32 s1, s0  }
0xc6: {  	s0 =	sadd.s32 $0x8F2B, s0  }
0xc7: {  	[sflag:s0] =	ssyncadd.remote.s32 $0x1  }
0xc8: {  	_ =	sfence.sel $0xFFFF  }
0xc9: {  	[dreg:$0x0] =	wrdreg $0xFFFFFFFF;
	(pc) =	sbr.abs _section_cstart, $3  }
0xca: {  	[dreg:$0x1] =	wrdreg $0xFFFFFFFF  }
0xcb: {  	_ =	task.clear_ibuf [dreg:s10], $0x2FFFF;
	_ =	strace $0x9FFFFFFF  }
0xcc: {  	(tm) =	ssettm $0x7FFFFFFF  }
0xcd: {  	_ =	shalt  }
tec
execute0_lowered:
.L_overlay_start_1:
0x0: {  	(tag) =	ssettag $0x1  }
0x1: {  	s0 =	rddreg [dreg:$0x0]  }
0x2: {  	s1 =	rddreg [dreg:$0x1]  }
0x3: {  	s2 =	rddreg [dreg:$0x2]  }
0x4: {  	s3 =	srdreg.scid;
	s7 =	rddreg [dreg:$0x3]  }
0x5: {  	s4 =	stileid.u32;
	s8 =	rddreg [dreg:$0x4];
	s3 =	sand.u32 $0x1, s3  }
0x6: {  	s5 =	sshll.u32 s4, $0x8;
	s4 =	simm.s32 $0x0;
	s6 =	sshll.u32 s3, $0x7  }
0x7: {  	[smem:$0x7FF] =	sst s4;
	s3 =	ssub.s32 $0x2, s3;
	s9 =	sor.u32 s6, s5  }
0x8: {  	_ =	strace $0x80000047;
	s11 =	sshrl.u32 s3, $0x1;
	s6 =	sadd.s32 $0x187800, s1  }
0x9: {  	s5 =	sshrl.u32 s9, $0x3;
	s26 =	ssub.s32 s3, s11;
	s29 =	sshll.u32 s9, $0x3  }
0xa: {  	s9 =	sshll.u32 s9, $0x2;
	s10 =	sadd.s32 s5, s1;
	s3 =	sadd.s32 s7, s29  }
.Ltmp0:
0xb: {  	s31 =	sadd.s32 s8, s9;
	[dreg:$0x7] =	wrdreg s3;
	(pc) =	sbr.rel .LBB2_1-.Ltmp0, $4  }
0xc: {  	s5 =	sadd.s32 $0xF43200, s1;
	s1 =	smax.u32 s26, $0x1;
	[dreg:$0x9] =	wrdreg s31  }
0xd: {  	s28 =	sadd.s32 $0xE00, s10;
	[dreg:$0xa] =	wrdreg s1  }
0xe: {  	s12 =	simm.s32 $0x5;
	s30 =	sadd.s32 $0x1200, s10;
	[dreg:$0x6] =	wrdreg s28  }
0xf: {  	s13 =	simm.s32 $0x80;
	v0 =	vimm.f32 $0.0e+00;
	s16 =	simm.s32 $0x0;
	[dreg:$0x8] =	wrdreg s30  }
.LBB2_45:
0x10: {  	s1 =	rddreg [dreg:$0x9];
	s3 =	simm.s32 $0xE298  }
0x11: {  	[hbm4b:s1+s4] =	stream.linear.scatter [tilespmem:s3], [sflag:$0x5], $0x1000, $0x38;
	[tilespmem:$0xF298] =	vst v63  }
0x12: {  	_ =	swait.ge [sflag:s12], $0x1000  }
0x13: {  	s16 =	sadd.s32 $0x1, s16;
	s31 =	rddreg [dreg:$0xa]  }
0x14: {  	p0 =	sne.s32 s16, s31  }
.Ltmp1:
0x15: {  	_ = 	snop;
	(pc) =	sbr.rel @!p0 .LBB2_46-.Ltmp1, $3  }
0x16: {  	_ =	sdelay $0x1  }
0x17: {  	[sflag:s12] =	ssyncset.done $0x0  }
0x18: {  	[sflag:s12] =	ssyncadd.s32 $0xFFFFF000  }
.LBB2_1:
0x19: {  	s1 =	rddreg [dreg:$0x6]  }
0x1a: {  	[tilespmem:s4], [sflag:$0x5] =	stream.linear.gather [hbm4b:s1+s4], $0x98, $0x38;
	[tilespmem:$0xF298] =	vst v63  }
0x1b: {  	_ =	swait.ge [sflag:s12], $0x98  }
0x1c: {  	[sflag:s12] =	ssyncset.done $0x0  }
0x1d: {  	s3 =	simm.s32 $0x100;
	s1 =	simm.s32 $0x0;
	[sflag:s12] =	ssyncadd.s32 $0xFFFFFF68  }
.LBB2_2:
0x1e: {  	p0 =	sne.s32 s3, $0x7F00;
	[tilespmem:s1+$0xC2C8] =	vst v0;
	s7 =	smov.u32 s3;
	s3 =	sadd.s32 $0x100, s3  }
.Ltmp2:
0x1f: {  	[tilespmem:s1+$0xC2B8] =	vst v0;
	(pc) =	sbr.rel @p0 .LBB2_2-.Ltmp2, $3  }
0x20: {  	[tilespmem:s1+$0xC298] =	vst v0  }
0x21: {  	[tilespmem:s1+$0xC2A8] =	vst v0;
	_ =	sdelay $0x1  }
0x22: {  	s1 =	sshra.s32 s7, $0x2  }
0x23: {  	[tilespmem:s1+$0xC2C8] =	vst v0  }
0x24: {  	[tilespmem:s1+$0xC2B8] =	vst v0  }
0x25: {  	[tilespmem:s1+$0xC298] =	vst v0  }
0x26: {  	[tilespmem:s1+$0xC2A8] =	vst v0  }
0x27: {  	v1 =	vld [tilespmem:$0x0]  }
0x28: {  	v2 =	vld [tilespmem:$0x80];
	_ =	sdelay $0x3  }
0x29: {  	(v2sf) =	vpush v1, $0x0  }
0x2a: {  	(v2sf) =	vpush v2, $0x0;
	_ =	sdelay $0xd  }
0x2b: {  	s17 =	spop (v2sf)  }
0x2c: {  	s9 =	simm.s32 $0x1;
	s3 =	spop (v2sf);
	s28 =	sshra.s32 s17, $0x1F  }
0x2d: {  	s7 =	sand.u32 $0x7F, s17;
	p0 =	slt.s32 s17, $0x1;
	s1 =	sshrl.u32 s28, $0x19  }
0x2e: {  	p1 =	sne.s32 s7, $0x0;
	s29 =	sadd.s32 $0x7F, s3;
	s7 =	simm.s32 $0x1  }
0x2f: {  	s1 =	sadd.s32 s1, s17;
	p0 =	por !p0, !p1;
	s8 =	sand.u32 $0x7F, s29  }
0x30: {  	s30 =	sshra.s32 s29, $0x1F;
	p6 =	slt.s32 s29, $0x1;
	s1 =	sshra.s32 s1, $0x7  }
0x31: {  	p0 =	por !p0, !p0;
	p5 =	sne.s32 s8, $0x0;
	s8 =	sshrl.u32 s30, $0x19  }
0x32: {  	s9 =	simm.s32 @!p0 $0x0;
	s31 =	sadd.s32 s8, s29;
	p0 =	por !p6, !p5  }
0x33: {  	s19 =	ssub.s32 s1, s9;
	s1 =	sshra.s32 s31, $0x7;
	p0 =	por !p0, !p0  }
0x34: {  	s1 =	ssub.s32 s1, s19;
	s7 =	simm.s32 @!p0 $0x0  }
0x35: {  	s20 =	ssub.s32 s1, s7  }
0x36: {  	p0 =	slt.s32 s20, $0x1  }
.Ltmp3:
0x37: {  	_ = 	snop;
	(pc) =	sbr.rel @p0 .LBB2_23-.Ltmp3, $1  }
0x38: {  	_ =	sdelay $0x3  }
0x39: {  	s1 =	smin.u32 s20, $0x4  }
0x3a: {  	s8 =	ssub.s32 $0x0, s1  }
0x3b: {  	s15 =	sadd.s32 $0x1, s8  }
0x3c: {  	p1 =	seq.s32 s15, $0x0  }
.Ltmp4:
0x3d: {  	_ = 	snop;
	(pc) =	sbr.rel @p1 .LBB2_5-.Ltmp4, $4  }
0x3e: {  	_ = 	snop  }
0x3f: {  	s9 =	sshll.u32 s19, $0x4  }
0x40: {  	s14 =	simm.s32 $0x1;
	s7 =	simm.s32 $0x298;
	p0 =	por $0x0, $0x0  }
0x41: {  	s1 =	simm.s32 $0x98;
	s8 =	sand.u32 $0x1FFFFFF0, s9;
	s9 =	sadd.s32 $0x10, s9  }
0x42: {  	s21 =	sadd.s32 $0x1, s15  }
0x43: {  	p1 =	seq.s32 s21, $0x0  }
.Ltmp5:
0x44: {  	s8 =	sadd.s32 s0, s8;
	(pc) =	sbr.rel @p1 .LBB2_7-.Ltmp5, $4  }
0x45: {  	[tilespmem:s1], [sflag:$0x5] =	stream.linear.gather [hbm4b:s8+s4], $0x80, $0x38;
	[tilespmem:$0xF298] =	vst v63  }
0x46: {  	s15 =	simm.s32 $0x118;
	s18 =	simm.s32 $0x2298;
	_ =	swait.ge [sflag:s12], $0x80  }
0x47: {  	s23 =	sadd.s32 $0x10, s9;
	s22 =	simm.s32 $0x2;
	[sflag:s12] =	ssyncset.done $0x0  }
0x48: {  	p0 =	por $0x1, $0x1;
	s8 =	sand.u32 $0x1FFFFFF0, s9;
	[sflag:s12] =	ssyncadd.s32 $0xFFFFFF80  }
.LBB2_8:
0x49: {  	[tilespmem:s7], [sflag:s14] =	stream.indirect.gather [hbm4b:s5+s13], $0x40, s1, s13, $0xb8;
	[tilespmem:$0xF298] =	vst v63  }
0x4a: {  	s1 =	smov.u32 s15;
	s21 =	sadd.s32 $0x1, s21  }
0x4b: {  	s7 =	smov.u32 s18;
	s14 =	smov.u32 s22;
	p1 =	seq.s32 s21, $0x0  }
.Ltmp6:
0x4c: {  	s9 =	sadd.s32 s0, s8;
	s8 =	sand.u32 $0x1FFFFFF0, s23;
	(pc) =	sbr.rel @!p1 .LBB2_8-.Ltmp6, $4  }
0x4d: {  	[tilespmem:s15], [sflag:$0x5] =	stream.linear.gather [hbm4b:s9+s4], $0x80, $0x38;
	[tilespmem:$0xF298] =	vst v63  }
0x4e: {  	s15 =	sadd.s32 $0x80, s15;
	_ =	swait.ge [sflag:s12], $0x80  }
0x4f: {  	s18 =	sadd.s32 $0x2000, s18;
	[sflag:s12] =	ssyncset.done $0x0  }
0x50: {  	s23 =	sadd.s32 $0x10, s23;
	s22 =	sadd.s32 $0x1, s22;
	[sflag:s12] =	ssyncadd.s32 $0xFFFFFF80  }
0x51: {  	s9 =	smov.u32 s7;
	s21 =	smov.u32 s14;
	s23 =	smov.u32 s1  }
0x52: {  	s1 =	smov.u32 s15;
	s7 =	smov.u32 s18;
	s14 =	smov.u32 s22  }
.LBB2_10:
0x53: {  	[tilespmem:s9], [sflag:s21] =	stream.indirect.gather @p0 [hbm4b:s5+s13], $0x40, s23, s13, $0xb8;
	[tilespmem:$0xF298] =	vst v63  }
0x54: {  	s8 =	sadd.s32 s0, s8  }
0x55: {  	[tilespmem:s1], [sflag:$0x5] =	stream.linear.gather [hbm4b:s8+s4], $0x80, $0x38;
	[tilespmem:$0xF298] =	vst v63  }
.Ltmp7:
0x56: {  	_ = 	snop;
	(pc) =	sbr.rel .LBB2_11-.Ltmp7, $4  }
0x57: {  	s21 =	sadd.s32 $0xFFFFFFFC, s20;
	_ =	swait.ge [sflag:s12], $0x80  }
0x58: {  	s22 =	sshll.u32 s19, $0x7;
	s24 =	simm.s32 $0x0;
	[sflag:s12] =	ssyncset.done $0x0  }
0x59: {  	s25 =	simm.s32 $0x0;
	s23 =	ssub.s32 $0x0, s22;
	[sflag:s12] =	ssyncadd.s32 $0xFFFFFF80  }
0x5a: {  	[tilespmem:s7], [sflag:s14] =	stream.indirect.gather [hbm4b:s5+s13], $0x40, s1, s13, $0xb8;
	[tilespmem:$0xF298] =	vst v63  }
.LBB2_22:
0x5b: {  	p0 =	sge.s32 s25, s21  }
0x5c: {  	s1 =	sadd.s32 @!p0 $0x200, s29  }
0x5d: {  	s7 =	sshll.u32 @!p0 s28, $0x7;
	s1 =	sshrl.u32 @!p0 s1, $0x3  }
0x5e: {  	s8 =	simm.s32 @!p0 $0x0;
	s7 =	sadd.s32 @!p0 $0x98, s7;
	s1 =	sadd.s32 @!p0 s0, s1  }
0x5f: {  	[tilespmem:s7], [sflag:$0x5] =	stream.linear.gather @!p0 [hbm4b:s1+s8], $0x80, $0x38;
	[tilespmem:$0xF298] =	vst v63  }
0x60: {  	s1 =	simm.s32 @!p0 $0x5  }
0x61: {  	_ =	swait.ge @!p0 [sflag:s1], $0x80  }
0x62: {  	s31 =	sshll.u32 s28, $0xD;
	s25 =	sadd.s32 $0x1, s25;
	[sflag:s1] =	ssyncset.done @!p0 $0x0  }
0x63: {  	s8 =	sor.u32 $0x298, s31;
	[sflag:s1] =	ssyncadd.s32 @!p0 $0xFFFFFF80;
	s1 =	simm.s32 @!p0 $0x80  }
0x64: {  	[tilespmem:s8], [sflag:s26] =	stream.indirect.gather @!p0 [hbm4b:s5+s1], $0x40, s7, s1, $0xb8;
	[tilespmem:$0xF298] =	vst v63  }
0x65: {  	p0 =	sne.s32 s25, s20  }
.Ltmp8:
0x66: {  	_ = 	snop;
	(pc) =	sbr.rel @!p0 .LBB2_23-.Ltmp8, $2  }
0x67: {  	_ =	sdelay $0x2  }
0x68: {  	s24 =	sadd.s32 $0x1, s24;
	s23 =	sadd.s32 $0xFFFFFF80, s23;
	s22 =	sadd.s32 $0x80, s22  }
.LBB2_11:
0x69: {  	s28 =	sand.u32 $0x3, s25  }
0x6a: {  	s1 =	sadd.s32 s19, s25;
	s7 =	sand.u32 $0x3, s24;
	s30 =	smov.u32 s17  }
0x6b: {  	s8 =	simm.s32 $0x81;
	s14 =	simm.s32 $0x0;
	s26 =	sadd.s32 $0x1, s28  }
0x6c: {  	s29 =	sshll.u32 s1, $0x7;
	s31 =	sshll.u32 s7, $0xF;
	_ =	swait.ge [sflag:s26], $0x2000  }
0x6d: {  	s1 =	simm.s32 $0x81;
	p0 =	sgt.s32 s29, s17;
	[sflag:s26] =	ssyncset.done $0x0  }
0x6e: {  	s7 =	simm.s32 $0x7;
	s30 =	smov.u32 @p0 s29;
	[sflag:s26] =	ssyncadd.s32 $0xFFFFE000  }
.LBB2_12:
0x6f: {  	p0 =	sne.s32 s7, $0x1;
	p1 =	slt.s32 s8, $0x1;
	s9 =	sand.u32 $0x1, s8  }
0x70: {  	s15 =	sshrl.u32 s8, $0x1F;
	p2 =	seq.s32 s9, $0x1  }
0x71: {  	s8 =	sadd.s32 s15, s8;
	p1 =	por !p1, !p2  }
0x72: {  	s9 =	simm.s32 $0x1;
	s8 =	sshra.s32 s8, $0x1;
	p1 =	por !p1, !p1  }
0x73: {  	s9 =	simm.s32 @!p1 $0x0  }
0x74: {  	s8 =	ssub.s32 s8, s9  }
0x75: {  	p1 =	slt.s32 s8, $0x80  }
0x76: {  	s8 =	simm.s32 @!p1 $0x80  }
0x77: {  	v1 =	vld [tilespmem:s8+$0x0];
	s9 =	sadd.s32 $0x1, s8;
	_ =	sdelay $0x4  }
0x78: {  	(v2sf) =	vpush v1, $0x0;
	_ =	sdelay $0xe  }
.Ltmp9:
0x79: {  	s15 =	spop (v2sf);
	(pc) =	sbr.rel @p0 .LBB2_12-.Ltmp9, $4  }
0x7a: {  	p1 =	sle.s32 s15, s30;
	s15 =	smov.u32 s14  }
0x7b: {  	p2 =	slt.s32 s14, s1;
	s15 =	smov.u32 @p1 s9;
	s8 =	smov.u32 @p1 s1  }
0x7c: {  	s14 =	smov.u32 @p2 s15;
	s1 =	smov.u32 @p2 s8  }
0x7d: {  	s7 =	sadd.s32 $0xFFFFFFFF, s7;
	s8 =	sadd.s32 s14, s1  }
0x7e: {  	s7 =	sand.u32 $0x1, s8  }
0x7f: {  	p0 =	slt.s32 s8, $0x1;
	p1 =	seq.s32 s7, $0x1  }
0x80: {  	s15 =	sshrl.u32 s8, $0x1F;
	p0 =	por !p0, !p1  }
0x81: {  	s7 =	sadd.s32 s15, s8;
	s8 =	simm.s32 $0x1;
	p0 =	por !p0, !p0  }
0x82: {  	s7 =	sshra.s32 s7, $0x1;
	s8 =	simm.s32 @!p0 $0x0  }
0x83: {  	s7 =	ssub.s32 s7, s8  }
0x84: {  	p0 =	slt.s32 s7, $0x80  }
0x85: {  	s7 =	simm.s32 @!p0 $0x80  }
0x86: {  	v1 =	vld [tilespmem:s7+$0x0];
	_ =	sdelay $0x4  }
0x87: {  	(v2sf) =	vpush v1, $0x0;
	_ =	sdelay $0xd  }
0x88: {  	s9 =	sadd.s32 $0x80, s29  }
0x89: {  	p1 =	slt.s32 s14, s1;
	s1 =	simm.s32 $0x0;
	s18 =	spop (v2sf)  }
0x8a: {  	s8 =	smov.u32 s14;
	s7 =	sadd.s32 $0x1, s7;
	p0 =	sle.s32 s18, s30  }
0x8b: {  	s18 =	smov.u32 s3;
	s8 =	smov.u32 @p0 s7;
	p0 =	slt.s32 s9, s3  }
0x8c: {  	s7 =	simm.s32 $0x81;
	s14 =	smov.u32 @p1 s8;
	s18 =	smov.u32 @p0 s9  }
0x8d: {  	s9 =	simm.s32 $0x81;
	s8 =	simm.s32 $0x7;
	s15 =	sadd.s32 $0xFFFFFFFF, s18  }
.LBB2_14:
0x8e: {  	p0 =	seq.s32 s8, $0x1;
	p1 =	slt.s32 s9, $0x1;
	s10 =	sand.u32 $0x1, s9  }
0x8f: {  	s11 =	sshrl.u32 s9, $0x1F;
	p2 =	seq.s32 s10, $0x1  }
0x90: {  	s9 =	sadd.s32 s11, s9;
	p1 =	por !p1, !p2  }
0x91: {  	s10 =	simm.s32 $0x1;
	s9 =	sshra.s32 s9, $0x1;
	p1 =	por !p1, !p1  }
0x92: {  	s10 =	simm.s32 @!p1 $0x0  }
0x93: {  	s9 =	ssub.s32 s9, s10  }
0x94: {  	p1 =	slt.s32 s9, $0x80  }
0x95: {  	s9 =	simm.s32 @!p1 $0x80  }
0x96: {  	v1 =	vld [tilespmem:s9+$0x0];
	s10 =	sadd.s32 $0x1, s9;
	_ =	sdelay $0x4  }
0x97: {  	(v2sf) =	vpush v1, $0x0;
	_ =	sdelay $0xe  }
.Ltmp10:
0x98: {  	s11 =	spop (v2sf);
	(pc) =	sbr.rel @!p0 .LBB2_14-.Ltmp10, $4  }
0x99: {  	p1 =	sle.s32 s11, s15;
	s11 =	smov.u32 s1  }
0x9a: {  	p2 =	slt.s32 s1, s7;
	s11 =	smov.u32 @p1 s10;
	s9 =	smov.u32 @p1 s7  }
0x9b: {  	s1 =	smov.u32 @p2 s11;
	s7 =	smov.u32 @p2 s9  }
0x9c: {  	s8 =	sadd.s32 $0xFFFFFFFF, s8;
	s9 =	sadd.s32 s1, s7  }
0x9d: {  	s8 =	sand.u32 $0x1, s9  }
0x9e: {  	p0 =	slt.s32 s9, $0x1;
	p1 =	seq.s32 s8, $0x1  }
0x9f: {  	s10 =	sshrl.u32 s9, $0x1F;
	p0 =	por !p0, !p1  }
0xa0: {  	s8 =	sadd.s32 s10, s9;
	s9 =	simm.s32 $0x1;
	p0 =	por !p0, !p0  }
0xa1: {  	s8 =	sshra.s32 s8, $0x1;
	s9 =	simm.s32 @!p0 $0x0  }
0xa2: {  	s8 =	ssub.s32 s8, s9  }
0xa3: {  	p0 =	slt.s32 s8, $0x80  }
0xa4: {  	s8 =	simm.s32 @!p0 $0x80  }
0xa5: {  	v1 =	vld [tilespmem:s8+$0x0];
	_ =	sdelay $0x4  }
0xa6: {  	(v2sf) =	vpush v1, $0x0;
	_ =	sdelay $0xe  }
0xa7: {  	s11 =	spop (v2sf)  }
0xa8: {  	s9 =	smov.u32 s1;
	s8 =	sadd.s32 $0x1, s8;
	p0 =	sle.s32 s11, s15  }
0xa9: {  	p1 =	slt.s32 s1, s7;
	s9 =	smov.u32 @p0 s8  }
0xaa: {  	s1 =	smov.u32 @p1 s9  }
0xab: {  	p0 =	sgt.s32 s14, s1  }
.Ltmp11:
0xac: {  	_ = 	snop;
	(pc) =	sbr.rel @p0 .LBB2_22-.Ltmp11, $1  }
0xad: {  	_ =	sdelay $0x3  }
.Ltmp12:
0xae: {  	(pc) =	sbr.rel .LBB2_17-.Ltmp12, $3  }
0xaf: {  	_ =	sdelay $0x1  }
0xb0: {  	s8 =	sshrl.u32 s31, $0x2  }
0xb1: {  	s7 =	sadd.s32 $0xFFFFFFFF, s14;
	s14 =	sadd.s32 $0x2B8, s8  }
.LBB2_20:
0xb2: {  	v3 =	vadd.f32 v3, v2  }
0xb3: {  	v4 =	vadd.f32 v4, v6;
	v2 =	vadd.f32 v5, v7  }
.LBB2_21:
0xb4: {  	s8 =	sshll.u32 s7, $0x8  }
0xb5: {  	s8 =	sshra.s32 s8, $0x2  }
0xb6: {  	v5 =	vld [tilespmem:s8+$0xC298]  }
0xb7: {  	v6 =	vld [tilespmem:s8+$0xC2A8]  }
0xb8: {  	v7 =	vld [tilespmem:s8+$0xC2B8]  }
0xb9: {  	v8 =	vld [tilespmem:s8+$0xC2C8]  }
0xba: {  	s7 =	sadd.s32 $0x1, s7  }
0xbb: {  	p0 =	sne.s32 s7, s1;
	v3 =	vadd.f32 v5, v3  }
.Ltmp13:
0xbc: {  	v4 =	vadd.f32 v6, v4;
	(pc) =	sbr.rel @!p0 .LBB2_22-.Ltmp13, $4  }
0xbd: {  	v1 =	vadd.f32 v7, v1;
	[tilespmem:s8+$0xC298] =	vst v3  }
0xbe: {  	v2 =	vadd.f32 v8, v2;
	[tilespmem:s8+$0xC2A8] =	vst v4  }
0xbf: {  	[tilespmem:s8+$0xC2B8] =	vst v1  }
0xc0: {  	[tilespmem:s8+$0xC2C8] =	vst v2  }
.LBB2_17:
0xc1: {  	v1 =	vld [tilespmem:s7+$0x0]  }
0xc2: {  	v2 =	vld [tilespmem:s7+$0x1];
	_ =	sdelay $0x3  }
0xc3: {  	(v2sf) =	vpush v1, $0x0  }
0xc4: {  	(v2sf) =	vpush v2, $0x0;
	_ =	sdelay $0xd  }
0xc5: {  	s9 =	spop (v2sf)  }
0xc6: {  	s10 =	smov.u32 s30;
	s8 =	spop (v2sf)  }
0xc7: {  	s11 =	smov.u32 s18;
	p0 =	sgt.s32 s9, s30;
	p1 =	slt.s32 s8, s18  }
0xc8: {  	s10 =	smov.u32 @p0 s9;
	s11 =	smov.u32 @p1 s8  }
0xc9: {  	s15 =	ssub.s32 s10, s29;
	s8 =	ssub.s32 s11, s29  }
0xca: {  	p0 =	sge.s32 s15, s8  }
.Ltmp14:
0xcb: {  	_ = 	snop;
	(pc) =	sbr.rel @p0 .LBB2_21-.Ltmp14, $3  }
0xcc: {  	_ =	sdelay $0x1  }
0xcd: {  	v3 =	vimm.f32 $0.0e+00  }
0xce: {  	v4 =	vimm.f32 $0.0e+00;
	v1 =	vimm.f32 $0.0e+00;
	v2 =	vimm.f32 $0.0e+00  }
0xcf: {  	p0 =	sgt.s32 s9, s17;
	s10 =	smov.u32 s17  }
0xd0: {  	s10 =	smov.u32 @p0 s9  }
0xd1: {  	s9 =	smov.u32 s22;
	p0 =	sgt.s32 s10, s22  }
0xd2: {  	s9 =	smov.u32 @p0 s10  }
0xd3: {  	s9 =	sadd.s32 s9, s23  }
0xd4: {  	s9 =	sshll.u32 s9, $0x8  }
0xd5: {  	s9 =	sshra.s32 s9, $0x2  }
0xd6: {  	s9 =	sadd.s32 s9, s14  }
0xd7: {  	s15 =	sadd.s32 $0x1, s15;
	v1 =	vld [tilespmem:s9+$0x0]  }
0xd8: {  	p0 =	slt.s32 s15, s8;
	v3 =	vld [tilespmem:s9+$0xFFFFFFE0]  }
.Ltmp15:
0xd9: {  	v4 =	vld [tilespmem:s9+$0xFFFFFFF0];
	(pc) =	sbr.rel @!p0 .LBB2_20-.Ltmp15, $3  }
0xda: {  	v5 =	vld [tilespmem:s9+$0x10];
	_ =	sdelay $0x1  }
0xdb: {  	v2 =	vimm.f32 $0.0e+00  }
0xdc: {  	v6 =	vimm.f32 $0.0e+00;
	v7 =	vimm.f32 $0.0e+00;
	s31 =	sadd.s32 $0x40, s9;
	v1 =	vadd.f32 v1, v2  }
.LBB2_19:
0xdd: {  	s15 =	sadd.s32 $0x1, s15  }
0xde: {  	v8 =	vld [tilespmem:s31+$0x0];
	v2 =	vadd.f32 v3, v2;
	p0 =	slt.s32 s15, s8  }
.Ltmp16:
0xdf: {  	v6 =	vadd.f32 v4, v6;
	v3 =	vld [tilespmem:s31+$0xFFFFFFE0];
	(pc) =	sbr.rel @p0 .LBB2_19-.Ltmp16, $3  }
0xe0: {  	v7 =	vadd.f32 v5, v7;
	v4 =	vld [tilespmem:s31+$0xFFFFFFF0]  }
0xe1: {  	v5 =	vld [tilespmem:s31+$0x10];
	_ =	sdelay $0x1  }
0xe2: {  	s31 =	sadd.s32 $0x40, s31;
	v1 =	vadd.f32 v8, v1  }
.Ltmp17:
0xe3: {  	_ = 	snop;
	(pc) =	sbr.rel .LBB2_20-.Ltmp17, $1  }
0xe4: {  	_ =	sdelay $0x3  }
.LBB2_23:
0xe5: {  	s1 =	simm.s32 $0x0;
	s3 =	rddreg [dreg:$0x7];
	s7 =	simm.s32 $0xC298  }
0xe6: {  	[hbm4b:s3+s1] =	stream.linear.scatter [tilespmem:s7], [sflag:$0x5], $0x2000, $0x38;
	[tilespmem:$0xF298] =	vst v63  }
0xe7: {  	_ =	swait.ge [sflag:s12], $0x2000  }
0xe8: {  	[sflag:s12] =	ssyncset.done $0x0  }
0xe9: {  	s31 =	rddreg [dreg:$0x8];
	[sflag:s12] =	ssyncadd.s32 $0xFFFFE000  }
0xea: {  	[tilespmem:s1], [sflag:$0x5] =	stream.linear.gather [hbm4b:s31+s1], $0x98, $0x38;
	[tilespmem:$0xF298] =	vst v63  }
0xeb: {  	_ =	swait.ge [sflag:s12], $0x98  }
0xec: {  	[sflag:s12] =	ssyncset.done $0x0  }
0xed: {  	s3 =	simm.s32 $0x0;
	s1 =	simm.s32 $0x80;
	[sflag:s12] =	ssyncadd.s32 $0xFFFFFF68  }
.LBB2_24:
0xee: {  	p0 =	sne.s32 s1, $0x3F80;
	[tilespmem:s3+$0xE298] =	vst v0;
	s7 =	smov.u32 s1;
	s1 =	sadd.s32 $0x80, s1  }
.Ltmp18:
0xef: {  	[tilespmem:s3+$0xE2A8] =	vst v0;
	(pc) =	sbr.rel @p0 .LBB2_24-.Ltmp18, $2  }
0xf0: {  	_ =	sdelay $0x2  }
0xf1: {  	s3 =	sshra.s32 s7, $0x2  }
0xf2: {  	[tilespmem:s3+$0xE298] =	vst v0  }
0xf3: {  	[tilespmem:s3+$0xE2A8] =	vst v0  }
0xf4: {  	v1 =	vld [tilespmem:$0x0]  }
0xf5: {  	v2 =	vld [tilespmem:$0x80];
	_ =	sdelay $0x3  }
0xf6: {  	(v2sf) =	vpush v1, $0x0  }
0xf7: {  	(v2sf) =	vpush v2, $0x0;
	_ =	sdelay $0xd  }
0xf8: {  	s17 =	spop (v2sf)  }
0xf9: {  	s8 =	simm.s32 $0x1;
	s3 =	simm.s32 $0x1;
	s18 =	spop (v2sf)  }
0xfa: {  	s1 =	sshra.s32 s17, $0x1F;
	s28 =	sand.u32 $0x7F, s17;
	p0 =	slt.s32 s17, $0x1  }
0xfb: {  	s1 =	sshrl.u32 s1, $0x19;
	p1 =	sne.s32 s28, $0x0;
	s29 =	sadd.s32 $0x7F, s18  }
0xfc: {  	s1 =	sadd.s32 s1, s17;
	p0 =	por !p0, !p1;
	s7 =	sand.u32 $0x7F, s29  }
0xfd: {  	s30 =	sshra.s32 s29, $0x1F;
	p6 =	slt.s32 s29, $0x1;
	s1 =	sshra.s32 s1, $0x7  }
0xfe: {  	p0 =	por !p0, !p0;
	p5 =	sne.s32 s7, $0x0;
	s7 =	sshrl.u32 s30, $0x19  }
0xff: {  	s8 =	simm.s32 @!p0 $0x0;
	s31 =	sadd.s32 s7, s29;
	p0 =	por !p6, !p5  }
0x100: {  	s19 =	ssub.s32 s1, s8;
	s1 =	sshra.s32 s31, $0x7;
	p0 =	por !p0, !p0  }
0x101: {  	s1 =	ssub.s32 s1, s19;
	s3 =	simm.s32 @!p0 $0x0  }
0x102: {  	s20 =	ssub.s32 s1, s3  }
0x103: {  	p0 =	slt.s32 s20, $0x1  }
.Ltmp19:
0x104: {  	_ = 	snop;
	(pc) =	sbr.rel @p0 .LBB2_45-.Ltmp19, $1  }
0x105: {  	_ =	sdelay $0x3  }
0x106: {  	s1 =	smin.u32 s20, $0x4  }
0x107: {  	s8 =	ssub.s32 $0x0, s1  }
0x108: {  	s14 =	sadd.s32 $0x1, s8  }
0x109: {  	p1 =	seq.s32 s14, $0x0  }
.Ltmp20:
0x10a: {  	_ = 	snop;
	(pc) =	sbr.rel @p1 .LBB2_27-.Ltmp20, $4  }
0x10b: {  	_ = 	snop  }
0x10c: {  	s9 =	sshll.u32 s19, $0x4  }
0x10d: {  	s7 =	simm.s32 $0x1;
	s3 =	simm.s32 $0x8298;
	p0 =	por $0x0, $0x0  }
0x10e: {  	s1 =	simm.s32 $0x98;
	s8 =	sand.u32 $0x1FFFFFF0, s9;
	s9 =	sadd.s32 $0x10, s9  }
0x10f: {  	s21 =	sadd.s32 $0x1, s14  }
0x110: {  	p1 =	seq.s32 s21, $0x0  }
.Ltmp21:
0x111: {  	s8 =	sadd.s32 s2, s8;
	(pc) =	sbr.rel @p1 .LBB2_29-.Ltmp21, $4  }
0x112: {  	[tilespmem:s1], [sflag:$0x5] =	stream.linear.gather [hbm4b:s8+s4], $0x80, $0x38;
	[tilespmem:$0xF298] =	vst v63  }
0x113: {  	s14 =	simm.s32 $0x118;
	s15 =	simm.s32 $0x9298;
	_ =	swait.ge [sflag:s12], $0x80  }
0x114: {  	s23 =	sadd.s32 $0x10, s9;
	s22 =	simm.s32 $0x2;
	[sflag:s12] =	ssyncset.done $0x0  }
0x115: {  	p0 =	por $0x1, $0x1;
	s8 =	sand.u32 $0x1FFFFFF0, s9;
	[sflag:s12] =	ssyncadd.s32 $0xFFFFFF80  }
.LBB2_30:
0x116: {  	[tilespmem:s3], [sflag:s7] =	stream.indirect.gather [hbm4b:s6+s13], $0x20, s1, s13, $0xb8;
	[tilespmem:$0xF298] =	vst v63  }
0x117: {  	s1 =	smov.u32 s14;
	s21 =	sadd.s32 $0x1, s21  }
0x118: {  	s3 =	smov.u32 s15;
	s7 =	smov.u32 s22;
	p1 =	seq.s32 s21, $0x0  }
.Ltmp22:
0x119: {  	s9 =	sadd.s32 s2, s8;
	s8 =	sand.u32 $0x1FFFFFF0, s23;
	(pc) =	sbr.rel @!p1 .LBB2_30-.Ltmp22, $4  }
0x11a: {  	[tilespmem:s14], [sflag:$0x5] =	stream.linear.gather [hbm4b:s9+s4], $0x80, $0x38;
	[tilespmem:$0xF298] =	vst v63  }
0x11b: {  	s14 =	sadd.s32 $0x80, s14;
	_ =	swait.ge [sflag:s12], $0x80  }
0x11c: {  	s15 =	sadd.s32 $0x1000, s15;
	[sflag:s12] =	ssyncset.done $0x0  }
0x11d: {  	s23 =	sadd.s32 $0x10, s23;
	s22 =	sadd.s32 $0x1, s22;
	[sflag:s12] =	ssyncadd.s32 $0xFFFFFF80  }
0x11e: {  	s9 =	smov.u32 s3;
	s21 =	smov.u32 s7;
	s23 =	smov.u32 s1  }
0x11f: {  	s1 =	smov.u32 s14;
	s3 =	smov.u32 s15;
	s7 =	smov.u32 s22  }
.LBB2_32:
0x120: {  	[tilespmem:s9], [sflag:s21] =	stream.indirect.gather @p0 [hbm4b:s6+s13], $0x20, s23, s13, $0xb8;
	[tilespmem:$0xF298] =	vst v63  }
0x121: {  	s8 =	sadd.s32 s2, s8  }
0x122: {  	[tilespmem:s1], [sflag:$0x5] =	stream.linear.gather [hbm4b:s8+s4], $0x80, $0x38;
	[tilespmem:$0xF298] =	vst v63  }
.Ltmp23:
0x123: {  	_ = 	snop;
	(pc) =	sbr.rel .LBB2_33-.Ltmp23, $4  }
0x124: {  	s21 =	sadd.s32 $0xFFFFFFFC, s20;
	_ =	swait.ge [sflag:s12], $0x80  }
0x125: {  	s22 =	sshll.u32 s19, $0x7;
	s24 =	simm.s32 $0x0;
	[sflag:s12] =	ssyncset.done $0x0  }
0x126: {  	s25 =	simm.s32 $0x0;
	s23 =	ssub.s32 $0x0, s22;
	[sflag:s12] =	ssyncadd.s32 $0xFFFFFF80  }
0x127: {  	[tilespmem:s3], [sflag:s7] =	stream.indirect.gather [hbm4b:s6+s13], $0x20, s1, s13, $0xb8;
	[tilespmem:$0xF298] =	vst v63  }
.LBB2_44:
0x128: {  	p0 =	sge.s32 s25, s21  }
0x129: {  	s1 =	sadd.s32 @!p0 $0x200, s29  }
0x12a: {  	s3 =	sshll.u32 @!p0 s28, $0x7;
	s1 =	sshrl.u32 @!p0 s1, $0x3  }
0x12b: {  	s7 =	simm.s32 @!p0 $0x0;
	s3 =	sadd.s32 @!p0 $0x98, s3;
	s1 =	sadd.s32 @!p0 s2, s1  }
0x12c: {  	[tilespmem:s3], [sflag:$0x5] =	stream.linear.gather @!p0 [hbm4b:s1+s7], $0x80, $0x38;
	[tilespmem:$0xF298] =	vst v63  }
0x12d: {  	s1 =	simm.s32 @!p0 $0x5  }
0x12e: {  	_ =	swait.ge @!p0 [sflag:s1], $0x80  }
0x12f: {  	s31 =	sshll.u32 s28, $0xC;
	s25 =	sadd.s32 $0x1, s25;
	[sflag:s1] =	ssyncset.done @!p0 $0x0  }
0x130: {  	s7 =	sor.u32 $0x8298, s31;
	[sflag:s1] =	ssyncadd.s32 @!p0 $0xFFFFFF80;
	s1 =	simm.s32 @!p0 $0x80  }
0x131: {  	[tilespmem:s7], [sflag:s26] =	stream.indirect.gather @!p0 [hbm4b:s6+s1], $0x20, s3, s1, $0xb8;
	[tilespmem:$0xF298] =	vst v63  }
0x132: {  	p0 =	sne.s32 s25, s20  }
.Ltmp24:
0x133: {  	_ = 	snop;
	(pc) =	sbr.rel @!p0 .LBB2_45-.Ltmp24, $2  }
0x134: {  	_ =	sdelay $0x2  }
0x135: {  	s24 =	sadd.s32 $0x1, s24;
	s23 =	sadd.s32 $0xFFFFFF80, s23;
	s22 =	sadd.s32 $0x80, s22  }
.LBB2_33:
0x136: {  	s28 =	sand.u32 $0x3, s25  }
0x137: {  	s1 =	sadd.s32 s19, s25;
	s3 =	sand.u32 $0x3, s24;
	s30 =	smov.u32 s17  }
0x138: {  	s8 =	simm.s32 $0x81;
	s7 =	simm.s32 $0x7;
	s26 =	sadd.s32 $0x1, s28  }
0x139: {  	s29 =	sshll.u32 s1, $0x7;
	s31 =	sshll.u32 s3, $0xE;
	_ =	swait.ge [sflag:s26], $0x1000  }
0x13a: {  	s3 =	simm.s32 $0x81;
	p0 =	sgt.s32 s29, s17;
	[sflag:s26] =	ssyncset.done $0x0  }
0x13b: {  	s1 =	simm.s32 $0x0;
	s30 =	smov.u32 @p0 s29;
	[sflag:s26] =	ssyncadd.s32 $0xFFFFF000  }
.LBB2_34:
0x13c: {  	p0 =	sne.s32 s7, $0x1;
	p1 =	slt.s32 s8, $0x1;
	s9 =	sand.u32 $0x1, s8  }
0x13d: {  	s10 =	sshrl.u32 s8, $0x1F;
	p2 =	seq.s32 s9, $0x1  }
0x13e: {  	s8 =	sadd.s32 s10, s8;
	p1 =	por !p1, !p2  }
0x13f: {  	s9 =	simm.s32 $0x1;
	s8 =	sshra.s32 s8, $0x1;
	p1 =	por !p1, !p1  }
0x140: {  	s9 =	simm.s32 @!p1 $0x0  }
0x141: {  	s8 =	ssub.s32 s8, s9  }
0x142: {  	p1 =	slt.s32 s8, $0x80  }
0x143: {  	s8 =	simm.s32 @!p1 $0x80  }
0x144: {  	v1 =	vld [tilespmem:s8+$0x0];
	s9 =	sadd.s32 $0x1, s8;
	_ =	sdelay $0x4  }
0x145: {  	(v2sf) =	vpush v1, $0x0;
	_ =	sdelay $0xe  }
.Ltmp25:
0x146: {  	s10 =	spop (v2sf);
	(pc) =	sbr.rel @p0 .LBB2_34-.Ltmp25, $4  }
0x147: {  	p1 =	sle.s32 s10, s30;
	s10 =	smov.u32 s1  }
0x148: {  	p2 =	slt.s32 s1, s3;
	s10 =	smov.u32 @p1 s9;
	s8 =	smov.u32 @p1 s3  }
0x149: {  	s1 =	smov.u32 @p2 s10;
	s3 =	smov.u32 @p2 s8  }
0x14a: {  	s7 =	sadd.s32 $0xFFFFFFFF, s7;
	s8 =	sadd.s32 s1, s3  }
0x14b: {  	s7 =	sand.u32 $0x1, s8  }
0x14c: {  	p0 =	slt.s32 s8, $0x1;
	p1 =	seq.s32 s7, $0x1  }
0x14d: {  	s14 =	sshrl.u32 s8, $0x1F;
	p0 =	por !p0, !p1  }
0x14e: {  	s7 =	sadd.s32 s14, s8;
	s8 =	simm.s32 $0x1;
	p0 =	por !p0, !p0  }
0x14f: {  	s7 =	sshra.s32 s7, $0x1;
	s8 =	simm.s32 @!p0 $0x0  }
0x150: {  	s7 =	ssub.s32 s7, s8  }
0x151: {  	p0 =	slt.s32 s7, $0x80  }
0x152: {  	s7 =	simm.s32 @!p0 $0x80  }
0x153: {  	v1 =	vld [tilespmem:s7+$0x0];
	_ =	sdelay $0x4  }
0x154: {  	(v2sf) =	vpush v1, $0x0;
	_ =	sdelay $0xd  }
0x155: {  	s9 =	sadd.s32 $0x80, s29  }
0x156: {  	s14 =	simm.s32 $0x0;
	p1 =	slt.s32 s1, s3;
	s15 =	spop (v2sf)  }
0x157: {  	s8 =	smov.u32 s1;
	s7 =	sadd.s32 $0x1, s7;
	p0 =	sle.s32 s15, s30  }
0x158: {  	s3 =	smov.u32 s18;
	s8 =	smov.u32 @p0 s7;
	p0 =	slt.s32 s9, s18  }
0x159: {  	s7 =	simm.s32 $0x81;
	s1 =	smov.u32 @p1 s8;
	s3 =	smov.u32 @p0 s9  }
0x15a: {  	s9 =	simm.s32 $0x81;
	s8 =	simm.s32 $0x7;
	s15 =	sadd.s32 $0xFFFFFFFF, s3  }
.LBB2_36:
0x15b: {  	p0 =	seq.s32 s8, $0x1;
	p1 =	slt.s32 s9, $0x1;
	s10 =	sand.u32 $0x1, s9  }
0x15c: {  	s11 =	sshrl.u32 s9, $0x1F;
	p2 =	seq.s32 s10, $0x1  }
0x15d: {  	s9 =	sadd.s32 s11, s9;
	p1 =	por !p1, !p2  }
0x15e: {  	s10 =	simm.s32 $0x1;
	s9 =	sshra.s32 s9, $0x1;
	p1 =	por !p1, !p1  }
0x15f: {  	s10 =	simm.s32 @!p1 $0x0  }
0x160: {  	s9 =	ssub.s32 s9, s10  }
0x161: {  	p1 =	slt.s32 s9, $0x80  }
0x162: {  	s9 =	simm.s32 @!p1 $0x80  }
0x163: {  	v1 =	vld [tilespmem:s9+$0x0];
	s10 =	sadd.s32 $0x1, s9;
	_ =	sdelay $0x4  }
0x164: {  	(v2sf) =	vpush v1, $0x0;
	_ =	sdelay $0xe  }
.Ltmp26:
0x165: {  	s11 =	spop (v2sf);
	(pc) =	sbr.rel @!p0 .LBB2_36-.Ltmp26, $4  }
0x166: {  	p1 =	sle.s32 s11, s15;
	s11 =	smov.u32 s14  }
0x167: {  	p2 =	slt.s32 s14, s7;
	s11 =	smov.u32 @p1 s10;
	s9 =	smov.u32 @p1 s7  }
0x168: {  	s14 =	smov.u32 @p2 s11;
	s7 =	smov.u32 @p2 s9  }
0x169: {  	s8 =	sadd.s32 $0xFFFFFFFF, s8;
	s9 =	sadd.s32 s14, s7  }
0x16a: {  	s8 =	sand.u32 $0x1, s9  }
0x16b: {  	p0 =	slt.s32 s9, $0x1;
	p1 =	seq.s32 s8, $0x1  }
0x16c: {  	s10 =	sshrl.u32 s9, $0x1F;
	p0 =	por !p0, !p1  }
0x16d: {  	s8 =	sadd.s32 s10, s9;
	s9 =	simm.s32 $0x1;
	p0 =	por !p0, !p0  }
0x16e: {  	s8 =	sshra.s32 s8, $0x1;
	s9 =	simm.s32 @!p0 $0x0  }
0x16f: {  	s8 =	ssub.s32 s8, s9  }
0x170: {  	p0 =	slt.s32 s8, $0x80  }
0x171: {  	s8 =	simm.s32 @!p0 $0x80  }
0x172: {  	v1 =	vld [tilespmem:s8+$0x0];
	_ =	sdelay $0x4  }
0x173: {  	(v2sf) =	vpush v1, $0x0;
	_ =	sdelay $0xe  }
0x174: {  	s11 =	spop (v2sf)  }
0x175: {  	s9 =	smov.u32 s14;
	s8 =	sadd.s32 $0x1, s8;
	p0 =	sle.s32 s11, s15  }
0x176: {  	p1 =	slt.s32 s14, s7;
	s9 =	smov.u32 @p0 s8  }
0x177: {  	s14 =	smov.u32 @p1 s9  }
0x178: {  	p0 =	sgt.s32 s1, s14  }
.Ltmp27:
0x179: {  	_ = 	snop;
	(pc) =	sbr.rel @p0 .LBB2_44-.Ltmp27, $1  }
0x17a: {  	_ =	sdelay $0x3  }
.Ltmp28:
0x17b: {  	(pc) =	sbr.rel .LBB2_39-.Ltmp28, $3  }
0x17c: {  	_ =	sdelay $0x1  }
0x17d: {  	s8 =	sshrl.u32 s31, $0x2  }
0x17e: {  	s7 =	sadd.s32 $0xFFFFFFFF, s1;
	s1 =	sadd.s32 $0x82A8, s8  }
.LBB2_42:
0x17f: {  	v2 =	vadd.f32 v3, v2  }
.LBB2_43:
0x180: {  	s8 =	sshll.u32 s7, $0x7  }
0x181: {  	s8 =	sshra.s32 s8, $0x2  }
0x182: {  	v3 =	vld [tilespmem:s8+$0xE298]  }
0x183: {  	v4 =	vld [tilespmem:s8+$0xE2A8]  }
0x184: {  	s7 =	sadd.s32 $0x1, s7  }
0x185: {  	p0 =	sne.s32 s7, s14  }
.Ltmp29:
0x186: {  	_ = 	snop;
	(pc) =	sbr.rel @!p0 .LBB2_44-.Ltmp29, $4  }
0x187: {  	v1 =	vadd.f32 v3, v1  }
0x188: {  	v2 =	vadd.f32 v4, v2  }
0x189: {  	[tilespmem:s8+$0xE298] =	vst v1  }
0x18a: {  	[tilespmem:s8+$0xE2A8] =	vst v2  }
.LBB2_39:
0x18b: {  	v1 =	vld [tilespmem:s7+$0x0]  }
0x18c: {  	v2 =	vld [tilespmem:s7+$0x1];
	_ =	sdelay $0x3  }
0x18d: {  	(v2sf) =	vpush v1, $0x0  }
0x18e: {  	(v2sf) =	vpush v2, $0x0;
	_ =	sdelay $0xd  }
0x18f: {  	s15 =	spop (v2sf)  }
0x190: {  	s9 =	smov.u32 s30;
	s8 =	spop (v2sf)  }
0x191: {  	s10 =	smov.u32 s3;
	p0 =	sgt.s32 s15, s30;
	p1 =	slt.s32 s8, s3  }
0x192: {  	s9 =	smov.u32 @p0 s15;
	s10 =	smov.u32 @p1 s8  }
0x193: {  	s9 =	ssub.s32 s9, s29;
	s8 =	ssub.s32 s10, s29  }
0x194: {  	p0 =	sge.s32 s9, s8  }
.Ltmp30:
0x195: {  	_ = 	snop;
	(pc) =	sbr.rel @p0 .LBB2_43-.Ltmp30, $2  }
0x196: {  	_ =	sdelay $0x2  }
0x197: {  	v1 =	vimm.f32 $0.0e+00;
	v2 =	vimm.f32 $0.0e+00  }
0x198: {  	p0 =	sgt.s32 s15, s17;
	s10 =	smov.u32 s17  }
0x199: {  	s10 =	smov.u32 @p0 s15  }
0x19a: {  	s11 =	smov.u32 s22;
	p0 =	sgt.s32 s10, s22  }
0x19b: {  	s11 =	smov.u32 @p0 s10  }
0x19c: {  	s10 =	sadd.s32 s11, s23  }
0x19d: {  	s10 =	sshll.u32 s10, $0x7  }
0x19e: {  	s10 =	sshra.s32 s10, $0x2  }
0x19f: {  	s15 =	sadd.s32 $0x1, s9;
	s10 =	sadd.s32 s10, s1  }
0x1a0: {  	p0 =	slt.s32 s15, s8;
	v1 =	vld [tilespmem:s10+$0xFFFFFFF0]  }
.Ltmp31:
0x1a1: {  	v3 =	vld [tilespmem:s10+$0x0];
	(pc) =	sbr.rel @!p0 .LBB2_42-.Ltmp31, $3  }
0x1a2: {  	_ =	sdelay $0x1  }
0x1a3: {  	v2 =	vimm.f32 $0.0e+00  }
0x1a4: {  	s9 =	sadd.s32 $0x20, s10;
	v1 =	vadd.f32 v1, v2  }
.LBB2_41:
0x1a5: {  	s15 =	sadd.s32 $0x1, s15  }
0x1a6: {  	v4 =	vld [tilespmem:s9+$0xFFFFFFF0];
	v2 =	vadd.f32 v3, v2;
	p0 =	slt.s32 s15, s8  }
.Ltmp32:
0x1a7: {  	v3 =	vld [tilespmem:s9+$0x0];
	(pc) =	sbr.rel @p0 .LBB2_41-.Ltmp32, $2  }
0x1a8: {  	_ =	sdelay $0x2  }
0x1a9: {  	s9 =	sadd.s32 $0x20, s9;
	v1 =	vadd.f32 v4, v1  }
.Ltmp33:
0x1aa: {  	_ = 	snop;
	(pc) =	sbr.rel .LBB2_42-.Ltmp33, $1  }
0x1ab: {  	_ =	sdelay $0x3  }
.LBB2_5:
.Ltmp34:
0x1ac: {  	(pc) =	sbr.rel .LBB2_10-.Ltmp34, $2  }
0x1ad: {  	_ =	sdelay $0x2  }
0x1ae: {  	_ = 	snop  }
.LBB2_27:
.Ltmp35:
0x1af: {  	(pc) =	sbr.rel .LBB2_32-.Ltmp35, $2  }
0x1b0: {  	_ =	sdelay $0x2  }
0x1b1: {  	_ = 	snop  }
.LBB2_7:
.Ltmp36:
0x1b2: {  	(pc) =	sbr.rel .LBB2_10-.Ltmp36, $3  }
0x1b3: {  	_ =	sdelay $0x1  }
0x1b4: {  	s9 =	simm.s32 $0x298;
	s21 =	simm.s32 $0x1;
	s23 =	simm.s32 $0x98  }
0x1b5: {  	s1 =	simm.s32 $0x118;
	s7 =	simm.s32 $0x2298;
	s14 =	simm.s32 $0x2  }
.LBB2_29:
.Ltmp37:
0x1b6: {  	(pc) =	sbr.rel .LBB2_32-.Ltmp37, $3  }
0x1b7: {  	_ =	sdelay $0x1  }
0x1b8: {  	s9 =	simm.s32 $0x8298;
	s21 =	simm.s32 $0x1;
	s23 =	simm.s32 $0x98  }
0x1b9: {  	s1 =	simm.s32 $0x118;
	s3 =	simm.s32 $0x9298;
	s7 =	simm.s32 $0x2  }
.LBB2_46:
0x1ba: {  	_ =	sfence.sel $0x180000  }
0x1bb: {  	[bflag:$0x0] =	sbarrier.arrive $0xFFFF  }
0x1bc: {  	_ =	strace $0x90000047  }
0x1bd: {  	s0 =	stileid.u32;
	[bflag:$0x2] =	sbarrier.arrive $0xFFFF  }
0x1be: {  	p0 =	sne.s32 s0, $0x0;
	s0 =	rddreg [dreg:$0x5]  }
0x1bf: {  	s0 =	sadd.s32 @!p0 $0x100000, s0  }
0x1c0: {  	[sflag:s0] =	ssyncadd.tile.s32 @!p0 $0x1;
	_ =	shalt  }
.Lfunc_end2:
_tile_overlayer_lowered:
.L_overlay_start_2:
0x1c1: {  	(tag) =	ssettag $0x2  }
0x1c2: {  	s0 =	rddreg [dreg:$0x0];
	s2 =	stileid.u32  }
0x1c3: {  	s1 =	rddreg [dreg:$0x1];
	p0 =	sne.s32 s2, $0x0  }
0x1c4: {  	s3 =	rddreg [dreg:$0x2];
	[bflag:$0x3] =	sbarrier.arrive $0xFFFF;
	s2 =	simm.s32 @!p0 $0x1C05  }
0x1c5: {  	[timem:s3], [sflag:s2] =	dma.local @!p0 [hbm:s0], s1  }
0x1c6: {  	s0 =	simm.s32 @!p0 $0x5  }
0x1c7: {  	_ =	swait.ge @!p0 [sflag:s0], s1  }
0x1c8: {  	s1 =	ssub.s32 @!p0 $0x0, s1;
	[sflag:s0] =	ssyncset.done @!p0 $0x0  }
0x1c9: {  	[sflag:s0] =	ssyncadd.s32 @!p0 s1  }
0x1ca: {  	[bflag:$0x3] =	sbarrier.arrive $0xFFFF  }
0x1cb: {  	_ =	shalt  }

</sc_bundles>
